<compile_context>
chip_gen: v7x
topology: tpu7x:2x2x1
jax: 0.10.2.dev20260603
libtpu: 0.0.44.dev20260713+nightly
codegen_flags: <defaults>
</compile_context>

<pallas_src>
import functools

import jax
import jax.numpy as jnp
from jax import lax
from jax.experimental import pallas as pl
from jax.experimental.pallas import tpu as pltpu
from jax.experimental.pallas import tpu_sc as plsc

B = 16384
L = 50
D = 50
DT = 64
DP = 56
LANES = 16

_info = plsc.get_sparse_core_info()
NC, NS = _info.num_cores, _info.num_subcores
NW = NC * NS
SPW = B // NW
C = 16
NCHUNK = SPW // C
RPC = C * L
GB = 80
NGB = RPC // GB
NIDX = NCHUNK * NGB

_mesh = plsc.VectorSubcoreMesh(core_axis_name="c", subcore_axis_name="s")


@functools.partial(
    pl.kernel,
    out_type=jax.ShapeDtypeStruct((B, DP), jnp.float32),
    mesh=_mesh,
    scratch_types=[
        pltpu.VMEM((NIDX, GB), jnp.int32),
        pltpu.VMEM((RPC, DT), jnp.bfloat16),
        pltpu.VMEM((RPC, DT), jnp.bfloat16),
        pltpu.VMEM((C, DP), jnp.float32),
        pltpu.SemaphoreType.DMA,
        pltpu.SemaphoreType.DMA,
    ],
    compiler_params=pltpu.CompilerParams(
        use_tc_tiling_on_sc=False, needs_layout_passes=False
    ),
)
def _gram_mean(idx_hbm, table_hbm, out_hbm, idx_v, rows0, rows1, out_v,
               sem0, sem1):
    wid = lax.axis_index("s") * NC + lax.axis_index("c")
    scale = jnp.float32(1.0 / L)

    pltpu.sync_copy(idx_hbm.at[pl.ds(wid * NIDX, NIDX)], idx_v)

    def fire(c, buf, sem):
        for k in range(NGB):
            pltpu.async_copy(
                table_hbm.at[idx_v.at[c * NGB + k]],
                buf.at[pl.ds(k * GB, GB)],
                sem,
            )

    def drain(buf, sem):
        pltpu.make_async_copy(table_hbm.at[pl.ds(0, RPC)], buf, sem).wait()

    fire(0, rows0, sem0)

    iota = lax.iota(jnp.int32, LANES)
    col_e0 = 2 * iota
    col_o0 = col_e0 + 1
    col_e1 = col_e0 + 32
    col_o1 = col_o0 + 32
    msk1 = col_e1 < DP
    msk1o = col_o1 < DP

    @pl.loop(0, NCHUNK, step=2)
    def _pair(c0):
        for b in range(2):
            c = c0 + b
            cur, csem = (rows0, sem0) if b == 0 else (rows1, sem1)
            nxt, nsem = (rows1, sem1) if b == 0 else (rows0, sem0)

            @pl.when(c + 1 < NCHUNK)
            def _():
                fire(c + 1, nxt, nsem)

            drain(cur, csem)

            @pl.loop(0, C)
            def _sample(s):
                base = s * L
                z = jnp.zeros((LANES,), jnp.float32)
                e0 = o0 = e1 = o1 = z
                for r in range(L):
                    v0 = cur[base + r, pl.ds(0, 2 * LANES)]
                    v1 = cur[base + r, pl.ds(32, 2 * LANES)]
                    a, bb = plsc.unpack(v0, format=plsc.PackFormat.INTERLEAVED)
                    d, e = plsc.unpack(v1, format=plsc.PackFormat.INTERLEAVED)
                    e0 = e0 + a
                    o0 = o0 + bb
                    e1 = e1 + d
                    o1 = o1 + e
                row = jnp.full((LANES,), s, jnp.int32)
                plsc.store_scatter(out_v, [row, col_e0], e0 * scale)
                plsc.store_scatter(out_v, [row, col_o0], o0 * scale)
                plsc.store_scatter(out_v, [row, col_e1], e1 * scale, mask=msk1)
                plsc.store_scatter(out_v, [row, col_o1], o1 * scale, mask=msk1o)

            pltpu.sync_copy(out_v, out_hbm.at[pl.ds(wid * SPW + c * C, C)])


def kernel(icdcode, embed_table):
    idx_2d = icdcode.reshape(B * L // GB, GB).astype(jnp.int32)
    table_p = jnp.pad(embed_table.astype(jnp.bfloat16), ((0, 0), (0, DT - D)))
    return _gram_mean(idx_2d, table_p)[:, :D]

# --- scband reference (transcript-rebuilt; emitter-appended) ---
"""Pipeline reference for scband-disease-encoder-5712306504223 (READ-ONLY COPY).

The authoritative reference and input builder live on the scoring server;
editing this copy changes nothing except your own understanding.
"""

import jax, jax.numpy as jnp
import numpy as np

VOCAB = 100000
EMBED_DIM = 50
BATCH = 16384
CODE_LEN = 50


def setup_inputs(seed: int = 0) -> dict:
    key = jax.random.key(seed)
    k1, k2 = jax.random.split(key)
    # icdcode: batch of code-index lists (padded to fixed length)
    icdcode = jax.random.randint(k1, (BATCH, CODE_LEN), 0, VOCAB)
    # learned GRAM embedding table (embedding_dim=50 fixed in module)
    embed_table = jax.random.normal(k2, (VOCAB, EMBED_DIM), dtype=jnp.float32) * 0.02
    return {"icdcode": icdcode, "embed_table": embed_table}


def reference(icdcode, embed_table):
    # GRAM.forward_code_lst2: embed each ICD code then mean-pool over the
    # codes of each sample to get one disease embedding per sample.
    emb = jnp.take(embed_table, icdcode, axis=0)  # [B, L, D] gather
    res = jnp.mean(emb, axis=1)                   # [B, D]
    return res

if __name__ == "__main__":
    import jax
    _d = setup_inputs()
    print(jax.jit(kernel)(*tuple(_d.values())))

</pallas_src>

<mosaic_0001>
#map = affine_map<(d0, d1) -> (0, 0)>
module attributes {stable_mosaic.version = 14 : i64} {
  func.func @_gram_mean(%arg0: i32, %arg1: i32, %arg2: memref<10240x80xi32, #tpu.memory_space<hbm>>, %arg3: memref<100000x64xbf16, #tpu.memory_space<hbm>>, %arg4: memref<16384x56xf32, #tpu.memory_space<hbm>>, %arg5: memref<320x80xi32, #tpu.memory_space<vmem>>, %arg6: memref<800x64xbf16, #tpu.memory_space<vmem>>, %arg7: memref<800x64xbf16, #tpu.memory_space<vmem>>, %arg8: memref<16x56xf32, #tpu.memory_space<vmem>>, %arg9: memref<!tpu.dma_semaphore, #tpu.memory_space<semaphore_mem>>, %arg10: memref<!tpu.dma_semaphore, #tpu.memory_space<semaphore_mem>>) attributes {dimension_semantics = [#tpu.dimension_semantics<core_parallel>, #tpu.dimension_semantics<subcore_parallel>], iteration_bounds = array<i64: 2, 16>, scalar_prefetch = 0 : i64, scratch_operands = 6 : i64, tpu.core_type = #tpu.core_type<sc_vector_subcore>, window_params = [{transform_indices = #map}, {transform_indices = #map}, {transform_indices = #map}]} {
    %mul3A = arith.constant 2 : i32
    %mul3A_0 = arith.muli %arg1, %mul3A : i32
    %add3A = arith.addi %mul3A_0, %arg0 : i32
    %mul3A_1 = arith.constant 320 : i32
    %mul3A_2 = arith.muli %add3A, %mul3A_1 : i32
    "tpu.region"() ({
      %run_scoped3A = tpu.sem_alloc : memref<!tpu.dma_semaphore, #tpu.memory_space<semaphore_mem>>
      %dma_start3A_124 = arith.constant 0 : i32
      %dma_start3A_125 = tpu.memref_slice %arg2[%mul3A_2, %dma_start3A_124] : memref<10240x80xi32, #tpu.memory_space<hbm>> -> memref<320x80xi32, #tpu.memory_space<hbm>>
      %dma_start3A_126 = arith.constant 0 : i32
      %dma_start3A_127 = tpu.memref_slice %arg2[%mul3A_2, %dma_start3A_126] : memref<10240x80xi32, #tpu.memory_space<hbm>> -> memref<320x80xi32, #tpu.memory_space<hbm>>
      tpu.enqueue_dma source(%dma_start3A_127 : memref<320x80xi32, #tpu.memory_space<hbm>>) target(%arg5 : memref<320x80xi32, #tpu.memory_space<vmem>>) target_semaphore(%run_scoped3A : memref<!tpu.dma_semaphore, #tpu.memory_space<semaphore_mem>>)
      %dma_wait3A = arith.constant 0 : i32
      %dma_wait3A_128 = tpu.memref_slice %arg2[%mul3A_2, %dma_wait3A] : memref<10240x80xi32, #tpu.memory_space<hbm>> -> memref<320x80xi32, #tpu.memory_space<hbm>>
      %dma_wait3A_129 = arith.constant 0 : i32
      %dma_wait3A_130 = tpu.memref_slice %arg2[%mul3A_2, %dma_wait3A_129] : memref<10240x80xi32, #tpu.memory_space<hbm>> -> memref<320x80xi32, #tpu.memory_space<hbm>>
      tpu.wait_dma2 semaphore(%run_scoped3A : memref<!tpu.dma_semaphore, #tpu.memory_space<semaphore_mem>>) src(%dma_wait3A_130 : memref<320x80xi32, #tpu.memory_space<hbm>>) dst(%arg5 : memref<320x80xi32, #tpu.memory_space<vmem>>)
      tpu.yield
    }) : () -> ()
    %dma_start3A = arith.constant 0 : i32
    %dma_start3A_3 = arith.constant 0 : i32
    %dma_start3A_4 = arith.constant 0 : i32
    %dma_start3A_5 = tpu.memref_slice %arg6[%dma_start3A_3, %dma_start3A_4] : memref<800x64xbf16, #tpu.memory_space<vmem>> -> memref<80x64xbf16, #tpu.memory_space<vmem>>
    %dma_start3A_6 = arith.constant 0 : i32
    %dma_start3A_7 = tpu.memref_slice %arg5[%dma_start3A, %dma_start3A_6] : memref<320x80xi32, #tpu.memory_space<vmem>> -> memref<1x80xi32, #tpu.memory_space<vmem>>
    %dma_start3A_8 = tpu.memref_squeeze %dma_start3A_7 : memref<1x80xi32, #tpu.memory_space<vmem>> -> memref<80xi32, #tpu.memory_space<vmem>>
    %dma_start3A_9 = arith.constant 0 : i32
    %dma_start3A_10 = arith.constant 0 : i32
    %dma_start3A_11 = tpu.memref_slice %arg3[%dma_start3A_9, %dma_start3A_10] : memref<100000x64xbf16, #tpu.memory_space<hbm>> -> memref<100000x64xbf16, #tpu.memory_space<hbm>>
    tpu.enqueue_indirect_dma source(%dma_start3A_11 : memref<100000x64xbf16, #tpu.memory_space<hbm>>) target(%dma_start3A_5 : memref<80x64xbf16, #tpu.memory_space<vmem>>) offsets(%dma_start3A_8 : memref<80xi32, #tpu.memory_space<vmem>>) semaphore(%arg9 : memref<!tpu.dma_semaphore, #tpu.memory_space<semaphore_mem>>)
    %dma_start3A_12 = arith.constant 1 : i32
    %dma_start3A_13 = arith.constant 80 : i32
    %dma_start3A_14 = arith.constant 0 : i32
    %dma_start3A_15 = tpu.memref_slice %arg6[%dma_start3A_13, %dma_start3A_14] : memref<800x64xbf16, #tpu.memory_space<vmem>> -> memref<80x64xbf16, #tpu.memory_space<vmem>>
    %dma_start3A_16 = arith.constant 0 : i32
    %dma_start3A_17 = tpu.memref_slice %arg5[%dma_start3A_12, %dma_start3A_16] : memref<320x80xi32, #tpu.memory_space<vmem>> -> memref<1x80xi32, #tpu.memory_space<vmem>>
    %dma_start3A_18 = tpu.memref_squeeze %dma_start3A_17 : memref<1x80xi32, #tpu.memory_space<vmem>> -> memref<80xi32, #tpu.memory_space<vmem>>
    %dma_start3A_19 = arith.constant 0 : i32
    %dma_start3A_20 = arith.constant 0 : i32
    %dma_start3A_21 = tpu.memref_slice %arg3[%dma_start3A_19, %dma_start3A_20] : memref<100000x64xbf16, #tpu.memory_space<hbm>> -> memref<100000x64xbf16, #tpu.memory_space<hbm>>
    tpu.enqueue_indirect_dma source(%dma_start3A_21 : memref<100000x64xbf16, #tpu.memory_space<hbm>>) target(%dma_start3A_15 : memref<80x64xbf16, #tpu.memory_space<vmem>>) offsets(%dma_start3A_18 : memref<80xi32, #tpu.memory_space<vmem>>) semaphore(%arg9 : memref<!tpu.dma_semaphore, #tpu.memory_space<semaphore_mem>>)
    %dma_start3A_22 = arith.constant 2 : i32
    %dma_start3A_23 = arith.constant 160 : i32
    %dma_start3A_24 = arith.constant 0 : i32
    %dma_start3A_25 = tpu.memref_slice %arg6[%dma_start3A_23, %dma_start3A_24] : memref<800x64xbf16, #tpu.memory_space<vmem>> -> memref<80x64xbf16, #tpu.memory_space<vmem>>
    %dma_start3A_26 = arith.constant 0 : i32
    %dma_start3A_27 = tpu.memref_slice %arg5[%dma_start3A_22, %dma_start3A_26] : memref<320x80xi32, #tpu.memory_space<vmem>> -> memref<1x80xi32, #tpu.memory_space<vmem>>
    %dma_start3A_28 = tpu.memref_squeeze %dma_start3A_27 : memref<1x80xi32, #tpu.memory_space<vmem>> -> memref<80xi32, #tpu.memory_space<vmem>>
    %dma_start3A_29 = arith.constant 0 : i32
    %dma_start3A_30 = arith.constant 0 : i32
    %dma_start3A_31 = tpu.memref_slice %arg3[%dma_start3A_29, %dma_start3A_30] : memref<100000x64xbf16, #tpu.memory_space<hbm>> -> memref<100000x64xbf16, #tpu.memory_space<hbm>>
    tpu.enqueue_indirect_dma source(%dma_start3A_31 : memref<100000x64xbf16, #tpu.memory_space<hbm>>) target(%dma_start3A_25 : memref<80x64xbf16, #tpu.memory_space<vmem>>) offsets(%dma_start3A_28 : memref<80xi32, #tpu.memory_space<vmem>>) semaphore(%arg9 : memref<!tpu.dma_semaphore, #tpu.memory_space<semaphore_mem>>)
    %dma_start3A_32 = arith.constant 3 : i32
    %dma_start3A_33 = arith.constant 240 : i32
    %dma_start3A_34 = arith.constant 0 : i32
    %dma_start3A_35 = tpu.memref_slice %arg6[%dma_start3A_33, %dma_start3A_34] : memref<800x64xbf16, #tpu.memory_space<vmem>> -> memref<80x64xbf16, #tpu.memory_space<vmem>>
    %dma_start3A_36 = arith.constant 0 : i32
    %dma_start3A_37 = tpu.memref_slice %arg5[%dma_start3A_32, %dma_start3A_36] : memref<320x80xi32, #tpu.memory_space<vmem>> -> memref<1x80xi32, #tpu.memory_space<vmem>>
    %dma_start3A_38 = tpu.memref_squeeze %dma_start3A_37 : memref<1x80xi32, #tpu.memory_space<vmem>> -> memref<80xi32, #tpu.memory_space<vmem>>
    %dma_start3A_39 = arith.constant 0 : i32
    %dma_start3A_40 = arith.constant 0 : i32
    %dma_start3A_41 = tpu.memref_slice %arg3[%dma_start3A_39, %dma_start3A_40] : memref<100000x64xbf16, #tpu.memory_space<hbm>> -> memref<100000x64xbf16, #tpu.memory_space<hbm>>
    tpu.enqueue_indirect_dma source(%dma_start3A_41 : memref<100000x64xbf16, #tpu.memory_space<hbm>>) target(%dma_start3A_35 : memref<80x64xbf16, #tpu.memory_space<vmem>>) offsets(%dma_start3A_38 : memref<80xi32, #tpu.memory_space<vmem>>) semaphore(%arg9 : memref<!tpu.dma_semaphore, #tpu.memory_space<semaphore_mem>>)
    %dma_start3A_42 = arith.constant 4 : i32
    %dma_start3A_43 = arith.constant 320 : i32
    %dma_start3A_44 = arith.constant 0 : i32
    %dma_start3A_45 = tpu.memref_slice %arg6[%dma_start3A_43, %dma_start3A_44] : memref<800x64xbf16, #tpu.memory_space<vmem>> -> memref<80x64xbf16, #tpu.memory_space<vmem>>
    %dma_start3A_46 = arith.constant 0 : i32
    %dma_start3A_47 = tpu.memref_slice %arg5[%dma_start3A_42, %dma_start3A_46] : memref<320x80xi32, #tpu.memory_space<vmem>> -> memref<1x80xi32, #tpu.memory_space<vmem>>
    %dma_start3A_48 = tpu.memref_squeeze %dma_start3A_47 : memref<1x80xi32, #tpu.memory_space<vmem>> -> memref<80xi32, #tpu.memory_space<vmem>>
    %dma_start3A_49 = arith.constant 0 : i32
    %dma_start3A_50 = arith.constant 0 : i32
    %dma_start3A_51 = tpu.memref_slice %arg3[%dma_start3A_49, %dma_start3A_50] : memref<100000x64xbf16, #tpu.memory_space<hbm>> -> memref<100000x64xbf16, #tpu.memory_space<hbm>>
    tpu.enqueue_indirect_dma source(%dma_start3A_51 : memref<100000x64xbf16, #tpu.memory_space<hbm>>) target(%dma_start3A_45 : memref<80x64xbf16, #tpu.memory_space<vmem>>) offsets(%dma_start3A_48 : memref<80xi32, #tpu.memory_space<vmem>>) semaphore(%arg9 : memref<!tpu.dma_semaphore, #tpu.memory_space<semaphore_mem>>)
    %dma_start3A_52 = arith.constant 5 : i32
    %dma_start3A_53 = arith.constant 400 : i32
    %dma_start3A_54 = arith.constant 0 : i32
    %dma_start3A_55 = tpu.memref_slice %arg6[%dma_start3A_53, %dma_start3A_54] : memref<800x64xbf16, #tpu.memory_space<vmem>> -> memref<80x64xbf16, #tpu.memory_space<vmem>>
    %dma_start3A_56 = arith.constant 0 : i32
    %dma_start3A_57 = tpu.memref_slice %arg5[%dma_start3A_52, %dma_start3A_56] : memref<320x80xi32, #tpu.memory_space<vmem>> -> memref<1x80xi32, #tpu.memory_space<vmem>>
    %dma_start3A_58 = tpu.memref_squeeze %dma_start3A_57 : memref<1x80xi32, #tpu.memory_space<vmem>> -> memref<80xi32, #tpu.memory_space<vmem>>
    %dma_start3A_59 = arith.constant 0 : i32
    %dma_start3A_60 = arith.constant 0 : i32
    %dma_start3A_61 = tpu.memref_slice %arg3[%dma_start3A_59, %dma_start3A_60] : memref<100000x64xbf16, #tpu.memory_space<hbm>> -> memref<100000x64xbf16, #tpu.memory_space<hbm>>
    tpu.enqueue_indirect_dma source(%dma_start3A_61 : memref<100000x64xbf16, #tpu.memory_space<hbm>>) target(%dma_start3A_55 : memref<80x64xbf16, #tpu.memory_space<vmem>>) offsets(%dma_start3A_58 : memref<80xi32, #tpu.memory_space<vmem>>) semaphore(%arg9 : memref<!tpu.dma_semaphore, #tpu.memory_space<semaphore_mem>>)
    %dma_start3A_62 = arith.constant 6 : i32
    %dma_start3A_63 = arith.constant 480 : i32
    %dma_start3A_64 = arith.constant 0 : i32
    %dma_start3A_65 = tpu.memref_slice %arg6[%dma_start3A_63, %dma_start3A_64] : memref<800x64xbf16, #tpu.memory_space<vmem>> -> memref<80x64xbf16, #tpu.memory_space<vmem>>
    %dma_start3A_66 = arith.constant 0 : i32
    %dma_start3A_67 = tpu.memref_slice %arg5[%dma_start3A_62, %dma_start3A_66] : memref<320x80xi32, #tpu.memory_space<vmem>> -> memref<1x80xi32, #tpu.memory_space<vmem>>
    %dma_start3A_68 = tpu.memref_squeeze %dma_start3A_67 : memref<1x80xi32, #tpu.memory_space<vmem>> -> memref<80xi32, #tpu.memory_space<vmem>>
    %dma_start3A_69 = arith.constant 0 : i32
    %dma_start3A_70 = arith.constant 0 : i32
    %dma_start3A_71 = tpu.memref_slice %arg3[%dma_start3A_69, %dma_start3A_70] : memref<100000x64xbf16, #tpu.memory_space<hbm>> -> memref<100000x64xbf16, #tpu.memory_space<hbm>>
    tpu.enqueue_indirect_dma source(%dma_start3A_71 : memref<100000x64xbf16, #tpu.memory_space<hbm>>) target(%dma_start3A_65 : memref<80x64xbf16, #tpu.memory_space<vmem>>) offsets(%dma_start3A_68 : memref<80xi32, #tpu.memory_space<vmem>>) semaphore(%arg9 : memref<!tpu.dma_semaphore, #tpu.memory_space<semaphore_mem>>)
    %dma_start3A_72 = arith.constant 7 : i32
    %dma_start3A_73 = arith.constant 560 : i32
    %dma_start3A_74 = arith.constant 0 : i32
    %dma_start3A_75 = tpu.memref_slice %arg6[%dma_start3A_73, %dma_start3A_74] : memref<800x64xbf16, #tpu.memory_space<vmem>> -> memref<80x64xbf16, #tpu.memory_space<vmem>>
    %dma_start3A_76 = arith.constant 0 : i32
    %dma_start3A_77 = tpu.memref_slice %arg5[%dma_start3A_72, %dma_start3A_76] : memref<320x80xi32, #tpu.memory_space<vmem>> -> memref<1x80xi32, #tpu.memory_space<vmem>>
    %dma_start3A_78 = tpu.memref_squeeze %dma_start3A_77 : memref<1x80xi32, #tpu.memory_space<vmem>> -> memref<80xi32, #tpu.memory_space<vmem>>
    %dma_start3A_79 = arith.constant 0 : i32
    %dma_start3A_80 = arith.constant 0 : i32
    %dma_start3A_81 = tpu.memref_slice %arg3[%dma_start3A_79, %dma_start3A_80] : memref<100000x64xbf16, #tpu.memory_space<hbm>> -> memref<100000x64xbf16, #tpu.memory_space<hbm>>
    tpu.enqueue_indirect_dma source(%dma_start3A_81 : memref<100000x64xbf16, #tpu.memory_space<hbm>>) target(%dma_start3A_75 : memref<80x64xbf16, #tpu.memory_space<vmem>>) offsets(%dma_start3A_78 : memref<80xi32, #tpu.memory_space<vmem>>) semaphore(%arg9 : memref<!tpu.dma_semaphore, #tpu.memory_space<semaphore_mem>>)
    %dma_start3A_82 = arith.constant 8 : i32
    %dma_start3A_83 = arith.constant 640 : i32
    %dma_start3A_84 = arith.constant 0 : i32
    %dma_start3A_85 = tpu.memref_slice %arg6[%dma_start3A_83, %dma_start3A_84] : memref<800x64xbf16, #tpu.memory_space<vmem>> -> memref<80x64xbf16, #tpu.memory_space<vmem>>
    %dma_start3A_86 = arith.constant 0 : i32
    %dma_start3A_87 = tpu.memref_slice %arg5[%dma_start3A_82, %dma_start3A_86] : memref<320x80xi32, #tpu.memory_space<vmem>> -> memref<1x80xi32, #tpu.memory_space<vmem>>
    %dma_start3A_88 = tpu.memref_squeeze %dma_start3A_87 : memref<1x80xi32, #tpu.memory_space<vmem>> -> memref<80xi32, #tpu.memory_space<vmem>>
    %dma_start3A_89 = arith.constant 0 : i32
    %dma_start3A_90 = arith.constant 0 : i32
    %dma_start3A_91 = tpu.memref_slice %arg3[%dma_start3A_89, %dma_start3A_90] : memref<100000x64xbf16, #tpu.memory_space<hbm>> -> memref<100000x64xbf16, #tpu.memory_space<hbm>>
    tpu.enqueue_indirect_dma source(%dma_start3A_91 : memref<100000x64xbf16, #tpu.memory_space<hbm>>) target(%dma_start3A_85 : memref<80x64xbf16, #tpu.memory_space<vmem>>) offsets(%dma_start3A_88 : memref<80xi32, #tpu.memory_space<vmem>>) semaphore(%arg9 : memref<!tpu.dma_semaphore, #tpu.memory_space<semaphore_mem>>)
    %dma_start3A_92 = arith.constant 9 : i32
    %dma_start3A_93 = arith.constant 720 : i32
    %dma_start3A_94 = arith.constant 0 : i32
    %dma_start3A_95 = tpu.memref_slice %arg6[%dma_start3A_93, %dma_start3A_94] : memref<800x64xbf16, #tpu.memory_space<vmem>> -> memref<80x64xbf16, #tpu.memory_space<vmem>>
    %dma_start3A_96 = arith.constant 0 : i32
    %dma_start3A_97 = tpu.memref_slice %arg5[%dma_start3A_92, %dma_start3A_96] : memref<320x80xi32, #tpu.memory_space<vmem>> -> memref<1x80xi32, #tpu.memory_space<vmem>>
    %dma_start3A_98 = tpu.memref_squeeze %dma_start3A_97 : memref<1x80xi32, #tpu.memory_space<vmem>> -> memref<80xi32, #tpu.memory_space<vmem>>
    %dma_start3A_99 = arith.constant 0 : i32
    %dma_start3A_100 = arith.constant 0 : i32
    %dma_start3A_101 = tpu.memref_slice %arg3[%dma_start3A_99, %dma_start3A_100] : memref<100000x64xbf16, #tpu.memory_space<hbm>> -> memref<100000x64xbf16, #tpu.memory_space<hbm>>
    tpu.enqueue_indirect_dma source(%dma_start3A_101 : memref<100000x64xbf16, #tpu.memory_space<hbm>>) target(%dma_start3A_95 : memref<80x64xbf16, #tpu.memory_space<vmem>>) offsets(%dma_start3A_98 : memref<80xi32, #tpu.memory_space<vmem>>) semaphore(%arg9 : memref<!tpu.dma_semaphore, #tpu.memory_space<semaphore_mem>>)
    %iota3A = tpu.iota {dimensions = array<i32: 0>} : vector<16xi32>
    %mul3A_102 = arith.constant 2 : i32
    %mul3A_103 = vector.broadcast %mul3A_102 : i32 to vector<16xi32>
    %mul3A_104 = arith.muli %mul3A_103, %iota3A : vector<16xi32>
    %add3A_105 = arith.constant 1 : i32
    %add3A_106 = vector.broadcast %add3A_105 : i32 to vector<16xi32>
    %add3A_107 = arith.addi %mul3A_104, %add3A_106 : vector<16xi32>
    %add3A_108 = arith.constant 32 : i32
    %add3A_109 = vector.broadcast %add3A_108 : i32 to vector<16xi32>
    %add3A_110 = arith.addi %mul3A_104, %add3A_109 : vector<16xi32>
    %add3A_111 = arith.constant 32 : i32
    %add3A_112 = vector.broadcast %add3A_111 : i32 to vector<16xi32>
    %add3A_113 = arith.addi %add3A_107, %add3A_112 : vector<16xi32>
    %lt3A = arith.constant 56 : i32
    %lt3A_114 = vector.broadcast %lt3A : i32 to vector<16xi32>
    %lt3A_115 = arith.cmpi slt, %add3A_110, %lt3A_114 : vector<16xi32>
    %lt3A_116 = arith.constant 56 : i32
    %lt3A_117 = vector.broadcast %lt3A_116 : i32 to vector<16xi32>
    %lt3A_118 = arith.cmpi slt, %add3A_113, %lt3A_117 : vector<16xi32>
    %scan3A = arith.constant 2.000000e-02 : f32
    %scan3A_119 = arith.constant 0 : i32
    %scan3A_120 = arith.constant 16 : i32
    %scan3A_121 = arith.addi %scan3A_119, %scan3A_120 : i32
    %scan3A_122 = arith.constant 1 : i32
    scf.for %scan3A_124 = %scan3A_119 to %scan3A_121 step %scan3A_122  : i32 {
      %mul3A_125 = arith.constant 2 : i32
      %mul3A_126 = arith.muli %scan3A_124, %mul3A_125 : i32
      %add3A_127 = arith.constant 0 : i32
      %add3A_128 = arith.addi %add3A_127, %mul3A_126 : i32
      %add3A_129 = arith.constant 0 : i32
      %add3A_130 = arith.addi %add3A_128, %add3A_129 : i32
      %add3A_131 = arith.constant 1 : i32
      %add3A_132 = arith.addi %add3A_130, %add3A_131 : i32
      %lt3A_133 = arith.constant 32 : i32
      %lt3A_134 = arith.cmpi slt, %add3A_132, %lt3A_133 : i32
      %convert_element_type3A = arith.extui %lt3A_134 : i1 to i32
      %cond3A = arith.constant 0 : i32
      %cond3A_135 = arith.cmpi ne, %convert_element_type3A, %cond3A : i32
      scf.if %cond3A_135 {
        %add3A_176 = arith.constant 1 : i32
        %add3A_177 = arith.addi %add3A_130, %add3A_176 : i32
        %mul3A_178 = arith.constant 10 : i32
        %mul3A_179 = arith.muli %add3A_177, %mul3A_178 : i32
        %add3A_180 = arith.constant 0 : i32
        %add3A_181 = arith.addi %mul3A_179, %add3A_180 : i32
        %dma_start3A_182 = arith.constant 0 : i32
        %dma_start3A_183 = arith.constant 0 : i32
        %dma_start3A_184 = tpu.memref_slice %arg7[%dma_start3A_182, %dma_start3A_183] : memref<800x64xbf16, #tpu.memory_space<vmem>> -> memref<80x64xbf16, #tpu.memory_space<vmem>>
        %dma_start3A_185 = arith.constant 0 : i32
        %dma_start3A_186 = tpu.memref_slice %arg5[%add3A_181, %dma_start3A_185] : memref<320x80xi32, #tpu.memory_space<vmem>> -> memref<1x80xi32, #tpu.memory_space<vmem>>
        %dma_start3A_187 = tpu.memref_squeeze %dma_start3A_186 : memref<1x80xi32, #tpu.memory_space<vmem>> -> memref<80xi32, #tpu.memory_space<vmem>>
        %dma_start3A_188 = arith.constant 0 : i32
        %dma_start3A_189 = arith.constant 0 : i32
        %dma_start3A_190 = tpu.memref_slice %arg3[%dma_start3A_188, %dma_start3A_189] : memref<100000x64xbf16, #tpu.memory_space<hbm>> -> memref<100000x64xbf16, #tpu.memory_space<hbm>>
        tpu.enqueue_indirect_dma source(%dma_start3A_190 : memref<100000x64xbf16, #tpu.memory_space<hbm>>) target(%dma_start3A_184 : memref<80x64xbf16, #tpu.memory_space<vmem>>) offsets(%dma_start3A_187 : memref<80xi32, #tpu.memory_space<vmem>>) semaphore(%arg10 : memref<!tpu.dma_semaphore, #tpu.memory_space<semaphore_mem>>)
        %mul3A_191 = arith.constant 10 : i32
        %mul3A_192 = arith.muli %add3A_177, %mul3A_191 : i32
        %add3A_193 = arith.constant 1 : i32
        %add3A_194 = arith.addi %mul3A_192, %add3A_193 : i32
        %dma_start3A_195 = arith.constant 80 : i32
        %dma_start3A_196 = arith.constant 0 : i32
        %dma_start3A_197 = tpu.memref_slice %arg7[%dma_start3A_195, %dma_start3A_196] : memref<800x64xbf16, #tpu.memory_space<vmem>> -> memref<80x64xbf16, #tpu.memory_space<vmem>>
        %dma_start3A_198 = arith.constant 0 : i32
        %dma_start3A_199 = tpu.memref_slice %arg5[%add3A_194, %dma_start3A_198] : memref<320x80xi32, #tpu.memory_space<vmem>> -> memref<1x80xi32, #tpu.memory_space<vmem>>
        %dma_start3A_200 = tpu.memref_squeeze %dma_start3A_199 : memref<1x80xi32, #tpu.memory_space<vmem>> -> memref<80xi32, #tpu.memory_space<vmem>>
        %dma_start3A_201 = arith.constant 0 : i32
        %dma_start3A_202 = arith.constant 0 : i32
        %dma_start3A_203 = tpu.memref_slice %arg3[%dma_start3A_201, %dma_start3A_202] : memref<100000x64xbf16, #tpu.memory_space<hbm>> -> memref<100000x64xbf16, #tpu.memory_space<hbm>>
        tpu.enqueue_indirect_dma source(%dma_start3A_203 : memref<100000x64xbf16, #tpu.memory_space<hbm>>) target(%dma_start3A_197 : memref<80x64xbf16, #tpu.memory_space<vmem>>) offsets(%dma_start3A_200 : memref<80xi32, #tpu.memory_space<vmem>>) semaphore(%arg10 : memref<!tpu.dma_semaphore, #tpu.memory_space<semaphore_mem>>)
        %mul3A_204 = arith.constant 10 : i32
        %mul3A_205 = arith.muli %add3A_177, %mul3A_204 : i32
        %add3A_206 = arith.constant 2 : i32
        %add3A_207 = arith.addi %mul3A_205, %add3A_206 : i32
        %dma_start3A_208 = arith.constant 160 : i32
        %dma_start3A_209 = arith.constant 0 : i32
        %dma_start3A_210 = tpu.memref_slice %arg7[%dma_start3A_208, %dma_start3A_209] : memref<800x64xbf16, #tpu.memory_space<vmem>> -> memref<80x64xbf16, #tpu.memory_space<vmem>>
        %dma_start3A_211 = arith.constant 0 : i32
        %dma_start3A_212 = tpu.memref_slice %arg5[%add3A_207, %dma_start3A_211] : memref<320x80xi32, #tpu.memory_space<vmem>> -> memref<1x80xi32, #tpu.memory_space<vmem>>
        %dma_start3A_213 = tpu.memref_squeeze %dma_start3A_212 : memref<1x80xi32, #tpu.memory_space<vmem>> -> memref<80xi32, #tpu.memory_space<vmem>>
        %dma_start3A_214 = arith.constant 0 : i32
        %dma_start3A_215 = arith.constant 0 : i32
        %dma_start3A_216 = tpu.memref_slice %arg3[%dma_start3A_214, %dma_start3A_215] : memref<100000x64xbf16, #tpu.memory_space<hbm>> -> memref<100000x64xbf16, #tpu.memory_space<hbm>>
        tpu.enqueue_indirect_dma source(%dma_start3A_216 : memref<100000x64xbf16, #tpu.memory_space<hbm>>) target(%dma_start3A_210 : memref<80x64xbf16, #tpu.memory_space<vmem>>) offsets(%dma_start3A_213 : memref<80xi32, #tpu.memory_space<vmem>>) semaphore(%arg10 : memref<!tpu.dma_semaphore, #tpu.memory_space<semaphore_mem>>)
        %mul3A_217 = arith.constant 10 : i32
        %mul3A_218 = arith.muli %add3A_177, %mul3A_217 : i32
        %add3A_219 = arith.constant 3 : i32
        %add3A_220 = arith.addi %mul3A_218, %add3A_219 : i32
        %dma_start3A_221 = arith.constant 240 : i32
        %dma_start3A_222 = arith.constant 0 : i32
        %dma_start3A_223 = tpu.memref_slice %arg7[%dma_start3A_221, %dma_start3A_222] : memref<800x64xbf16, #tpu.memory_space<vmem>> -> memref<80x64xbf16, #tpu.memory_space<vmem>>
        %dma_start3A_224 = arith.constant 0 : i32
        %dma_start3A_225 = tpu.memref_slice %arg5[%add3A_220, %dma_start3A_224] : memref<320x80xi32, #tpu.memory_space<vmem>> -> memref<1x80xi32, #tpu.memory_space<vmem>>
        %dma_start3A_226 = tpu.memref_squeeze %dma_start3A_225 : memref<1x80xi32, #tpu.memory_space<vmem>> -> memref<80xi32, #tpu.memory_space<vmem>>
        %dma_start3A_227 = arith.constant 0 : i32
        %dma_start3A_228 = arith.constant 0 : i32
        %dma_start3A_229 = tpu.memref_slice %arg3[%dma_start3A_227, %dma_start3A_228] : memref<100000x64xbf16, #tpu.memory_space<hbm>> -> memref<100000x64xbf16, #tpu.memory_space<hbm>>
        tpu.enqueue_indirect_dma source(%dma_start3A_229 : memref<100000x64xbf16, #tpu.memory_space<hbm>>) target(%dma_start3A_223 : memref<80x64xbf16, #tpu.memory_space<vmem>>) offsets(%dma_start3A_226 : memref<80xi32, #tpu.memory_space<vmem>>) semaphore(%arg10 : memref<!tpu.dma_semaphore, #tpu.memory_space<semaphore_mem>>)
        %mul3A_230 = arith.constant 10 : i32
        %mul3A_231 = arith.muli %add3A_177, %mul3A_230 : i32
        %add3A_232 = arith.constant 4 : i32
        %add3A_233 = arith.addi %mul3A_231, %add3A_232 : i32
        %dma_start3A_234 = arith.constant 320 : i32
        %dma_start3A_235 = arith.constant 0 : i32
        %dma_start3A_236 = tpu.memref_slice %arg7[%dma_start3A_234, %dma_start3A_235] : memref<800x64xbf16, #tpu.memory_space<vmem>> -> memref<80x64xbf16, #tpu.memory_space<vmem>>
        %dma_start3A_237 = arith.constant 0 : i32
        %dma_start3A_238 = tpu.memref_slice %arg5[%add3A_233, %dma_start3A_237] : memref<320x80xi32, #tpu.memory_space<vmem>> -> memref<1x80xi32, #tpu.memory_space<vmem>>
        %dma_start3A_239 = tpu.memref_squeeze %dma_start3A_238 : memref<1x80xi32, #tpu.memory_space<vmem>> -> memref<80xi32, #tpu.memory_space<vmem>>
        %dma_start3A_240 = arith.constant 0 : i32
        %dma_start3A_241 = arith.constant 0 : i32
        %dma_start3A_242 = tpu.memref_slice %arg3[%dma_start3A_240, %dma_start3A_241] : memref<100000x64xbf16, #tpu.memory_space<hbm>> -> memref<100000x64xbf16, #tpu.memory_space<hbm>>
        tpu.enqueue_indirect_dma source(%dma_start3A_242 : memref<100000x64xbf16, #tpu.memory_space<hbm>>) target(%dma_start3A_236 : memref<80x64xbf16, #tpu.memory_space<vmem>>) offsets(%dma_start3A_239 : memref<80xi32, #tpu.memory_space<vmem>>) semaphore(%arg10 : memref<!tpu.dma_semaphore, #tpu.memory_space<semaphore_mem>>)
        %mul3A_243 = arith.constant 10 : i32
        %mul3A_244 = arith.muli %add3A_177, %mul3A_243 : i32
        %add3A_245 = arith.constant 5 : i32
        %add3A_246 = arith.addi %mul3A_244, %add3A_245 : i32
        %dma_start3A_247 = arith.constant 400 : i32
        %dma_start3A_248 = arith.constant 0 : i32
        %dma_start3A_249 = tpu.memref_slice %arg7[%dma_start3A_247, %dma_start3A_248] : memref<800x64xbf16, #tpu.memory_space<vmem>> -> memref<80x64xbf16, #tpu.memory_space<vmem>>
        %dma_start3A_250 = arith.constant 0 : i32
        %dma_start3A_251 = tpu.memref_slice %arg5[%add3A_246, %dma_start3A_250] : memref<320x80xi32, #tpu.memory_space<vmem>> -> memref<1x80xi32, #tpu.memory_space<vmem>>
        %dma_start3A_252 = tpu.memref_squeeze %dma_start3A_251 : memref<1x80xi32, #tpu.memory_space<vmem>> -> memref<80xi32, #tpu.memory_space<vmem>>
        %dma_start3A_253 = arith.constant 0 : i32
        %dma_start3A_254 = arith.constant 0 : i32
        %dma_start3A_255 = tpu.memref_slice %arg3[%dma_start3A_253, %dma_start3A_254] : memref<100000x64xbf16, #tpu.memory_space<hbm>> -> memref<100000x64xbf16, #tpu.memory_space<hbm>>
        tpu.enqueue_indirect_dma source(%dma_start3A_255 : memref<100000x64xbf16, #tpu.memory_space<hbm>>) target(%dma_start3A_249 : memref<80x64xbf16, #tpu.memory_space<vmem>>) offsets(%dma_start3A_252 : memref<80xi32, #tpu.memory_space<vmem>>) semaphore(%arg10 : memref<!tpu.dma_semaphore, #tpu.memory_space<semaphore_mem>>)
        %mul3A_256 = arith.constant 10 : i32
        %mul3A_257 = arith.muli %add3A_177, %mul3A_256 : i32
        %add3A_258 = arith.constant 6 : i32
        %add3A_259 = arith.addi %mul3A_257, %add3A_258 : i32
        %dma_start3A_260 = arith.constant 480 : i32
        %dma_start3A_261 = arith.constant 0 : i32
        %dma_start3A_262 = tpu.memref_slice %arg7[%dma_start3A_260, %dma_start3A_261] : memref<800x64xbf16, #tpu.memory_space<vmem>> -> memref<80x64xbf16, #tpu.memory_space<vmem>>
        %dma_start3A_263 = arith.constant 0 : i32
        %dma_start3A_264 = tpu.memref_slice %arg5[%add3A_259, %dma_start3A_263] : memref<320x80xi32, #tpu.memory_space<vmem>> -> memref<1x80xi32, #tpu.memory_space<vmem>>
        %dma_start3A_265 = tpu.memref_squeeze %dma_start3A_264 : memref<1x80xi32, #tpu.memory_space<vmem>> -> memref<80xi32, #tpu.memory_space<vmem>>
        %dma_start3A_266 = arith.constant 0 : i32
        %dma_start3A_267 = arith.constant 0 : i32
        %dma_start3A_268 = tpu.memref_slice %arg3[%dma_start3A_266, %dma_start3A_267] : memref<100000x64xbf16, #tpu.memory_space<hbm>> -> memref<100000x64xbf16, #tpu.memory_space<hbm>>
        tpu.enqueue_indirect_dma source(%dma_start3A_268 : memref<100000x64xbf16, #tpu.memory_space<hbm>>) target(%dma_start3A_262 : memref<80x64xbf16, #tpu.memory_space<vmem>>) offsets(%dma_start3A_265 : memref<80xi32, #tpu.memory_space<vmem>>) semaphore(%arg10 : memref<!tpu.dma_semaphore, #tpu.memory_space<semaphore_mem>>)
        %mul3A_269 = arith.constant 10 : i32
        %mul3A_270 = arith.muli %add3A_177, %mul3A_269 : i32
        %add3A_271 = arith.constant 7 : i32
        %add3A_272 = arith.addi %mul3A_270, %add3A_271 : i32
        %dma_start3A_273 = arith.constant 560 : i32
        %dma_start3A_274 = arith.constant 0 : i32
        %dma_start3A_275 = tpu.memref_slice %arg7[%dma_start3A_273, %dma_start3A_274] : memref<800x64xbf16, #tpu.memory_space<vmem>> -> memref<80x64xbf16, #tpu.memory_space<vmem>>
        %dma_start3A_276 = arith.constant 0 : i32
        %dma_start3A_277 = tpu.memref_slice %arg5[%add3A_272, %dma_start3A_276] : memref<320x80xi32, #tpu.memory_space<vmem>> -> memref<1x80xi32, #tpu.memory_space<vmem>>
        %dma_start3A_278 = tpu.memref_squeeze %dma_start3A_277 : memref<1x80xi32, #tpu.memory_space<vmem>> -> memref<80xi32, #tpu.memory_space<vmem>>
        %dma_start3A_279 = arith.constant 0 : i32
        %dma_start3A_280 = arith.constant 0 : i32
        %dma_start3A_281 = tpu.memref_slice %arg3[%dma_start3A_279, %dma_start3A_280] : memref<100000x64xbf16, #tpu.memory_space<hbm>> -> memref<100000x64xbf16, #tpu.memory_space<hbm>>
        tpu.enqueue_indirect_dma source(%dma_start3A_281 : memref<100000x64xbf16, #tpu.memory_space<hbm>>) target(%dma_start3A_275 : memref<80x64xbf16, #tpu.memory_space<vmem>>) offsets(%dma_start3A_278 : memref<80xi32, #tpu.memory_space<vmem>>) semaphore(%arg10 : memref<!tpu.dma_semaphore, #tpu.memory_space<semaphore_mem>>)
        %mul3A_282 = arith.constant 10 : i32
        %mul3A_283 = arith.muli %add3A_177, %mul3A_282 : i32
        %add3A_284 = arith.constant 8 : i32
        %add3A_285 = arith.addi %mul3A_283, %add3A_284 : i32
        %dma_start3A_286 = arith.constant 640 : i32
        %dma_start3A_287 = arith.constant 0 : i32
        %dma_start3A_288 = tpu.memref_slice %arg7[%dma_start3A_286, %dma_start3A_287] : memref<800x64xbf16, #tpu.memory_space<vmem>> -> memref<80x64xbf16, #tpu.memory_space<vmem>>
        %dma_start3A_289 = arith.constant 0 : i32
        %dma_start3A_290 = tpu.memref_slice %arg5[%add3A_285, %dma_start3A_289] : memref<320x80xi32, #tpu.memory_space<vmem>> -> memref<1x80xi32, #tpu.memory_space<vmem>>
        %dma_start3A_291 = tpu.memref_squeeze %dma_start3A_290 : memref<1x80xi32, #tpu.memory_space<vmem>> -> memref<80xi32, #tpu.memory_space<vmem>>
        %dma_start3A_292 = arith.constant 0 : i32
        %dma_start3A_293 = arith.constant 0 : i32
        %dma_start3A_294 = tpu.memref_slice %arg3[%dma_start3A_292, %dma_start3A_293] : memref<100000x64xbf16, #tpu.memory_space<hbm>> -> memref<100000x64xbf16, #tpu.memory_space<hbm>>
        tpu.enqueue_indirect_dma source(%dma_start3A_294 : memref<100000x64xbf16, #tpu.memory_space<hbm>>) target(%dma_start3A_288 : memref<80x64xbf16, #tpu.memory_space<vmem>>) offsets(%dma_start3A_291 : memref<80xi32, #tpu.memory_space<vmem>>) semaphore(%arg10 : memref<!tpu.dma_semaphore, #tpu.memory_space<semaphore_mem>>)
        %mul3A_295 = arith.constant 10 : i32
        %mul3A_296 = arith.muli %add3A_177, %mul3A_295 : i32
        %add3A_297 = arith.constant 9 : i32
        %add3A_298 = arith.addi %mul3A_296, %add3A_297 : i32
        %dma_start3A_299 = arith.constant 720 : i32
        %dma_start3A_300 = arith.constant 0 : i32
        %dma_start3A_301 = tpu.memref_slice %arg7[%dma_start3A_299, %dma_start3A_300] : memref<800x64xbf16, #tpu.memory_space<vmem>> -> memref<80x64xbf16, #tpu.memory_space<vmem>>
        %dma_start3A_302 = arith.constant 0 : i32
        %dma_start3A_303 = tpu.memref_slice %arg5[%add3A_298, %dma_start3A_302] : memref<320x80xi32, #tpu.memory_space<vmem>> -> memref<1x80xi32, #tpu.memory_space<vmem>>
        %dma_start3A_304 = tpu.memref_squeeze %dma_start3A_303 : memref<1x80xi32, #tpu.memory_space<vmem>> -> memref<80xi32, #tpu.memory_space<vmem>>
        %dma_start3A_305 = arith.constant 0 : i32
        %dma_start3A_306 = arith.constant 0 : i32
        %dma_start3A_307 = tpu.memref_slice %arg3[%dma_start3A_305, %dma_start3A_306] : memref<100000x64xbf16, #tpu.memory_space<hbm>> -> memref<100000x64xbf16, #tpu.memory_space<hbm>>
        tpu.enqueue_indirect_dma source(%dma_start3A_307 : memref<100000x64xbf16, #tpu.memory_space<hbm>>) target(%dma_start3A_301 : memref<80x64xbf16, #tpu.memory_space<vmem>>) offsets(%dma_start3A_304 : memref<80xi32, #tpu.memory_space<vmem>>) semaphore(%arg10 : memref<!tpu.dma_semaphore, #tpu.memory_space<semaphore_mem>>)
      } else {
      }
      %dma_wait3A = arith.constant 0 : i32
      %dma_wait3A_136 = arith.constant 0 : i32
      %dma_wait3A_137 = tpu.memref_slice %arg3[%dma_wait3A, %dma_wait3A_136] : memref<100000x64xbf16, #tpu.memory_space<hbm>> -> memref<800x64xbf16, #tpu.memory_space<hbm>>
      %dma_wait3A_138 = arith.constant 0 : i32
      %dma_wait3A_139 = arith.constant 0 : i32
      %dma_wait3A_140 = tpu.memref_slice %arg3[%dma_wait3A_138, %dma_wait3A_139] : memref<100000x64xbf16, #tpu.memory_space<hbm>> -> memref<800x64xbf16, #tpu.memory_space<hbm>>
      tpu.wait_dma2 semaphore(%arg9 : memref<!tpu.dma_semaphore, #tpu.memory_space<semaphore_mem>>) src(%dma_wait3A_140 : memref<800x64xbf16, #tpu.memory_space<hbm>>) dst(%arg6 : memref<800x64xbf16, #tpu.memory_space<vmem>>)
      %scan3A_141 = arith.constant 0 : i32
      %scan3A_142 = arith.constant 16 : i32
      %scan3A_143 = arith.addi %scan3A_141, %scan3A_142 : i32
      %scan3A_144 = arith.constant 1 : i32
      scf.for %scan3A_176 = %scan3A_141 to %scan3A_143 step %scan3A_144  : i32 {
        %mul3A_177 = arith.constant 1 : i32
        %mul3A_178 = arith.muli %scan3A_176, %mul3A_177 : i32
        %add3A_179 = arith.constant 0 : i32
        %add3A_180 = arith.addi %add3A_179, %mul3A_178 : i32
        %mul3A_181 = arith.constant 50 : i32
        %mul3A_182 = arith.muli %add3A_180, %mul3A_181 : i32
        %broadcast_in_dim3A = arith.constant 0.000000e+00 : f32
        %broadcast_in_dim3A_183 = vector.broadcast %broadcast_in_dim3A : f32 to vector<16xf32>
        %add3A_184 = arith.constant 0 : i32
        %add3A_185 = arith.addi %mul3A_182, %add3A_184 : i32
        %get3A = arith.index_cast %add3A_185 : i32 to index
        %get3A_186 = arith.constant 0 : index
        %get3A_187 = tpu.vector_load %arg6[%get3A, %get3A_186] {strides = array<i32>} : memref<800x64xbf16, #tpu.memory_space<vmem>>, vector<32xbf16>,
        %add3A_188 = arith.constant 0 : i32
        %add3A_189 = arith.addi %mul3A_182, %add3A_188 : i32
        %get3A_190 = arith.index_cast %add3A_189 : i32 to index
        %get3A_191 = arith.constant 32 : index
        %get3A_192 = tpu.vector_load %arg6[%get3A_190, %get3A_191] {strides = array<i32>} : memref<800x64xbf16, #tpu.memory_space<vmem>>, vector<32xbf16>,
        %unpack3A = tpu.unpack_subelements %get3A_187, 0 {pack_format = #tpu.pack_format<interleaved>} : vector<32xbf16> -> vector<16xf32>
        %unpack3A_193 = tpu.unpack_subelements %get3A_187, 1 {pack_format = #tpu.pack_format<interleaved>} : vector<32xbf16> -> vector<16xf32>
        %unpack3A_194 = tpu.unpack_subelements %get3A_192, 0 {pack_format = #tpu.pack_format<interleaved>} : vector<32xbf16> -> vector<16xf32>
        %unpack3A_195 = tpu.unpack_subelements %get3A_192, 1 {pack_format = #tpu.pack_format<interleaved>} : vector<32xbf16> -> vector<16xf32>
        %add3A_196 = arith.addf %broadcast_in_dim3A_183, %unpack3A : vector<16xf32>
        %add3A_197 = arith.addf %broadcast_in_dim3A_183, %unpack3A_193 : vector<16xf32>
        %add3A_198 = arith.addf %broadcast_in_dim3A_183, %unpack3A_194 : vector<16xf32>
        %add3A_199 = arith.addf %broadcast_in_dim3A_183, %unpack3A_195 : vector<16xf32>
        %add3A_200 = arith.constant 1 : i32
        %add3A_201 = arith.addi %mul3A_182, %add3A_200 : i32
        %get3A_202 = arith.index_cast %add3A_201 : i32 to index
        %get3A_203 = arith.constant 0 : index
        %get3A_204 = tpu.vector_load %arg6[%get3A_202, %get3A_203] {strides = array<i32>} : memref<800x64xbf16, #tpu.memory_space<vmem>>, vector<32xbf16>,
        %add3A_205 = arith.constant 1 : i32
        %add3A_206 = arith.addi %mul3A_182, %add3A_205 : i32
        %get3A_207 = arith.index_cast %add3A_206 : i32 to index
        %get3A_208 = arith.constant 32 : index
        %get3A_209 = tpu.vector_load %arg6[%get3A_207, %get3A_208] {strides = array<i32>} : memref<800x64xbf16, #tpu.memory_space<vmem>>, vector<32xbf16>,
        %unpack3A_210 = tpu.unpack_subelements %get3A_204, 0 {pack_format = #tpu.pack_format<interleaved>} : vector<32xbf16> -> vector<16xf32>
        %unpack3A_211 = tpu.unpack_subelements %get3A_204, 1 {pack_format = #tpu.pack_format<interleaved>} : vector<32xbf16> -> vector<16xf32>
        %unpack3A_212 = tpu.unpack_subelements %get3A_209, 0 {pack_format = #tpu.pack_format<interleaved>} : vector<32xbf16> -> vector<16xf32>
        %unpack3A_213 = tpu.unpack_subelements %get3A_209, 1 {pack_format = #tpu.pack_format<interleaved>} : vector<32xbf16> -> vector<16xf32>
        %add3A_214 = arith.addf %add3A_196, %unpack3A_210 : vector<16xf32>
        %add3A_215 = arith.addf %add3A_197, %unpack3A_211 : vector<16xf32>
        %add3A_216 = arith.addf %add3A_198, %unpack3A_212 : vector<16xf32>
        %add3A_217 = arith.addf %add3A_199, %unpack3A_213 : vector<16xf32>
        %add3A_218 = arith.constant 2 : i32
        %add3A_219 = arith.addi %mul3A_182, %add3A_218 : i32
        %get3A_220 = arith.index_cast %add3A_219 : i32 to index
        %get3A_221 = arith.constant 0 : index
        %get3A_222 = tpu.vector_load %arg6[%get3A_220, %get3A_221] {strides = array<i32>} : memref<800x64xbf16, #tpu.memory_space<vmem>>, vector<32xbf16>,
        %add3A_223 = arith.constant 2 : i32
        %add3A_224 = arith.addi %mul3A_182, %add3A_223 : i32
        %get3A_225 = arith.index_cast %add3A_224 : i32 to index
        %get3A_226 = arith.constant 32 : index
        %get3A_227 = tpu.vector_load %arg6[%get3A_225, %get3A_226] {strides = array<i32>} : memref<800x64xbf16, #tpu.memory_space<vmem>>, vector<32xbf16>,
        %unpack3A_228 = tpu.unpack_subelements %get3A_222, 0 {pack_format = #tpu.pack_format<interleaved>} : vector<32xbf16> -> vector<16xf32>
        %unpack3A_229 = tpu.unpack_subelements %get3A_222, 1 {pack_format = #tpu.pack_format<interleaved>} : vector<32xbf16> -> vector<16xf32>
        %unpack3A_230 = tpu.unpack_subelements %get3A_227, 0 {pack_format = #tpu.pack_format<interleaved>} : vector<32xbf16> -> vector<16xf32>
        %unpack3A_231 = tpu.unpack_subelements %get3A_227, 1 {pack_format = #tpu.pack_format<interleaved>} : vector<32xbf16> -> vector<16xf32>
        %add3A_232 = arith.addf %add3A_214, %unpack3A_228 : vector<16xf32>
        %add3A_233 = arith.addf %add3A_215, %unpack3A_229 : vector<16xf32>
        %add3A_234 = arith.addf %add3A_216, %unpack3A_230 : vector<16xf32>
        %add3A_235 = arith.addf %add3A_217, %unpack3A_231 : vector<16xf32>
        %add3A_236 = arith.constant 3 : i32
        %add3A_237 = arith.addi %mul3A_182, %add3A_236 : i32
        %get3A_238 = arith.index_cast %add3A_237 : i32 to index
        %get3A_239 = arith.constant 0 : index
        %get3A_240 = tpu.vector_load %arg6[%get3A_238, %get3A_239] {strides = array<i32>} : memref<800x64xbf16, #tpu.memory_space<vmem>>, vector<32xbf16>,
        %add3A_241 = arith.constant 3 : i32
        %add3A_242 = arith.addi %mul3A_182, %add3A_241 : i32
        %get3A_243 = arith.index_cast %add3A_242 : i32 to index
        %get3A_244 = arith.constant 32 : index
        %get3A_245 = tpu.vector_load %arg6[%get3A_243, %get3A_244] {strides = array<i32>} : memref<800x64xbf16, #tpu.memory_space<vmem>>, vector<32xbf16>,
        %unpack3A_246 = tpu.unpack_subelements %get3A_240, 0 {pack_format = #tpu.pack_format<interleaved>} : vector<32xbf16> -> vector<16xf32>
        %unpack3A_247 = tpu.unpack_subelements %get3A_240, 1 {pack_format = #tpu.pack_format<interleaved>} : vector<32xbf16> -> vector<16xf32>
        %unpack3A_248 = tpu.unpack_subelements %get3A_245, 0 {pack_format = #tpu.pack_format<interleaved>} : vector<32xbf16> -> vector<16xf32>
        %unpack3A_249 = tpu.unpack_subelements %get3A_245, 1 {pack_format = #tpu.pack_format<interleaved>} : vector<32xbf16> -> vector<16xf32>
        %add3A_250 = arith.addf %add3A_232, %unpack3A_246 : vector<16xf32>
        %add3A_251 = arith.addf %add3A_233, %unpack3A_247 : vector<16xf32>
        %add3A_252 = arith.addf %add3A_234, %unpack3A_248 : vector<16xf32>
        %add3A_253 = arith.addf %add3A_235, %unpack3A_249 : vector<16xf32>
        %add3A_254 = arith.constant 4 : i32
        %add3A_255 = arith.addi %mul3A_182, %add3A_254 : i32
        %get3A_256 = arith.index_cast %add3A_255 : i32 to index
        %get3A_257 = arith.constant 0 : index
        %get3A_258 = tpu.vector_load %arg6[%get3A_256, %get3A_257] {strides = array<i32>} : memref<800x64xbf16, #tpu.memory_space<vmem>>, vector<32xbf16>,
        %add3A_259 = arith.constant 4 : i32
        %add3A_260 = arith.addi %mul3A_182, %add3A_259 : i32
        %get3A_261 = arith.index_cast %add3A_260 : i32 to index
        %get3A_262 = arith.constant 32 : index
        %get3A_263 = tpu.vector_load %arg6[%get3A_261, %get3A_262] {strides = array<i32>} : memref<800x64xbf16, #tpu.memory_space<vmem>>, vector<32xbf16>,
        %unpack3A_264 = tpu.unpack_subelements %get3A_258, 0 {pack_format = #tpu.pack_format<interleaved>} : vector<32xbf16> -> vector<16xf32>
        %unpack3A_265 = tpu.unpack_subelements %get3A_258, 1 {pack_format = #tpu.pack_format<interleaved>} : vector<32xbf16> -> vector<16xf32>
        %unpack3A_266 = tpu.unpack_subelements %get3A_263, 0 {pack_format = #tpu.pack_format<interleaved>} : vector<32xbf16> -> vector<16xf32>
        %unpack3A_267 = tpu.unpack_subelements %get3A_263, 1 {pack_format = #tpu.pack_format<interleaved>} : vector<32xbf16> -> vector<16xf32>
        %add3A_268 = arith.addf %add3A_250, %unpack3A_264 : vector<16xf32>
        %add3A_269 = arith.addf %add3A_251, %unpack3A_265 : vector<16xf32>
        %add3A_270 = arith.addf %add3A_252, %unpack3A_266 : vector<16xf32>
        %add3A_271 = arith.addf %add3A_253, %unpack3A_267 : vector<16xf32>
        %add3A_272 = arith.constant 5 : i32
        %add3A_273 = arith.addi %mul3A_182, %add3A_272 : i32
        %get3A_274 = arith.index_cast %add3A_273 : i32 to index
        %get3A_275 = arith.constant 0 : index
        %get3A_276 = tpu.vector_load %arg6[%get3A_274, %get3A_275] {strides = array<i32>} : memref<800x64xbf16, #tpu.memory_space<vmem>>, vector<32xbf16>,
        %add3A_277 = arith.constant 5 : i32
        %add3A_278 = arith.addi %mul3A_182, %add3A_277 : i32
        %get3A_279 = arith.index_cast %add3A_278 : i32 to index
        %get3A_280 = arith.constant 32 : index
        %get3A_281 = tpu.vector_load %arg6[%get3A_279, %get3A_280] {strides = array<i32>} : memref<800x64xbf16, #tpu.memory_space<vmem>>, vector<32xbf16>,
        %unpack3A_282 = tpu.unpack_subelements %get3A_276, 0 {pack_format = #tpu.pack_format<interleaved>} : vector<32xbf16> -> vector<16xf32>
        %unpack3A_283 = tpu.unpack_subelements %get3A_276, 1 {pack_format = #tpu.pack_format<interleaved>} : vector<32xbf16> -> vector<16xf32>
        %unpack3A_284 = tpu.unpack_subelements %get3A_281, 0 {pack_format = #tpu.pack_format<interleaved>} : vector<32xbf16> -> vector<16xf32>
        %unpack3A_285 = tpu.unpack_subelements %get3A_281, 1 {pack_format = #tpu.pack_format<interleaved>} : vector<32xbf16> -> vector<16xf32>
        %add3A_286 = arith.addf %add3A_268, %unpack3A_282 : vector<16xf32>
        %add3A_287 = arith.addf %add3A_269, %unpack3A_283 : vector<16xf32>
        %add3A_288 = arith.addf %add3A_270, %unpack3A_284 : vector<16xf32>
        %add3A_289 = arith.addf %add3A_271, %unpack3A_285 : vector<16xf32>
        %add3A_290 = arith.constant 6 : i32
        %add3A_291 = arith.addi %mul3A_182, %add3A_290 : i32
        %get3A_292 = arith.index_cast %add3A_291 : i32 to index
        %get3A_293 = arith.constant 0 : index
        %get3A_294 = tpu.vector_load %arg6[%get3A_292, %get3A_293] {strides = array<i32>} : memref<800x64xbf16, #tpu.memory_space<vmem>>, vector<32xbf16>,
        %add3A_295 = arith.constant 6 : i32
        %add3A_296 = arith.addi %mul3A_182, %add3A_295 : i32
        %get3A_297 = arith.index_cast %add3A_296 : i32 to index
        %get3A_298 = arith.constant 32 : index
        %get3A_299 = tpu.vector_load %arg6[%get3A_297, %get3A_298] {strides = array<i32>} : memref<800x64xbf16, #tpu.memory_space<vmem>>, vector<32xbf16>,
        %unpack3A_300 = tpu.unpack_subelements %get3A_294, 0 {pack_format = #tpu.pack_format<interleaved>} : vector<32xbf16> -> vector<16xf32>
        %unpack3A_301 = tpu.unpack_subelements %get3A_294, 1 {pack_format = #tpu.pack_format<interleaved>} : vector<32xbf16> -> vector<16xf32>
        %unpack3A_302 = tpu.unpack_subelements %get3A_299, 0 {pack_format = #tpu.pack_format<interleaved>} : vector<32xbf16> -> vector<16xf32>
        %unpack3A_303 = tpu.unpack_subelements %get3A_299, 1 {pack_format = #tpu.pack_format<interleaved>} : vector<32xbf16> -> vector<16xf32>
        %add3A_304 = arith.addf %add3A_286, %unpack3A_300 : vector<16xf32>
        %add3A_305 = arith.addf %add3A_287, %unpack3A_301 : vector<16xf32>
        %add3A_306 = arith.addf %add3A_288, %unpack3A_302 : vector<16xf32>
        %add3A_307 = arith.addf %add3A_289, %unpack3A_303 : vector<16xf32>
        %add3A_308 = arith.constant 7 : i32
        %add3A_309 = arith.addi %mul3A_182, %add3A_308 : i32
        %get3A_310 = arith.index_cast %add3A_309 : i32 to index
        %get3A_311 = arith.constant 0 : index
        %get3A_312 = tpu.vector_load %arg6[%get3A_310, %get3A_311] {strides = array<i32>} : memref<800x64xbf16, #tpu.memory_space<vmem>>, vector<32xbf16>,
        %add3A_313 = arith.constant 7 : i32
        %add3A_314 = arith.addi %mul3A_182, %add3A_313 : i32
        %get3A_315 = arith.index_cast %add3A_314 : i32 to index
        %get3A_316 = arith.constant 32 : index
        %get3A_317 = tpu.vector_load %arg6[%get3A_315, %get3A_316] {strides = array<i32>} : memref<800x64xbf16, #tpu.memory_space<vmem>>, vector<32xbf16>,
        %unpack3A_318 = tpu.unpack_subelements %get3A_312, 0 {pack_format = #tpu.pack_format<interleaved>} : vector<32xbf16> -> vector<16xf32>
        %unpack3A_319 = tpu.unpack_subelements %get3A_312, 1 {pack_format = #tpu.pack_format<interleaved>} : vector<32xbf16> -> vector<16xf32>
        %unpack3A_320 = tpu.unpack_subelements %get3A_317, 0 {pack_format = #tpu.pack_format<interleaved>} : vector<32xbf16> -> vector<16xf32>
        %unpack3A_321 = tpu.unpack_subelements %get3A_317, 1 {pack_format = #tpu.pack_format<interleaved>} : vector<32xbf16> -> vector<16xf32>
        %add3A_322 = arith.addf %add3A_304, %unpack3A_318 : vector<16xf32>
        %add3A_323 = arith.addf %add3A_305, %unpack3A_319 : vector<16xf32>
        %add3A_324 = arith.addf %add3A_306, %unpack3A_320 : vector<16xf32>
        %add3A_325 = arith.addf %add3A_307, %unpack3A_321 : vector<16xf32>
        %add3A_326 = arith.constant 8 : i32
        %add3A_327 = arith.addi %mul3A_182, %add3A_326 : i32
        %get3A_328 = arith.index_cast %add3A_327 : i32 to index
        %get3A_329 = arith.constant 0 : index
        %get3A_330 = tpu.vector_load %arg6[%get3A_328, %get3A_329] {strides = array<i32>} : memref<800x64xbf16, #tpu.memory_space<vmem>>, vector<32xbf16>,
        %add3A_331 = arith.constant 8 : i32
        %add3A_332 = arith.addi %mul3A_182, %add3A_331 : i32
        %get3A_333 = arith.index_cast %add3A_332 : i32 to index
        %get3A_334 = arith.constant 32 : index
        %get3A_335 = tpu.vector_load %arg6[%get3A_333, %get3A_334] {strides = array<i32>} : memref<800x64xbf16, #tpu.memory_space<vmem>>, vector<32xbf16>,
        %unpack3A_336 = tpu.unpack_subelements %get3A_330, 0 {pack_format = #tpu.pack_format<interleaved>} : vector<32xbf16> -> vector<16xf32>
        %unpack3A_337 = tpu.unpack_subelements %get3A_330, 1 {pack_format = #tpu.pack_format<interleaved>} : vector<32xbf16> -> vector<16xf32>
        %unpack3A_338 = tpu.unpack_subelements %get3A_335, 0 {pack_format = #tpu.pack_format<interleaved>} : vector<32xbf16> -> vector<16xf32>
        %unpack3A_339 = tpu.unpack_subelements %get3A_335, 1 {pack_format = #tpu.pack_format<interleaved>} : vector<32xbf16> -> vector<16xf32>
        %add3A_340 = arith.addf %add3A_322, %unpack3A_336 : vector<16xf32>
        %add3A_341 = arith.addf %add3A_323, %unpack3A_337 : vector<16xf32>
        %add3A_342 = arith.addf %add3A_324, %unpack3A_338 : vector<16xf32>
        %add3A_343 = arith.addf %add3A_325, %unpack3A_339 : vector<16xf32>
        %add3A_344 = arith.constant 9 : i32
        %add3A_345 = arith.addi %mul3A_182, %add3A_344 : i32
        %get3A_346 = arith.index_cast %add3A_345 : i32 to index
        %get3A_347 = arith.constant 0 : index
        %get3A_348 = tpu.vector_load %arg6[%get3A_346, %get3A_347] {strides = array<i32>} : memref<800x64xbf16, #tpu.memory_space<vmem>>, vector<32xbf16>,
        %add3A_349 = arith.constant 9 : i32
        %add3A_350 = arith.addi %mul3A_182, %add3A_349 : i32
        %get3A_351 = arith.index_cast %add3A_350 : i32 to index
        %get3A_352 = arith.constant 32 : index
        %get3A_353 = tpu.vector_load %arg6[%get3A_351, %get3A_352] {strides = array<i32>} : memref<800x64xbf16, #tpu.memory_space<vmem>>, vector<32xbf16>,
        %unpack3A_354 = tpu.unpack_subelements %get3A_348, 0 {pack_format = #tpu.pack_format<interleaved>} : vector<32xbf16> -> vector<16xf32>
        %unpack3A_355 = tpu.unpack_subelements %get3A_348, 1 {pack_format = #tpu.pack_format<interleaved>} : vector<32xbf16> -> vector<16xf32>
        %unpack3A_356 = tpu.unpack_subelements %get3A_353, 0 {pack_format = #tpu.pack_format<interleaved>} : vector<32xbf16> -> vector<16xf32>
        %unpack3A_357 = tpu.unpack_subelements %get3A_353, 1 {pack_format = #tpu.pack_format<interleaved>} : vector<32xbf16> -> vector<16xf32>
        %add3A_358 = arith.addf %add3A_340, %unpack3A_354 : vector<16xf32>
        %add3A_359 = arith.addf %add3A_341, %unpack3A_355 : vector<16xf32>
        %add3A_360 = arith.addf %add3A_342, %unpack3A_356 : vector<16xf32>
        %add3A_361 = arith.addf %add3A_343, %unpack3A_357 : vector<16xf32>
        %add3A_362 = arith.constant 10 : i32
        %add3A_363 = arith.addi %mul3A_182, %add3A_362 : i32
        %get3A_364 = arith.index_cast %add3A_363 : i32 to index
        %get3A_365 = arith.constant 0 : index
        %get3A_366 = tpu.vector_load %arg6[%get3A_364, %get3A_365] {strides = array<i32>} : memref<800x64xbf16, #tpu.memory_space<vmem>>, vector<32xbf16>,
        %add3A_367 = arith.constant 10 : i32
        %add3A_368 = arith.addi %mul3A_182, %add3A_367 : i32
        %get3A_369 = arith.index_cast %add3A_368 : i32 to index
        %get3A_370 = arith.constant 32 : index
        %get3A_371 = tpu.vector_load %arg6[%get3A_369, %get3A_370] {strides = array<i32>} : memref<800x64xbf16, #tpu.memory_space<vmem>>, vector<32xbf16>,
        %unpack3A_372 = tpu.unpack_subelements %get3A_366, 0 {pack_format = #tpu.pack_format<interleaved>} : vector<32xbf16> -> vector<16xf32>
        %unpack3A_373 = tpu.unpack_subelements %get3A_366, 1 {pack_format = #tpu.pack_format<interleaved>} : vector<32xbf16> -> vector<16xf32>
        %unpack3A_374 = tpu.unpack_subelements %get3A_371, 0 {pack_format = #tpu.pack_format<interleaved>} : vector<32xbf16> -> vector<16xf32>
        %unpack3A_375 = tpu.unpack_subelements %get3A_371, 1 {pack_format = #tpu.pack_format<interleaved>} : vector<32xbf16> -> vector<16xf32>
        %add3A_376 = arith.addf %add3A_358, %unpack3A_372 : vector<16xf32>
        %add3A_377 = arith.addf %add3A_359, %unpack3A_373 : vector<16xf32>
        %add3A_378 = arith.addf %add3A_360, %unpack3A_374 : vector<16xf32>
        %add3A_379 = arith.addf %add3A_361, %unpack3A_375 : vector<16xf32>
        %add3A_380 = arith.constant 11 : i32
        %add3A_381 = arith.addi %mul3A_182, %add3A_380 : i32
        %get3A_382 = arith.index_cast %add3A_381 : i32 to index
        %get3A_383 = arith.constant 0 : index
        %get3A_384 = tpu.vector_load %arg6[%get3A_382, %get3A_383] {strides = array<i32>} : memref<800x64xbf16, #tpu.memory_space<vmem>>, vector<32xbf16>,
        %add3A_385 = arith.constant 11 : i32
        %add3A_386 = arith.addi %mul3A_182, %add3A_385 : i32
        %get3A_387 = arith.index_cast %add3A_386 : i32 to index
        %get3A_388 = arith.constant 32 : index
        %get3A_389 = tpu.vector_load %arg6[%get3A_387, %get3A_388] {strides = array<i32>} : memref<800x64xbf16, #tpu.memory_space<vmem>>, vector<32xbf16>,
        %unpack3A_390 = tpu.unpack_subelements %get3A_384, 0 {pack_format = #tpu.pack_format<interleaved>} : vector<32xbf16> -> vector<16xf32>
        %unpack3A_391 = tpu.unpack_subelements %get3A_384, 1 {pack_format = #tpu.pack_format<interleaved>} : vector<32xbf16> -> vector<16xf32>
        %unpack3A_392 = tpu.unpack_subelements %get3A_389, 0 {pack_format = #tpu.pack_format<interleaved>} : vector<32xbf16> -> vector<16xf32>
        %unpack3A_393 = tpu.unpack_subelements %get3A_389, 1 {pack_format = #tpu.pack_format<interleaved>} : vector<32xbf16> -> vector<16xf32>
        %add3A_394 = arith.addf %add3A_376, %unpack3A_390 : vector<16xf32>
        %add3A_395 = arith.addf %add3A_377, %unpack3A_391 : vector<16xf32>
        %add3A_396 = arith.addf %add3A_378, %unpack3A_392 : vector<16xf32>
        %add3A_397 = arith.addf %add3A_379, %unpack3A_393 : vector<16xf32>
        %add3A_398 = arith.constant 12 : i32
        %add3A_399 = arith.addi %mul3A_182, %add3A_398 : i32
        %get3A_400 = arith.index_cast %add3A_399 : i32 to index
        %get3A_401 = arith.constant 0 : index
        %get3A_402 = tpu.vector_load %arg6[%get3A_400, %get3A_401] {strides = array<i32>} : memref<800x64xbf16, #tpu.memory_space<vmem>>, vector<32xbf16>,
        %add3A_403 = arith.constant 12 : i32
        %add3A_404 = arith.addi %mul3A_182, %add3A_403 : i32
        %get3A_405 = arith.index_cast %add3A_404 : i32 to index
        %get3A_406 = arith.constant 32 : index
        %get3A_407 = tpu.vector_load %arg6[%get3A_405, %get3A_406] {strides = array<i32>} : memref<800x64xbf16, #tpu.memory_space<vmem>>, vector<32xbf16>,
        %unpack3A_408 = tpu.unpack_subelements %get3A_402, 0 {pack_format = #tpu.pack_format<interleaved>} : vector<32xbf16> -> vector<16xf32>
        %unpack3A_409 = tpu.unpack_subelements %get3A_402, 1 {pack_format = #tpu.pack_format<interleaved>} : vector<32xbf16> -> vector<16xf32>
        %unpack3A_410 = tpu.unpack_subelements %get3A_407, 0 {pack_format = #tpu.pack_format<interleaved>} : vector<32xbf16> -> vector<16xf32>
        %unpack3A_411 = tpu.unpack_subelements %get3A_407, 1 {pack_format = #tpu.pack_format<interleaved>} : vector<32xbf16> -> vector<16xf32>
        %add3A_412 = arith.addf %add3A_394, %unpack3A_408 : vector<16xf32>
        %add3A_413 = arith.addf %add3A_395, %unpack3A_409 : vector<16xf32>
        %add3A_414 = arith.addf %add3A_396, %unpack3A_410 : vector<16xf32>
        %add3A_415 = arith.addf %add3A_397, %unpack3A_411 : vector<16xf32>
        %add3A_416 = arith.constant 13 : i32
        %add3A_417 = arith.addi %mul3A_182, %add3A_416 : i32
        %get3A_418 = arith.index_cast %add3A_417 : i32 to index
        %get3A_419 = arith.constant 0 : index
        %get3A_420 = tpu.vector_load %arg6[%get3A_418, %get3A_419] {strides = array<i32>} : memref<800x64xbf16, #tpu.memory_space<vmem>>, vector<32xbf16>,
        %add3A_421 = arith.constant 13 : i32
        %add3A_422 = arith.addi %mul3A_182, %add3A_421 : i32
        %get3A_423 = arith.index_cast %add3A_422 : i32 to index
        %get3A_424 = arith.constant 32 : index
        %get3A_425 = tpu.vector_load %arg6[%get3A_423, %get3A_424] {strides = array<i32>} : memref<800x64xbf16, #tpu.memory_space<vmem>>, vector<32xbf16>,
        %unpack3A_426 = tpu.unpack_subelements %get3A_420, 0 {pack_format = #tpu.pack_format<interleaved>} : vector<32xbf16> -> vector<16xf32>
        %unpack3A_427 = tpu.unpack_subelements %get3A_420, 1 {pack_format = #tpu.pack_format<interleaved>} : vector<32xbf16> -> vector<16xf32>
        %unpack3A_428 = tpu.unpack_subelements %get3A_425, 0 {pack_format = #tpu.pack_format<interleaved>} : vector<32xbf16> -> vector<16xf32>
        %unpack3A_429 = tpu.unpack_subelements %get3A_425, 1 {pack_format = #tpu.pack_format<interleaved>} : vector<32xbf16> -> vector<16xf32>
        %add3A_430 = arith.addf %add3A_412, %unpack3A_426 : vector<16xf32>
        %add3A_431 = arith.addf %add3A_413, %unpack3A_427 : vector<16xf32>
        %add3A_432 = arith.addf %add3A_414, %unpack3A_428 : vector<16xf32>
        %add3A_433 = arith.addf %add3A_415, %unpack3A_429 : vector<16xf32>
        %add3A_434 = arith.constant 14 : i32
        %add3A_435 = arith.addi %mul3A_182, %add3A_434 : i32
        %get3A_436 = arith.index_cast %add3A_435 : i32 to index
        %get3A_437 = arith.constant 0 : index
        %get3A_438 = tpu.vector_load %arg6[%get3A_436, %get3A_437] {strides = array<i32>} : memref<800x64xbf16, #tpu.memory_space<vmem>>, vector<32xbf16>,
        %add3A_439 = arith.constant 14 : i32
        %add3A_440 = arith.addi %mul3A_182, %add3A_439 : i32
        %get3A_441 = arith.index_cast %add3A_440 : i32 to index
        %get3A_442 = arith.constant 32 : index
        %get3A_443 = tpu.vector_load %arg6[%get3A_441, %get3A_442] {strides = array<i32>} : memref<800x64xbf16, #tpu.memory_space<vmem>>, vector<32xbf16>,
        %unpack3A_444 = tpu.unpack_subelements %get3A_438, 0 {pack_format = #tpu.pack_format<interleaved>} : vector<32xbf16> -> vector<16xf32>
        %unpack3A_445 = tpu.unpack_subelements %get3A_438, 1 {pack_format = #tpu.pack_format<interleaved>} : vector<32xbf16> -> vector<16xf32>
        %unpack3A_446 = tpu.unpack_subelements %get3A_443, 0 {pack_format = #tpu.pack_format<interleaved>} : vector<32xbf16> -> vector<16xf32>
        %unpack3A_447 = tpu.unpack_subelements %get3A_443, 1 {pack_format = #tpu.pack_format<interleaved>} : vector<32xbf16> -> vector<16xf32>
        %add3A_448 = arith.addf %add3A_430, %unpack3A_444 : vector<16xf32>
        %add3A_449 = arith.addf %add3A_431, %unpack3A_445 : vector<16xf32>
        %add3A_450 = arith.addf %add3A_432, %unpack3A_446 : vector<16xf32>
        %add3A_451 = arith.addf %add3A_433, %unpack3A_447 : vector<16xf32>
        %add3A_452 = arith.constant 15 : i32
        %add3A_453 = arith.addi %mul3A_182, %add3A_452 : i32
        %get3A_454 = arith.index_cast %add3A_453 : i32 to index
        %get3A_455 = arith.constant 0 : index
        %get3A_456 = tpu.vector_load %arg6[%get3A_454, %get3A_455] {strides = array<i32>} : memref<800x64xbf16, #tpu.memory_space<vmem>>, vector<32xbf16>,
        %add3A_457 = arith.constant 15 : i32
        %add3A_458 = arith.addi %mul3A_182, %add3A_457 : i32
        %get3A_459 = arith.index_cast %add3A_458 : i32 to index
        %get3A_460 = arith.constant 32 : index
        %get3A_461 = tpu.vector_load %arg6[%get3A_459, %get3A_460] {strides = array<i32>} : memref<800x64xbf16, #tpu.memory_space<vmem>>, vector<32xbf16>,
        %unpack3A_462 = tpu.unpack_subelements %get3A_456, 0 {pack_format = #tpu.pack_format<interleaved>} : vector<32xbf16> -> vector<16xf32>
        %unpack3A_463 = tpu.unpack_subelements %get3A_456, 1 {pack_format = #tpu.pack_format<interleaved>} : vector<32xbf16> -> vector<16xf32>
        %unpack3A_464 = tpu.unpack_subelements %get3A_461, 0 {pack_format = #tpu.pack_format<interleaved>} : vector<32xbf16> -> vector<16xf32>
        %unpack3A_465 = tpu.unpack_subelements %get3A_461, 1 {pack_format = #tpu.pack_format<interleaved>} : vector<32xbf16> -> vector<16xf32>
        %add3A_466 = arith.addf %add3A_448, %unpack3A_462 : vector<16xf32>
        %add3A_467 = arith.addf %add3A_449, %unpack3A_463 : vector<16xf32>
        %add3A_468 = arith.addf %add3A_450, %unpack3A_464 : vector<16xf32>
        %add3A_469 = arith.addf %add3A_451, %unpack3A_465 : vector<16xf32>
        %add3A_470 = arith.constant 16 : i32
        %add3A_471 = arith.addi %mul3A_182, %add3A_470 : i32
        %get3A_472 = arith.index_cast %add3A_471 : i32 to index
        %get3A_473 = arith.constant 0 : index
        %get3A_474 = tpu.vector_load %arg6[%get3A_472, %get3A_473] {strides = array<i32>} : memref<800x64xbf16, #tpu.memory_space<vmem>>, vector<32xbf16>,
        %add3A_475 = arith.constant 16 : i32
        %add3A_476 = arith.addi %mul3A_182, %add3A_475 : i32
        %get3A_477 = arith.index_cast %add3A_476 : i32 to index
        %get3A_478 = arith.constant 32 : index
        %get3A_479 = tpu.vector_load %arg6[%get3A_477, %get3A_478] {strides = array<i32>} : memref<800x64xbf16, #tpu.memory_space<vmem>>, vector<32xbf16>,
        %unpack3A_480 = tpu.unpack_subelements %get3A_474, 0 {pack_format = #tpu.pack_format<interleaved>} : vector<32xbf16> -> vector<16xf32>
        %unpack3A_481 = tpu.unpack_subelements %get3A_474, 1 {pack_format = #tpu.pack_format<interleaved>} : vector<32xbf16> -> vector<16xf32>
        %unpack3A_482 = tpu.unpack_subelements %get3A_479, 0 {pack_format = #tpu.pack_format<interleaved>} : vector<32xbf16> -> vector<16xf32>
        %unpack3A_483 = tpu.unpack_subelements %get3A_479, 1 {pack_format = #tpu.pack_format<interleaved>} : vector<32xbf16> -> vector<16xf32>
        %add3A_484 = arith.addf %add3A_466, %unpack3A_480 : vector<16xf32>
        %add3A_485 = arith.addf %add3A_467, %unpack3A_481 : vector<16xf32>
        %add3A_486 = arith.addf %add3A_468, %unpack3A_482 : vector<16xf32>
        %add3A_487 = arith.addf %add3A_469, %unpack3A_483 : vector<16xf32>
        %add3A_488 = arith.constant 17 : i32
        %add3A_489 = arith.addi %mul3A_182, %add3A_488 : i32
        %get3A_490 = arith.index_cast %add3A_489 : i32 to index
        %get3A_491 = arith.constant 0 : index
        %get3A_492 = tpu.vector_load %arg6[%get3A_490, %get3A_491] {strides = array<i32>} : memref<800x64xbf16, #tpu.memory_space<vmem>>, vector<32xbf16>,
        %add3A_493 = arith.constant 17 : i32
        %add3A_494 = arith.addi %mul3A_182, %add3A_493 : i32
        %get3A_495 = arith.index_cast %add3A_494 : i32 to index
        %get3A_496 = arith.constant 32 : index
        %get3A_497 = tpu.vector_load %arg6[%get3A_495, %get3A_496] {strides = array<i32>} : memref<800x64xbf16, #tpu.memory_space<vmem>>, vector<32xbf16>,
        %unpack3A_498 = tpu.unpack_subelements %get3A_492, 0 {pack_format = #tpu.pack_format<interleaved>} : vector<32xbf16> -> vector<16xf32>
        %unpack3A_499 = tpu.unpack_subelements %get3A_492, 1 {pack_format = #tpu.pack_format<interleaved>} : vector<32xbf16> -> vector<16xf32>
        %unpack3A_500 = tpu.unpack_subelements %get3A_497, 0 {pack_format = #tpu.pack_format<interleaved>} : vector<32xbf16> -> vector<16xf32>
        %unpack3A_501 = tpu.unpack_subelements %get3A_497, 1 {pack_format = #tpu.pack_format<interleaved>} : vector<32xbf16> -> vector<16xf32>
        %add3A_502 = arith.addf %add3A_484, %unpack3A_498 : vector<16xf32>
        %add3A_503 = arith.addf %add3A_485, %unpack3A_499 : vector<16xf32>
        %add3A_504 = arith.addf %add3A_486, %unpack3A_500 : vector<16xf32>
        %add3A_505 = arith.addf %add3A_487, %unpack3A_501 : vector<16xf32>
        %add3A_506 = arith.constant 18 : i32
        %add3A_507 = arith.addi %mul3A_182, %add3A_506 : i32
        %get3A_508 = arith.index_cast %add3A_507 : i32 to index
        %get3A_509 = arith.constant 0 : index
        %get3A_510 = tpu.vector_load %arg6[%get3A_508, %get3A_509] {strides = array<i32>} : memref<800x64xbf16, #tpu.memory_space<vmem>>, vector<32xbf16>,
        %add3A_511 = arith.constant 18 : i32
        %add3A_512 = arith.addi %mul3A_182, %add3A_511 : i32
        %get3A_513 = arith.index_cast %add3A_512 : i32 to index
        %get3A_514 = arith.constant 32 : index
        %get3A_515 = tpu.vector_load %arg6[%get3A_513, %get3A_514] {strides = array<i32>} : memref<800x64xbf16, #tpu.memory_space<vmem>>, vector<32xbf16>,
        %unpack3A_516 = tpu.unpack_subelements %get3A_510, 0 {pack_format = #tpu.pack_format<interleaved>} : vector<32xbf16> -> vector<16xf32>
        %unpack3A_517 = tpu.unpack_subelements %get3A_510, 1 {pack_format = #tpu.pack_format<interleaved>} : vector<32xbf16> -> vector<16xf32>
        %unpack3A_518 = tpu.unpack_subelements %get3A_515, 0 {pack_format = #tpu.pack_format<interleaved>} : vector<32xbf16> -> vector<16xf32>
        %unpack3A_519 = tpu.unpack_subelements %get3A_515, 1 {pack_format = #tpu.pack_format<interleaved>} : vector<32xbf16> -> vector<16xf32>
        %add3A_520 = arith.addf %add3A_502, %unpack3A_516 : vector<16xf32>
        %add3A_521 = arith.addf %add3A_503, %unpack3A_517 : vector<16xf32>
        %add3A_522 = arith.addf %add3A_504, %unpack3A_518 : vector<16xf32>
        %add3A_523 = arith.addf %add3A_505, %unpack3A_519 : vector<16xf32>
        %add3A_524 = arith.constant 19 : i32
        %add3A_525 = arith.addi %mul3A_182, %add3A_524 : i32
        %get3A_526 = arith.index_cast %add3A_525 : i32 to index
        %get3A_527 = arith.constant 0 : index
        %get3A_528 = tpu.vector_load %arg6[%get3A_526, %get3A_527] {strides = array<i32>} : memref<800x64xbf16, #tpu.memory_space<vmem>>, vector<32xbf16>,
        %add3A_529 = arith.constant 19 : i32
        %add3A_530 = arith.addi %mul3A_182, %add3A_529 : i32
        %get3A_531 = arith.index_cast %add3A_530 : i32 to index
        %get3A_532 = arith.constant 32 : index
        %get3A_533 = tpu.vector_load %arg6[%get3A_531, %get3A_532] {strides = array<i32>} : memref<800x64xbf16, #tpu.memory_space<vmem>>, vector<32xbf16>,
        %unpack3A_534 = tpu.unpack_subelements %get3A_528, 0 {pack_format = #tpu.pack_format<interleaved>} : vector<32xbf16> -> vector<16xf32>
        %unpack3A_535 = tpu.unpack_subelements %get3A_528, 1 {pack_format = #tpu.pack_format<interleaved>} : vector<32xbf16> -> vector<16xf32>
        %unpack3A_536 = tpu.unpack_subelements %get3A_533, 0 {pack_format = #tpu.pack_format<interleaved>} : vector<32xbf16> -> vector<16xf32>
        %unpack3A_537 = tpu.unpack_subelements %get3A_533, 1 {pack_format = #tpu.pack_format<interleaved>} : vector<32xbf16> -> vector<16xf32>
        %add3A_538 = arith.addf %add3A_520, %unpack3A_534 : vector<16xf32>
        %add3A_539 = arith.addf %add3A_521, %unpack3A_535 : vector<16xf32>
        %add3A_540 = arith.addf %add3A_522, %unpack3A_536 : vector<16xf32>
        %add3A_541 = arith.addf %add3A_523, %unpack3A_537 : vector<16xf32>
        %add3A_542 = arith.constant 20 : i32
        %add3A_543 = arith.addi %mul3A_182, %add3A_542 : i32
        %get3A_544 = arith.index_cast %add3A_543 : i32 to index
        %get3A_545 = arith.constant 0 : index
        %get3A_546 = tpu.vector_load %arg6[%get3A_544, %get3A_545] {strides = array<i32>} : memref<800x64xbf16, #tpu.memory_space<vmem>>, vector<32xbf16>,
        %add3A_547 = arith.constant 20 : i32
        %add3A_548 = arith.addi %mul3A_182, %add3A_547 : i32
        %get3A_549 = arith.index_cast %add3A_548 : i32 to index
        %get3A_550 = arith.constant 32 : index
        %get3A_551 = tpu.vector_load %arg6[%get3A_549, %get3A_550] {strides = array<i32>} : memref<800x64xbf16, #tpu.memory_space<vmem>>, vector<32xbf16>,
        %unpack3A_552 = tpu.unpack_subelements %get3A_546, 0 {pack_format = #tpu.pack_format<interleaved>} : vector<32xbf16> -> vector<16xf32>
        %unpack3A_553 = tpu.unpack_subelements %get3A_546, 1 {pack_format = #tpu.pack_format<interleaved>} : vector<32xbf16> -> vector<16xf32>
        %unpack3A_554 = tpu.unpack_subelements %get3A_551, 0 {pack_format = #tpu.pack_format<interleaved>} : vector<32xbf16> -> vector<16xf32>
        %unpack3A_555 = tpu.unpack_subelements %get3A_551, 1 {pack_format = #tpu.pack_format<interleaved>} : vector<32xbf16> -> vector<16xf32>
        %add3A_556 = arith.addf %add3A_538, %unpack3A_552 : vector<16xf32>
        %add3A_557 = arith.addf %add3A_539, %unpack3A_553 : vector<16xf32>
        %add3A_558 = arith.addf %add3A_540, %unpack3A_554 : vector<16xf32>
        %add3A_559 = arith.addf %add3A_541, %unpack3A_555 : vector<16xf32>
        %add3A_560 = arith.constant 21 : i32
        %add3A_561 = arith.addi %mul3A_182, %add3A_560 : i32
        %get3A_562 = arith.index_cast %add3A_561 : i32 to index
        %get3A_563 = arith.constant 0 : index
        %get3A_564 = tpu.vector_load %arg6[%get3A_562, %get3A_563] {strides = array<i32>} : memref<800x64xbf16, #tpu.memory_space<vmem>>, vector<32xbf16>,
        %add3A_565 = arith.constant 21 : i32
        %add3A_566 = arith.addi %mul3A_182, %add3A_565 : i32
        %get3A_567 = arith.index_cast %add3A_566 : i32 to index
        %get3A_568 = arith.constant 32 : index
        %get3A_569 = tpu.vector_load %arg6[%get3A_567, %get3A_568] {strides = array<i32>} : memref<800x64xbf16, #tpu.memory_space<vmem>>, vector<32xbf16>,
        %unpack3A_570 = tpu.unpack_subelements %get3A_564, 0 {pack_format = #tpu.pack_format<interleaved>} : vector<32xbf16> -> vector<16xf32>
        %unpack3A_571 = tpu.unpack_subelements %get3A_564, 1 {pack_format = #tpu.pack_format<interleaved>} : vector<32xbf16> -> vector<16xf32>
        %unpack3A_572 = tpu.unpack_subelements %get3A_569, 0 {pack_format = #tpu.pack_format<interleaved>} : vector<32xbf16> -> vector<16xf32>
        %unpack3A_573 = tpu.unpack_subelements %get3A_569, 1 {pack_format = #tpu.pack_format<interleaved>} : vector<32xbf16> -> vector<16xf32>
        %add3A_574 = arith.addf %add3A_556, %unpack3A_570 : vector<16xf32>
        %add3A_575 = arith.addf %add3A_557, %unpack3A_571 : vector<16xf32>
        %add3A_576 = arith.addf %add3A_558, %unpack3A_572 : vector<16xf32>
        %add3A_577 = arith.addf %add3A_559, %unpack3A_573 : vector<16xf32>
        %add3A_578 = arith.constant 22 : i32
        %add3A_579 = arith.addi %mul3A_182, %add3A_578 : i32
        %get3A_580 = arith.index_cast %add3A_579 : i32 to index
        %get3A_581 = arith.constant 0 : index
        %get3A_582 = tpu.vector_load %arg6[%get3A_580, %get3A_581] {strides = array<i32>} : memref<800x64xbf16, #tpu.memory_space<vmem>>, vector<32xbf16>,
        %add3A_583 = arith.constant 22 : i32
        %add3A_584 = arith.addi %mul3A_182, %add3A_583 : i32
        %get3A_585 = arith.index_cast %add3A_584 : i32 to index
        %get3A_586 = arith.constant 32 : index
        %get3A_587 = tpu.vector_load %arg6[%get3A_585, %get3A_586] {strides = array<i32>} : memref<800x64xbf16, #tpu.memory_space<vmem>>, vector<32xbf16>,
        %unpack3A_588 = tpu.unpack_subelements %get3A_582, 0 {pack_format = #tpu.pack_format<interleaved>} : vector<32xbf16> -> vector<16xf32>
        %unpack3A_589 = tpu.unpack_subelements %get3A_582, 1 {pack_format = #tpu.pack_format<interleaved>} : vector<32xbf16> -> vector<16xf32>
        %unpack3A_590 = tpu.unpack_subelements %get3A_587, 0 {pack_format = #tpu.pack_format<interleaved>} : vector<32xbf16> -> vector<16xf32>
        %unpack3A_591 = tpu.unpack_subelements %get3A_587, 1 {pack_format = #tpu.pack_format<interleaved>} : vector<32xbf16> -> vector<16xf32>
        %add3A_592 = arith.addf %add3A_574, %unpack3A_588 : vector<16xf32>
        %add3A_593 = arith.addf %add3A_575, %unpack3A_589 : vector<16xf32>
        %add3A_594 = arith.addf %add3A_576, %unpack3A_590 : vector<16xf32>
        %add3A_595 = arith.addf %add3A_577, %unpack3A_591 : vector<16xf32>
        %add3A_596 = arith.constant 23 : i32
        %add3A_597 = arith.addi %mul3A_182, %add3A_596 : i32
        %get3A_598 = arith.index_cast %add3A_597 : i32 to index
        %get3A_599 = arith.constant 0 : index
        %get3A_600 = tpu.vector_load %arg6[%get3A_598, %get3A_599] {strides = array<i32>} : memref<800x64xbf16, #tpu.memory_space<vmem>>, vector<32xbf16>,
        %add3A_601 = arith.constant 23 : i32
        %add3A_602 = arith.addi %mul3A_182, %add3A_601 : i32
        %get3A_603 = arith.index_cast %add3A_602 : i32 to index
        %get3A_604 = arith.constant 32 : index
        %get3A_605 = tpu.vector_load %arg6[%get3A_603, %get3A_604] {strides = array<i32>} : memref<800x64xbf16, #tpu.memory_space<vmem>>, vector<32xbf16>,
        %unpack3A_606 = tpu.unpack_subelements %get3A_600, 0 {pack_format = #tpu.pack_format<interleaved>} : vector<32xbf16> -> vector<16xf32>
        %unpack3A_607 = tpu.unpack_subelements %get3A_600, 1 {pack_format = #tpu.pack_format<interleaved>} : vector<32xbf16> -> vector<16xf32>
        %unpack3A_608 = tpu.unpack_subelements %get3A_605, 0 {pack_format = #tpu.pack_format<interleaved>} : vector<32xbf16> -> vector<16xf32>
        %unpack3A_609 = tpu.unpack_subelements %get3A_605, 1 {pack_format = #tpu.pack_format<interleaved>} : vector<32xbf16> -> vector<16xf32>
        %add3A_610 = arith.addf %add3A_592, %unpack3A_606 : vector<16xf32>
        %add3A_611 = arith.addf %add3A_593, %unpack3A_607 : vector<16xf32>
        %add3A_612 = arith.addf %add3A_594, %unpack3A_608 : vector<16xf32>
        %add3A_613 = arith.addf %add3A_595, %unpack3A_609 : vector<16xf32>
        %add3A_614 = arith.constant 24 : i32
        %add3A_615 = arith.addi %mul3A_182, %add3A_614 : i32
        %get3A_616 = arith.index_cast %add3A_615 : i32 to index
        %get3A_617 = arith.constant 0 : index
        %get3A_618 = tpu.vector_load %arg6[%get3A_616, %get3A_617] {strides = array<i32>} : memref<800x64xbf16, #tpu.memory_space<vmem>>, vector<32xbf16>,
        %add3A_619 = arith.constant 24 : i32
        %add3A_620 = arith.addi %mul3A_182, %add3A_619 : i32
        %get3A_621 = arith.index_cast %add3A_620 : i32 to index
        %get3A_622 = arith.constant 32 : index
        %get3A_623 = tpu.vector_load %arg6[%get3A_621, %get3A_622] {strides = array<i32>} : memref<800x64xbf16, #tpu.memory_space<vmem>>, vector<32xbf16>,
        %unpack3A_624 = tpu.unpack_subelements %get3A_618, 0 {pack_format = #tpu.pack_format<interleaved>} : vector<32xbf16> -> vector<16xf32>
        %unpack3A_625 = tpu.unpack_subelements %get3A_618, 1 {pack_format = #tpu.pack_format<interleaved>} : vector<32xbf16> -> vector<16xf32>
        %unpack3A_626 = tpu.unpack_subelements %get3A_623, 0 {pack_format = #tpu.pack_format<interleaved>} : vector<32xbf16> -> vector<16xf32>
        %unpack3A_627 = tpu.unpack_subelements %get3A_623, 1 {pack_format = #tpu.pack_format<interleaved>} : vector<32xbf16> -> vector<16xf32>
        %add3A_628 = arith.addf %add3A_610, %unpack3A_624 : vector<16xf32>
        %add3A_629 = arith.addf %add3A_611, %unpack3A_625 : vector<16xf32>
        %add3A_630 = arith.addf %add3A_612, %unpack3A_626 : vector<16xf32>
        %add3A_631 = arith.addf %add3A_613, %unpack3A_627 : vector<16xf32>
        %add3A_632 = arith.constant 25 : i32
        %add3A_633 = arith.addi %mul3A_182, %add3A_632 : i32
        %get3A_634 = arith.index_cast %add3A_633 : i32 to index
        %get3A_635 = arith.constant 0 : index
        %get3A_636 = tpu.vector_load %arg6[%get3A_634, %get3A_635] {strides = array<i32>} : memref<800x64xbf16, #tpu.memory_space<vmem>>, vector<32xbf16>,
        %add3A_637 = arith.constant 25 : i32
        %add3A_638 = arith.addi %mul3A_182, %add3A_637 : i32
        %get3A_639 = arith.index_cast %add3A_638 : i32 to index
        %get3A_640 = arith.constant 32 : index
        %get3A_641 = tpu.vector_load %arg6[%get3A_639, %get3A_640] {strides = array<i32>} : memref<800x64xbf16, #tpu.memory_space<vmem>>, vector<32xbf16>,
        %unpack3A_642 = tpu.unpack_subelements %get3A_636, 0 {pack_format = #tpu.pack_format<interleaved>} : vector<32xbf16> -> vector<16xf32>
        %unpack3A_643 = tpu.unpack_subelements %get3A_636, 1 {pack_format = #tpu.pack_format<interleaved>} : vector<32xbf16> -> vector<16xf32>
        %unpack3A_644 = tpu.unpack_subelements %get3A_641, 0 {pack_format = #tpu.pack_format<interleaved>} : vector<32xbf16> -> vector<16xf32>
        %unpack3A_645 = tpu.unpack_subelements %get3A_641, 1 {pack_format = #tpu.pack_format<interleaved>} : vector<32xbf16> -> vector<16xf32>
        %add3A_646 = arith.addf %add3A_628, %unpack3A_642 : vector<16xf32>
        %add3A_647 = arith.addf %add3A_629, %unpack3A_643 : vector<16xf32>
        %add3A_648 = arith.addf %add3A_630, %unpack3A_644 : vector<16xf32>
        %add3A_649 = arith.addf %add3A_631, %unpack3A_645 : vector<16xf32>
        %add3A_650 = arith.constant 26 : i32
        %add3A_651 = arith.addi %mul3A_182, %add3A_650 : i32
        %get3A_652 = arith.index_cast %add3A_651 : i32 to index
        %get3A_653 = arith.constant 0 : index
        %get3A_654 = tpu.vector_load %arg6[%get3A_652, %get3A_653] {strides = array<i32>} : memref<800x64xbf16, #tpu.memory_space<vmem>>, vector<32xbf16>,
        %add3A_655 = arith.constant 26 : i32
        %add3A_656 = arith.addi %mul3A_182, %add3A_655 : i32
        %get3A_657 = arith.index_cast %add3A_656 : i32 to index
        %get3A_658 = arith.constant 32 : index
        %get3A_659 = tpu.vector_load %arg6[%get3A_657, %get3A_658] {strides = array<i32>} : memref<800x64xbf16, #tpu.memory_space<vmem>>, vector<32xbf16>,
        %unpack3A_660 = tpu.unpack_subelements %get3A_654, 0 {pack_format = #tpu.pack_format<interleaved>} : vector<32xbf16> -> vector<16xf32>
        %unpack3A_661 = tpu.unpack_subelements %get3A_654, 1 {pack_format = #tpu.pack_format<interleaved>} : vector<32xbf16> -> vector<16xf32>
        %unpack3A_662 = tpu.unpack_subelements %get3A_659, 0 {pack_format = #tpu.pack_format<interleaved>} : vector<32xbf16> -> vector<16xf32>
        %unpack3A_663 = tpu.unpack_subelements %get3A_659, 1 {pack_format = #tpu.pack_format<interleaved>} : vector<32xbf16> -> vector<16xf32>
        %add3A_664 = arith.addf %add3A_646, %unpack3A_660 : vector<16xf32>
        %add3A_665 = arith.addf %add3A_647, %unpack3A_661 : vector<16xf32>
        %add3A_666 = arith.addf %add3A_648, %unpack3A_662 : vector<16xf32>
        %add3A_667 = arith.addf %add3A_649, %unpack3A_663 : vector<16xf32>
        %add3A_668 = arith.constant 27 : i32
        %add3A_669 = arith.addi %mul3A_182, %add3A_668 : i32
        %get3A_670 = arith.index_cast %add3A_669 : i32 to index
        %get3A_671 = arith.constant 0 : index
        %get3A_672 = tpu.vector_load %arg6[%get3A_670, %get3A_671] {strides = array<i32>} : memref<800x64xbf16, #tpu.memory_space<vmem>>, vector<32xbf16>,
        %add3A_673 = arith.constant 27 : i32
        %add3A_674 = arith.addi %mul3A_182, %add3A_673 : i32
        %get3A_675 = arith.index_cast %add3A_674 : i32 to index
        %get3A_676 = arith.constant 32 : index
        %get3A_677 = tpu.vector_load %arg6[%get3A_675, %get3A_676] {strides = array<i32>} : memref<800x64xbf16, #tpu.memory_space<vmem>>, vector<32xbf16>,
        %unpack3A_678 = tpu.unpack_subelements %get3A_672, 0 {pack_format = #tpu.pack_format<interleaved>} : vector<32xbf16> -> vector<16xf32>
        %unpack3A_679 = tpu.unpack_subelements %get3A_672, 1 {pack_format = #tpu.pack_format<interleaved>} : vector<32xbf16> -> vector<16xf32>
        %unpack3A_680 = tpu.unpack_subelements %get3A_677, 0 {pack_format = #tpu.pack_format<interleaved>} : vector<32xbf16> -> vector<16xf32>
        %unpack3A_681 = tpu.unpack_subelements %get3A_677, 1 {pack_format = #tpu.pack_format<interleaved>} : vector<32xbf16> -> vector<16xf32>
        %add3A_682 = arith.addf %add3A_664, %unpack3A_678 : vector<16xf32>
        %add3A_683 = arith.addf %add3A_665, %unpack3A_679 : vector<16xf32>
        %add3A_684 = arith.addf %add3A_666, %unpack3A_680 : vector<16xf32>
        %add3A_685 = arith.addf %add3A_667, %unpack3A_681 : vector<16xf32>
        %add3A_686 = arith.constant 28 : i32
        %add3A_687 = arith.addi %mul3A_182, %add3A_686 : i32
        %get3A_688 = arith.index_cast %add3A_687 : i32 to index
        %get3A_689 = arith.constant 0 : index
        %get3A_690 = tpu.vector_load %arg6[%get3A_688, %get3A_689] {strides = array<i32>} : memref<800x64xbf16, #tpu.memory_space<vmem>>, vector<32xbf16>,
        %add3A_691 = arith.constant 28 : i32
        %add3A_692 = arith.addi %mul3A_182, %add3A_691 : i32
        %get3A_693 = arith.index_cast %add3A_692 : i32 to index
        %get3A_694 = arith.constant 32 : index
        %get3A_695 = tpu.vector_load %arg6[%get3A_693, %get3A_694] {strides = array<i32>} : memref<800x64xbf16, #tpu.memory_space<vmem>>, vector<32xbf16>,
        %unpack3A_696 = tpu.unpack_subelements %get3A_690, 0 {pack_format = #tpu.pack_format<interleaved>} : vector<32xbf16> -> vector<16xf32>
        %unpack3A_697 = tpu.unpack_subelements %get3A_690, 1 {pack_format = #tpu.pack_format<interleaved>} : vector<32xbf16> -> vector<16xf32>
        %unpack3A_698 = tpu.unpack_subelements %get3A_695, 0 {pack_format = #tpu.pack_format<interleaved>} : vector<32xbf16> -> vector<16xf32>
        %unpack3A_699 = tpu.unpack_subelements %get3A_695, 1 {pack_format = #tpu.pack_format<interleaved>} : vector<32xbf16> -> vector<16xf32>
        %add3A_700 = arith.addf %add3A_682, %unpack3A_696 : vector<16xf32>
        %add3A_701 = arith.addf %add3A_683, %unpack3A_697 : vector<16xf32>
        %add3A_702 = arith.addf %add3A_684, %unpack3A_698 : vector<16xf32>
        %add3A_703 = arith.addf %add3A_685, %unpack3A_699 : vector<16xf32>
        %add3A_704 = arith.constant 29 : i32
        %add3A_705 = arith.addi %mul3A_182, %add3A_704 : i32
        %get3A_706 = arith.index_cast %add3A_705 : i32 to index
        %get3A_707 = arith.constant 0 : index
        %get3A_708 = tpu.vector_load %arg6[%get3A_706, %get3A_707] {strides = array<i32>} : memref<800x64xbf16, #tpu.memory_space<vmem>>, vector<32xbf16>,
        %add3A_709 = arith.constant 29 : i32
        %add3A_710 = arith.addi %mul3A_182, %add3A_709 : i32
        %get3A_711 = arith.index_cast %add3A_710 : i32 to index
        %get3A_712 = arith.constant 32 : index
        %get3A_713 = tpu.vector_load %arg6[%get3A_711, %get3A_712] {strides = array<i32>} : memref<800x64xbf16, #tpu.memory_space<vmem>>, vector<32xbf16>,
        %unpack3A_714 = tpu.unpack_subelements %get3A_708, 0 {pack_format = #tpu.pack_format<interleaved>} : vector<32xbf16> -> vector<16xf32>
        %unpack3A_715 = tpu.unpack_subelements %get3A_708, 1 {pack_format = #tpu.pack_format<interleaved>} : vector<32xbf16> -> vector<16xf32>
        %unpack3A_716 = tpu.unpack_subelements %get3A_713, 0 {pack_format = #tpu.pack_format<interleaved>} : vector<32xbf16> -> vector<16xf32>
        %unpack3A_717 = tpu.unpack_subelements %get3A_713, 1 {pack_format = #tpu.pack_format<interleaved>} : vector<32xbf16> -> vector<16xf32>
        %add3A_718 = arith.addf %add3A_700, %unpack3A_714 : vector<16xf32>
        %add3A_719 = arith.addf %add3A_701, %unpack3A_715 : vector<16xf32>
        %add3A_720 = arith.addf %add3A_702, %unpack3A_716 : vector<16xf32>
        %add3A_721 = arith.addf %add3A_703, %unpack3A_717 : vector<16xf32>
        %add3A_722 = arith.constant 30 : i32
        %add3A_723 = arith.addi %mul3A_182, %add3A_722 : i32
        %get3A_724 = arith.index_cast %add3A_723 : i32 to index
        %get3A_725 = arith.constant 0 : index
        %get3A_726 = tpu.vector_load %arg6[%get3A_724, %get3A_725] {strides = array<i32>} : memref<800x64xbf16, #tpu.memory_space<vmem>>, vector<32xbf16>,
        %add3A_727 = arith.constant 30 : i32
        %add3A_728 = arith.addi %mul3A_182, %add3A_727 : i32
        %get3A_729 = arith.index_cast %add3A_728 : i32 to index
        %get3A_730 = arith.constant 32 : index
        %get3A_731 = tpu.vector_load %arg6[%get3A_729, %get3A_730] {strides = array<i32>} : memref<800x64xbf16, #tpu.memory_space<vmem>>, vector<32xbf16>,
        %unpack3A_732 = tpu.unpack_subelements %get3A_726, 0 {pack_format = #tpu.pack_format<interleaved>} : vector<32xbf16> -> vector<16xf32>
        %unpack3A_733 = tpu.unpack_subelements %get3A_726, 1 {pack_format = #tpu.pack_format<interleaved>} : vector<32xbf16> -> vector<16xf32>
        %unpack3A_734 = tpu.unpack_subelements %get3A_731, 0 {pack_format = #tpu.pack_format<interleaved>} : vector<32xbf16> -> vector<16xf32>
        %unpack3A_735 = tpu.unpack_subelements %get3A_731, 1 {pack_format = #tpu.pack_format<interleaved>} : vector<32xbf16> -> vector<16xf32>
        %add3A_736 = arith.addf %add3A_718, %unpack3A_732 : vector<16xf32>
        %add3A_737 = arith.addf %add3A_719, %unpack3A_733 : vector<16xf32>
        %add3A_738 = arith.addf %add3A_720, %unpack3A_734 : vector<16xf32>
        %add3A_739 = arith.addf %add3A_721, %unpack3A_735 : vector<16xf32>
        %add3A_740 = arith.constant 31 : i32
        %add3A_741 = arith.addi %mul3A_182, %add3A_740 : i32
        %get3A_742 = arith.index_cast %add3A_741 : i32 to index
        %get3A_743 = arith.constant 0 : index
        %get3A_744 = tpu.vector_load %arg6[%get3A_742, %get3A_743] {strides = array<i32>} : memref<800x64xbf16, #tpu.memory_space<vmem>>, vector<32xbf16>,
        %add3A_745 = arith.constant 31 : i32
        %add3A_746 = arith.addi %mul3A_182, %add3A_745 : i32
        %get3A_747 = arith.index_cast %add3A_746 : i32 to index
        %get3A_748 = arith.constant 32 : index
        %get3A_749 = tpu.vector_load %arg6[%get3A_747, %get3A_748] {strides = array<i32>} : memref<800x64xbf16, #tpu.memory_space<vmem>>, vector<32xbf16>,
        %unpack3A_750 = tpu.unpack_subelements %get3A_744, 0 {pack_format = #tpu.pack_format<interleaved>} : vector<32xbf16> -> vector<16xf32>
        %unpack3A_751 = tpu.unpack_subelements %get3A_744, 1 {pack_format = #tpu.pack_format<interleaved>} : vector<32xbf16> -> vector<16xf32>
        %unpack3A_752 = tpu.unpack_subelements %get3A_749, 0 {pack_format = #tpu.pack_format<interleaved>} : vector<32xbf16> -> vector<16xf32>
        %unpack3A_753 = tpu.unpack_subelements %get3A_749, 1 {pack_format = #tpu.pack_format<interleaved>} : vector<32xbf16> -> vector<16xf32>
        %add3A_754 = arith.addf %add3A_736, %unpack3A_750 : vector<16xf32>
        %add3A_755 = arith.addf %add3A_737, %unpack3A_751 : vector<16xf32>
        %add3A_756 = arith.addf %add3A_738, %unpack3A_752 : vector<16xf32>
        %add3A_757 = arith.addf %add3A_739, %unpack3A_753 : vector<16xf32>
        %add3A_758 = arith.constant 32 : i32
        %add3A_759 = arith.addi %mul3A_182, %add3A_758 : i32
        %get3A_760 = arith.index_cast %add3A_759 : i32 to index
        %get3A_761 = arith.constant 0 : index
        %get3A_762 = tpu.vector_load %arg6[%get3A_760, %get3A_761] {strides = array<i32>} : memref<800x64xbf16, #tpu.memory_space<vmem>>, vector<32xbf16>,
        %add3A_763 = arith.constant 32 : i32
        %add3A_764 = arith.addi %mul3A_182, %add3A_763 : i32
        %get3A_765 = arith.index_cast %add3A_764 : i32 to index
        %get3A_766 = arith.constant 32 : index
        %get3A_767 = tpu.vector_load %arg6[%get3A_765, %get3A_766] {strides = array<i32>} : memref<800x64xbf16, #tpu.memory_space<vmem>>, vector<32xbf16>,
        %unpack3A_768 = tpu.unpack_subelements %get3A_762, 0 {pack_format = #tpu.pack_format<interleaved>} : vector<32xbf16> -> vector<16xf32>
        %unpack3A_769 = tpu.unpack_subelements %get3A_762, 1 {pack_format = #tpu.pack_format<interleaved>} : vector<32xbf16> -> vector<16xf32>
        %unpack3A_770 = tpu.unpack_subelements %get3A_767, 0 {pack_format = #tpu.pack_format<interleaved>} : vector<32xbf16> -> vector<16xf32>
        %unpack3A_771 = tpu.unpack_subelements %get3A_767, 1 {pack_format = #tpu.pack_format<interleaved>} : vector<32xbf16> -> vector<16xf32>
        %add3A_772 = arith.addf %add3A_754, %unpack3A_768 : vector<16xf32>
        %add3A_773 = arith.addf %add3A_755, %unpack3A_769 : vector<16xf32>
        %add3A_774 = arith.addf %add3A_756, %unpack3A_770 : vector<16xf32>
        %add3A_775 = arith.addf %add3A_757, %unpack3A_771 : vector<16xf32>
        %add3A_776 = arith.constant 33 : i32
        %add3A_777 = arith.addi %mul3A_182, %add3A_776 : i32
        %get3A_778 = arith.index_cast %add3A_777 : i32 to index
        %get3A_779 = arith.constant 0 : index
        %get3A_780 = tpu.vector_load %arg6[%get3A_778, %get3A_779] {strides = array<i32>} : memref<800x64xbf16, #tpu.memory_space<vmem>>, vector<32xbf16>,
        %add3A_781 = arith.constant 33 : i32
        %add3A_782 = arith.addi %mul3A_182, %add3A_781 : i32
        %get3A_783 = arith.index_cast %add3A_782 : i32 to index
        %get3A_784 = arith.constant 32 : index
        %get3A_785 = tpu.vector_load %arg6[%get3A_783, %get3A_784] {strides = array<i32>} : memref<800x64xbf16, #tpu.memory_space<vmem>>, vector<32xbf16>,
        %unpack3A_786 = tpu.unpack_subelements %get3A_780, 0 {pack_format = #tpu.pack_format<interleaved>} : vector<32xbf16> -> vector<16xf32>
        %unpack3A_787 = tpu.unpack_subelements %get3A_780, 1 {pack_format = #tpu.pack_format<interleaved>} : vector<32xbf16> -> vector<16xf32>
        %unpack3A_788 = tpu.unpack_subelements %get3A_785, 0 {pack_format = #tpu.pack_format<interleaved>} : vector<32xbf16> -> vector<16xf32>
        %unpack3A_789 = tpu.unpack_subelements %get3A_785, 1 {pack_format = #tpu.pack_format<interleaved>} : vector<32xbf16> -> vector<16xf32>
        %add3A_790 = arith.addf %add3A_772, %unpack3A_786 : vector<16xf32>
        %add3A_791 = arith.addf %add3A_773, %unpack3A_787 : vector<16xf32>
        %add3A_792 = arith.addf %add3A_774, %unpack3A_788 : vector<16xf32>
        %add3A_793 = arith.addf %add3A_775, %unpack3A_789 : vector<16xf32>
        %add3A_794 = arith.constant 34 : i32
        %add3A_795 = arith.addi %mul3A_182, %add3A_794 : i32
        %get3A_796 = arith.index_cast %add3A_795 : i32 to index
        %get3A_797 = arith.constant 0 : index
        %get3A_798 = tpu.vector_load %arg6[%get3A_796, %get3A_797] {strides = array<i32>} : memref<800x64xbf16, #tpu.memory_space<vmem>>, vector<32xbf16>,
        %add3A_799 = arith.constant 34 : i32
        %add3A_800 = arith.addi %mul3A_182, %add3A_799 : i32
        %get3A_801 = arith.index_cast %add3A_800 : i32 to index
        %get3A_802 = arith.constant 32 : index
        %get3A_803 = tpu.vector_load %arg6[%get3A_801, %get3A_802] {strides = array<i32>} : memref<800x64xbf16, #tpu.memory_space<vmem>>, vector<32xbf16>,
        %unpack3A_804 = tpu.unpack_subelements %get3A_798, 0 {pack_format = #tpu.pack_format<interleaved>} : vector<32xbf16> -> vector<16xf32>
        %unpack3A_805 = tpu.unpack_subelements %get3A_798, 1 {pack_format = #tpu.pack_format<interleaved>} : vector<32xbf16> -> vector<16xf32>
        %unpack3A_806 = tpu.unpack_subelements %get3A_803, 0 {pack_format = #tpu.pack_format<interleaved>} : vector<32xbf16> -> vector<16xf32>
        %unpack3A_807 = tpu.unpack_subelements %get3A_803, 1 {pack_format = #tpu.pack_format<interleaved>} : vector<32xbf16> -> vector<16xf32>
        %add3A_808 = arith.addf %add3A_790, %unpack3A_804 : vector<16xf32>
        %add3A_809 = arith.addf %add3A_791, %unpack3A_805 : vector<16xf32>
        %add3A_810 = arith.addf %add3A_792, %unpack3A_806 : vector<16xf32>
        %add3A_811 = arith.addf %add3A_793, %unpack3A_807 : vector<16xf32>
        %add3A_812 = arith.constant 35 : i32
        %add3A_813 = arith.addi %mul3A_182, %add3A_812 : i32
        %get3A_814 = arith.index_cast %add3A_813 : i32 to index
        %get3A_815 = arith.constant 0 : index
        %get3A_816 = tpu.vector_load %arg6[%get3A_814, %get3A_815] {strides = array<i32>} : memref<800x64xbf16, #tpu.memory_space<vmem>>, vector<32xbf16>,
        %add3A_817 = arith.constant 35 : i32
        %add3A_818 = arith.addi %mul3A_182, %add3A_817 : i32
        %get3A_819 = arith.index_cast %add3A_818 : i32 to index
        %get3A_820 = arith.constant 32 : index
        %get3A_821 = tpu.vector_load %arg6[%get3A_819, %get3A_820] {strides = array<i32>} : memref<800x64xbf16, #tpu.memory_space<vmem>>, vector<32xbf16>,
        %unpack3A_822 = tpu.unpack_subelements %get3A_816, 0 {pack_format = #tpu.pack_format<interleaved>} : vector<32xbf16> -> vector<16xf32>
        %unpack3A_823 = tpu.unpack_subelements %get3A_816, 1 {pack_format = #tpu.pack_format<interleaved>} : vector<32xbf16> -> vector<16xf32>
        %unpack3A_824 = tpu.unpack_subelements %get3A_821, 0 {pack_format = #tpu.pack_format<interleaved>} : vector<32xbf16> -> vector<16xf32>
        %unpack3A_825 = tpu.unpack_subelements %get3A_821, 1 {pack_format = #tpu.pack_format<interleaved>} : vector<32xbf16> -> vector<16xf32>
        %add3A_826 = arith.addf %add3A_808, %unpack3A_822 : vector<16xf32>
        %add3A_827 = arith.addf %add3A_809, %unpack3A_823 : vector<16xf32>
        %add3A_828 = arith.addf %add3A_810, %unpack3A_824 : vector<16xf32>
        %add3A_829 = arith.addf %add3A_811, %unpack3A_825 : vector<16xf32>
        %add3A_830 = arith.constant 36 : i32
        %add3A_831 = arith.addi %mul3A_182, %add3A_830 : i32
        %get3A_832 = arith.index_cast %add3A_831 : i32 to index
        %get3A_833 = arith.constant 0 : index
        %get3A_834 = tpu.vector_load %arg6[%get3A_832, %get3A_833] {strides = array<i32>} : memref<800x64xbf16, #tpu.memory_space<vmem>>, vector<32xbf16>,
        %add3A_835 = arith.constant 36 : i32
        %add3A_836 = arith.addi %mul3A_182, %add3A_835 : i32
        %get3A_837 = arith.index_cast %add3A_836 : i32 to index
        %get3A_838 = arith.constant 32 : index
        %get3A_839 = tpu.vector_load %arg6[%get3A_837, %get3A_838] {strides = array<i32>} : memref<800x64xbf16, #tpu.memory_space<vmem>>, vector<32xbf16>,
        %unpack3A_840 = tpu.unpack_subelements %get3A_834, 0 {pack_format = #tpu.pack_format<interleaved>} : vector<32xbf16> -> vector<16xf32>
        %unpack3A_841 = tpu.unpack_subelements %get3A_834, 1 {pack_format = #tpu.pack_format<interleaved>} : vector<32xbf16> -> vector<16xf32>
        %unpack3A_842 = tpu.unpack_subelements %get3A_839, 0 {pack_format = #tpu.pack_format<interleaved>} : vector<32xbf16> -> vector<16xf32>
        %unpack3A_843 = tpu.unpack_subelements %get3A_839, 1 {pack_format = #tpu.pack_format<interleaved>} : vector<32xbf16> -> vector<16xf32>
        %add3A_844 = arith.addf %add3A_826, %unpack3A_840 : vector<16xf32>
        %add3A_845 = arith.addf %add3A_827, %unpack3A_841 : vector<16xf32>
        %add3A_846 = arith.addf %add3A_828, %unpack3A_842 : vector<16xf32>
        %add3A_847 = arith.addf %add3A_829, %unpack3A_843 : vector<16xf32>
        %add3A_848 = arith.constant 37 : i32
        %add3A_849 = arith.addi %mul3A_182, %add3A_848 : i32
        %get3A_850 = arith.index_cast %add3A_849 : i32 to index
        %get3A_851 = arith.constant 0 : index
        %get3A_852 = tpu.vector_load %arg6[%get3A_850, %get3A_851] {strides = array<i32>} : memref<800x64xbf16, #tpu.memory_space<vmem>>, vector<32xbf16>,
        %add3A_853 = arith.constant 37 : i32
        %add3A_854 = arith.addi %mul3A_182, %add3A_853 : i32
        %get3A_855 = arith.index_cast %add3A_854 : i32 to index
        %get3A_856 = arith.constant 32 : index
        %get3A_857 = tpu.vector_load %arg6[%get3A_855, %get3A_856] {strides = array<i32>} : memref<800x64xbf16, #tpu.memory_space<vmem>>, vector<32xbf16>,
        %unpack3A_858 = tpu.unpack_subelements %get3A_852, 0 {pack_format = #tpu.pack_format<interleaved>} : vector<32xbf16> -> vector<16xf32>
        %unpack3A_859 = tpu.unpack_subelements %get3A_852, 1 {pack_format = #tpu.pack_format<interleaved>} : vector<32xbf16> -> vector<16xf32>
        %unpack3A_860 = tpu.unpack_subelements %get3A_857, 0 {pack_format = #tpu.pack_format<interleaved>} : vector<32xbf16> -> vector<16xf32>
        %unpack3A_861 = tpu.unpack_subelements %get3A_857, 1 {pack_format = #tpu.pack_format<interleaved>} : vector<32xbf16> -> vector<16xf32>
        %add3A_862 = arith.addf %add3A_844, %unpack3A_858 : vector<16xf32>
        %add3A_863 = arith.addf %add3A_845, %unpack3A_859 : vector<16xf32>
        %add3A_864 = arith.addf %add3A_846, %unpack3A_860 : vector<16xf32>
        %add3A_865 = arith.addf %add3A_847, %unpack3A_861 : vector<16xf32>
        %add3A_866 = arith.constant 38 : i32
        %add3A_867 = arith.addi %mul3A_182, %add3A_866 : i32
        %get3A_868 = arith.index_cast %add3A_867 : i32 to index
        %get3A_869 = arith.constant 0 : index
        %get3A_870 = tpu.vector_load %arg6[%get3A_868, %get3A_869] {strides = array<i32>} : memref<800x64xbf16, #tpu.memory_space<vmem>>, vector<32xbf16>,
        %add3A_871 = arith.constant 38 : i32
        %add3A_872 = arith.addi %mul3A_182, %add3A_871 : i32
        %get3A_873 = arith.index_cast %add3A_872 : i32 to index
        %get3A_874 = arith.constant 32 : index
        %get3A_875 = tpu.vector_load %arg6[%get3A_873, %get3A_874] {strides = array<i32>} : memref<800x64xbf16, #tpu.memory_space<vmem>>, vector<32xbf16>,
        %unpack3A_876 = tpu.unpack_subelements %get3A_870, 0 {pack_format = #tpu.pack_format<interleaved>} : vector<32xbf16> -> vector<16xf32>
        %unpack3A_877 = tpu.unpack_subelements %get3A_870, 1 {pack_format = #tpu.pack_format<interleaved>} : vector<32xbf16> -> vector<16xf32>
        %unpack3A_878 = tpu.unpack_subelements %get3A_875, 0 {pack_format = #tpu.pack_format<interleaved>} : vector<32xbf16> -> vector<16xf32>
        %unpack3A_879 = tpu.unpack_subelements %get3A_875, 1 {pack_format = #tpu.pack_format<interleaved>} : vector<32xbf16> -> vector<16xf32>
        %add3A_880 = arith.addf %add3A_862, %unpack3A_876 : vector<16xf32>
        %add3A_881 = arith.addf %add3A_863, %unpack3A_877 : vector<16xf32>
        %add3A_882 = arith.addf %add3A_864, %unpack3A_878 : vector<16xf32>
        %add3A_883 = arith.addf %add3A_865, %unpack3A_879 : vector<16xf32>
        %add3A_884 = arith.constant 39 : i32
        %add3A_885 = arith.addi %mul3A_182, %add3A_884 : i32
        %get3A_886 = arith.index_cast %add3A_885 : i32 to index
        %get3A_887 = arith.constant 0 : index
        %get3A_888 = tpu.vector_load %arg6[%get3A_886, %get3A_887] {strides = array<i32>} : memref<800x64xbf16, #tpu.memory_space<vmem>>, vector<32xbf16>,
        %add3A_889 = arith.constant 39 : i32
        %add3A_890 = arith.addi %mul3A_182, %add3A_889 : i32
        %get3A_891 = arith.index_cast %add3A_890 : i32 to index
        %get3A_892 = arith.constant 32 : index
        %get3A_893 = tpu.vector_load %arg6[%get3A_891, %get3A_892] {strides = array<i32>} : memref<800x64xbf16, #tpu.memory_space<vmem>>, vector<32xbf16>,
        %unpack3A_894 = tpu.unpack_subelements %get3A_888, 0 {pack_format = #tpu.pack_format<interleaved>} : vector<32xbf16> -> vector<16xf32>
        %unpack3A_895 = tpu.unpack_subelements %get3A_888, 1 {pack_format = #tpu.pack_format<interleaved>} : vector<32xbf16> -> vector<16xf32>
        %unpack3A_896 = tpu.unpack_subelements %get3A_893, 0 {pack_format = #tpu.pack_format<interleaved>} : vector<32xbf16> -> vector<16xf32>
        %unpack3A_897 = tpu.unpack_subelements %get3A_893, 1 {pack_format = #tpu.pack_format<interleaved>} : vector<32xbf16> -> vector<16xf32>
        %add3A_898 = arith.addf %add3A_880, %unpack3A_894 : vector<16xf32>
        %add3A_899 = arith.addf %add3A_881, %unpack3A_895 : vector<16xf32>
        %add3A_900 = arith.addf %add3A_882, %unpack3A_896 : vector<16xf32>
        %add3A_901 = arith.addf %add3A_883, %unpack3A_897 : vector<16xf32>
        %add3A_902 = arith.constant 40 : i32
        %add3A_903 = arith.addi %mul3A_182, %add3A_902 : i32
        %get3A_904 = arith.index_cast %add3A_903 : i32 to index
        %get3A_905 = arith.constant 0 : index
        %get3A_906 = tpu.vector_load %arg6[%get3A_904, %get3A_905] {strides = array<i32>} : memref<800x64xbf16, #tpu.memory_space<vmem>>, vector<32xbf16>,
        %add3A_907 = arith.constant 40 : i32
        %add3A_908 = arith.addi %mul3A_182, %add3A_907 : i32
        %get3A_909 = arith.index_cast %add3A_908 : i32 to index
        %get3A_910 = arith.constant 32 : index
        %get3A_911 = tpu.vector_load %arg6[%get3A_909, %get3A_910] {strides = array<i32>} : memref<800x64xbf16, #tpu.memory_space<vmem>>, vector<32xbf16>,
        %unpack3A_912 = tpu.unpack_subelements %get3A_906, 0 {pack_format = #tpu.pack_format<interleaved>} : vector<32xbf16> -> vector<16xf32>
        %unpack3A_913 = tpu.unpack_subelements %get3A_906, 1 {pack_format = #tpu.pack_format<interleaved>} : vector<32xbf16> -> vector<16xf32>
        %unpack3A_914 = tpu.unpack_subelements %get3A_911, 0 {pack_format = #tpu.pack_format<interleaved>} : vector<32xbf16> -> vector<16xf32>
        %unpack3A_915 = tpu.unpack_subelements %get3A_911, 1 {pack_format = #tpu.pack_format<interleaved>} : vector<32xbf16> -> vector<16xf32>
        %add3A_916 = arith.addf %add3A_898, %unpack3A_912 : vector<16xf32>
        %add3A_917 = arith.addf %add3A_899, %unpack3A_913 : vector<16xf32>
        %add3A_918 = arith.addf %add3A_900, %unpack3A_914 : vector<16xf32>
        %add3A_919 = arith.addf %add3A_901, %unpack3A_915 : vector<16xf32>
        %add3A_920 = arith.constant 41 : i32
        %add3A_921 = arith.addi %mul3A_182, %add3A_920 : i32
        %get3A_922 = arith.index_cast %add3A_921 : i32 to index
        %get3A_923 = arith.constant 0 : index
        %get3A_924 = tpu.vector_load %arg6[%get3A_922, %get3A_923] {strides = array<i32>} : memref<800x64xbf16, #tpu.memory_space<vmem>>, vector<32xbf16>,
        %add3A_925 = arith.constant 41 : i32
        %add3A_926 = arith.addi %mul3A_182, %add3A_925 : i32
        %get3A_927 = arith.index_cast %add3A_926 : i32 to index
        %get3A_928 = arith.constant 32 : index
        %get3A_929 = tpu.vector_load %arg6[%get3A_927, %get3A_928] {strides = array<i32>} : memref<800x64xbf16, #tpu.memory_space<vmem>>, vector<32xbf16>,
        %unpack3A_930 = tpu.unpack_subelements %get3A_924, 0 {pack_format = #tpu.pack_format<interleaved>} : vector<32xbf16> -> vector<16xf32>
        %unpack3A_931 = tpu.unpack_subelements %get3A_924, 1 {pack_format = #tpu.pack_format<interleaved>} : vector<32xbf16> -> vector<16xf32>
        %unpack3A_932 = tpu.unpack_subelements %get3A_929, 0 {pack_format = #tpu.pack_format<interleaved>} : vector<32xbf16> -> vector<16xf32>
        %unpack3A_933 = tpu.unpack_subelements %get3A_929, 1 {pack_format = #tpu.pack_format<interleaved>} : vector<32xbf16> -> vector<16xf32>
        %add3A_934 = arith.addf %add3A_916, %unpack3A_930 : vector<16xf32>
        %add3A_935 = arith.addf %add3A_917, %unpack3A_931 : vector<16xf32>
        %add3A_936 = arith.addf %add3A_918, %unpack3A_932 : vector<16xf32>
        %add3A_937 = arith.addf %add3A_919, %unpack3A_933 : vector<16xf32>
        %add3A_938 = arith.constant 42 : i32
        %add3A_939 = arith.addi %mul3A_182, %add3A_938 : i32
        %get3A_940 = arith.index_cast %add3A_939 : i32 to index
        %get3A_941 = arith.constant 0 : index
        %get3A_942 = tpu.vector_load %arg6[%get3A_940, %get3A_941] {strides = array<i32>} : memref<800x64xbf16, #tpu.memory_space<vmem>>, vector<32xbf16>,
        %add3A_943 = arith.constant 42 : i32
        %add3A_944 = arith.addi %mul3A_182, %add3A_943 : i32
        %get3A_945 = arith.index_cast %add3A_944 : i32 to index
        %get3A_946 = arith.constant 32 : index
        %get3A_947 = tpu.vector_load %arg6[%get3A_945, %get3A_946] {strides = array<i32>} : memref<800x64xbf16, #tpu.memory_space<vmem>>, vector<32xbf16>,
        %unpack3A_948 = tpu.unpack_subelements %get3A_942, 0 {pack_format = #tpu.pack_format<interleaved>} : vector<32xbf16> -> vector<16xf32>
        %unpack3A_949 = tpu.unpack_subelements %get3A_942, 1 {pack_format = #tpu.pack_format<interleaved>} : vector<32xbf16> -> vector<16xf32>
        %unpack3A_950 = tpu.unpack_subelements %get3A_947, 0 {pack_format = #tpu.pack_format<interleaved>} : vector<32xbf16> -> vector<16xf32>
        %unpack3A_951 = tpu.unpack_subelements %get3A_947, 1 {pack_format = #tpu.pack_format<interleaved>} : vector<32xbf16> -> vector<16xf32>
        %add3A_952 = arith.addf %add3A_934, %unpack3A_948 : vector<16xf32>
        %add3A_953 = arith.addf %add3A_935, %unpack3A_949 : vector<16xf32>
        %add3A_954 = arith.addf %add3A_936, %unpack3A_950 : vector<16xf32>
        %add3A_955 = arith.addf %add3A_937, %unpack3A_951 : vector<16xf32>
        %add3A_956 = arith.constant 43 : i32
        %add3A_957 = arith.addi %mul3A_182, %add3A_956 : i32
        %get3A_958 = arith.index_cast %add3A_957 : i32 to index
        %get3A_959 = arith.constant 0 : index
        %get3A_960 = tpu.vector_load %arg6[%get3A_958, %get3A_959] {strides = array<i32>} : memref<800x64xbf16, #tpu.memory_space<vmem>>, vector<32xbf16>,
        %add3A_961 = arith.constant 43 : i32
        %add3A_962 = arith.addi %mul3A_182, %add3A_961 : i32
        %get3A_963 = arith.index_cast %add3A_962 : i32 to index
        %get3A_964 = arith.constant 32 : index
        %get3A_965 = tpu.vector_load %arg6[%get3A_963, %get3A_964] {strides = array<i32>} : memref<800x64xbf16, #tpu.memory_space<vmem>>, vector<32xbf16>,
        %unpack3A_966 = tpu.unpack_subelements %get3A_960, 0 {pack_format = #tpu.pack_format<interleaved>} : vector<32xbf16> -> vector<16xf32>
        %unpack3A_967 = tpu.unpack_subelements %get3A_960, 1 {pack_format = #tpu.pack_format<interleaved>} : vector<32xbf16> -> vector<16xf32>
        %unpack3A_968 = tpu.unpack_subelements %get3A_965, 0 {pack_format = #tpu.pack_format<interleaved>} : vector<32xbf16> -> vector<16xf32>
        %unpack3A_969 = tpu.unpack_subelements %get3A_965, 1 {pack_format = #tpu.pack_format<interleaved>} : vector<32xbf16> -> vector<16xf32>
        %add3A_970 = arith.addf %add3A_952, %unpack3A_966 : vector<16xf32>
        %add3A_971 = arith.addf %add3A_953, %unpack3A_967 : vector<16xf32>
        %add3A_972 = arith.addf %add3A_954, %unpack3A_968 : vector<16xf32>
        %add3A_973 = arith.addf %add3A_955, %unpack3A_969 : vector<16xf32>
        %add3A_974 = arith.constant 44 : i32
        %add3A_975 = arith.addi %mul3A_182, %add3A_974 : i32
        %get3A_976 = arith.index_cast %add3A_975 : i32 to index
        %get3A_977 = arith.constant 0 : index
        %get3A_978 = tpu.vector_load %arg6[%get3A_976, %get3A_977] {strides = array<i32>} : memref<800x64xbf16, #tpu.memory_space<vmem>>, vector<32xbf16>,
        %add3A_979 = arith.constant 44 : i32
        %add3A_980 = arith.addi %mul3A_182, %add3A_979 : i32
        %get3A_981 = arith.index_cast %add3A_980 : i32 to index
        %get3A_982 = arith.constant 32 : index
        %get3A_983 = tpu.vector_load %arg6[%get3A_981, %get3A_982] {strides = array<i32>} : memref<800x64xbf16, #tpu.memory_space<vmem>>, vector<32xbf16>,
        %unpack3A_984 = tpu.unpack_subelements %get3A_978, 0 {pack_format = #tpu.pack_format<interleaved>} : vector<32xbf16> -> vector<16xf32>
        %unpack3A_985 = tpu.unpack_subelements %get3A_978, 1 {pack_format = #tpu.pack_format<interleaved>} : vector<32xbf16> -> vector<16xf32>
        %unpack3A_986 = tpu.unpack_subelements %get3A_983, 0 {pack_format = #tpu.pack_format<interleaved>} : vector<32xbf16> -> vector<16xf32>
        %unpack3A_987 = tpu.unpack_subelements %get3A_983, 1 {pack_format = #tpu.pack_format<interleaved>} : vector<32xbf16> -> vector<16xf32>
        %add3A_988 = arith.addf %add3A_970, %unpack3A_984 : vector<16xf32>
        %add3A_989 = arith.addf %add3A_971, %unpack3A_985 : vector<16xf32>
        %add3A_990 = arith.addf %add3A_972, %unpack3A_986 : vector<16xf32>
        %add3A_991 = arith.addf %add3A_973, %unpack3A_987 : vector<16xf32>
        %add3A_992 = arith.constant 45 : i32
        %add3A_993 = arith.addi %mul3A_182, %add3A_992 : i32
        %get3A_994 = arith.index_cast %add3A_993 : i32 to index
        %get3A_995 = arith.constant 0 : index
        %get3A_996 = tpu.vector_load %arg6[%get3A_994, %get3A_995] {strides = array<i32>} : memref<800x64xbf16, #tpu.memory_space<vmem>>, vector<32xbf16>,
        %add3A_997 = arith.constant 45 : i32
        %add3A_998 = arith.addi %mul3A_182, %add3A_997 : i32
        %get3A_999 = arith.index_cast %add3A_998 : i32 to index
        %get3A_1000 = arith.constant 32 : index
        %get3A_1001 = tpu.vector_load %arg6[%get3A_999, %get3A_1000] {strides = array<i32>} : memref<800x64xbf16, #tpu.memory_space<vmem>>, vector<32xbf16>,
        %unpack3A_1002 = tpu.unpack_subelements %get3A_996, 0 {pack_format = #tpu.pack_format<interleaved>} : vector<32xbf16> -> vector<16xf32>
        %unpack3A_1003 = tpu.unpack_subelements %get3A_996, 1 {pack_format = #tpu.pack_format<interleaved>} : vector<32xbf16> -> vector<16xf32>
        %unpack3A_1004 = tpu.unpack_subelements %get3A_1001, 0 {pack_format = #tpu.pack_format<interleaved>} : vector<32xbf16> -> vector<16xf32>
        %unpack3A_1005 = tpu.unpack_subelements %get3A_1001, 1 {pack_format = #tpu.pack_format<interleaved>} : vector<32xbf16> -> vector<16xf32>
        %add3A_1006 = arith.addf %add3A_988, %unpack3A_1002 : vector<16xf32>
        %add3A_1007 = arith.addf %add3A_989, %unpack3A_1003 : vector<16xf32>
        %add3A_1008 = arith.addf %add3A_990, %unpack3A_1004 : vector<16xf32>
        %add3A_1009 = arith.addf %add3A_991, %unpack3A_1005 : vector<16xf32>
        %add3A_1010 = arith.constant 46 : i32
        %add3A_1011 = arith.addi %mul3A_182, %add3A_1010 : i32
        %get3A_1012 = arith.index_cast %add3A_1011 : i32 to index
        %get3A_1013 = arith.constant 0 : index
        %get3A_1014 = tpu.vector_load %arg6[%get3A_1012, %get3A_1013] {strides = array<i32>} : memref<800x64xbf16, #tpu.memory_space<vmem>>, vector<32xbf16>,
        %add3A_1015 = arith.constant 46 : i32
        %add3A_1016 = arith.addi %mul3A_182, %add3A_1015 : i32
        %get3A_1017 = arith.index_cast %add3A_1016 : i32 to index
        %get3A_1018 = arith.constant 32 : index
        %get3A_1019 = tpu.vector_load %arg6[%get3A_1017, %get3A_1018] {strides = array<i32>} : memref<800x64xbf16, #tpu.memory_space<vmem>>, vector<32xbf16>,
        %unpack3A_1020 = tpu.unpack_subelements %get3A_1014, 0 {pack_format = #tpu.pack_format<interleaved>} : vector<32xbf16> -> vector<16xf32>
        %unpack3A_1021 = tpu.unpack_subelements %get3A_1014, 1 {pack_format = #tpu.pack_format<interleaved>} : vector<32xbf16> -> vector<16xf32>
        %unpack3A_1022 = tpu.unpack_subelements %get3A_1019, 0 {pack_format = #tpu.pack_format<interleaved>} : vector<32xbf16> -> vector<16xf32>
        %unpack3A_1023 = tpu.unpack_subelements %get3A_1019, 1 {pack_format = #tpu.pack_format<interleaved>} : vector<32xbf16> -> vector<16xf32>
        %add3A_1024 = arith.addf %add3A_1006, %unpack3A_1020 : vector<16xf32>
        %add3A_1025 = arith.addf %add3A_1007, %unpack3A_1021 : vector<16xf32>
        %add3A_1026 = arith.addf %add3A_1008, %unpack3A_1022 : vector<16xf32>
        %add3A_1027 = arith.addf %add3A_1009, %unpack3A_1023 : vector<16xf32>
        %add3A_1028 = arith.constant 47 : i32
        %add3A_1029 = arith.addi %mul3A_182, %add3A_1028 : i32
        %get3A_1030 = arith.index_cast %add3A_1029 : i32 to index
        %get3A_1031 = arith.constant 0 : index
        %get3A_1032 = tpu.vector_load %arg6[%get3A_1030, %get3A_1031] {strides = array<i32>} : memref<800x64xbf16, #tpu.memory_space<vmem>>, vector<32xbf16>,
        %add3A_1033 = arith.constant 47 : i32
        %add3A_1034 = arith.addi %mul3A_182, %add3A_1033 : i32
        %get3A_1035 = arith.index_cast %add3A_1034 : i32 to index
        %get3A_1036 = arith.constant 32 : index
        %get3A_1037 = tpu.vector_load %arg6[%get3A_1035, %get3A_1036] {strides = array<i32>} : memref<800x64xbf16, #tpu.memory_space<vmem>>, vector<32xbf16>,
        %unpack3A_1038 = tpu.unpack_subelements %get3A_1032, 0 {pack_format = #tpu.pack_format<interleaved>} : vector<32xbf16> -> vector<16xf32>
        %unpack3A_1039 = tpu.unpack_subelements %get3A_1032, 1 {pack_format = #tpu.pack_format<interleaved>} : vector<32xbf16> -> vector<16xf32>
        %unpack3A_1040 = tpu.unpack_subelements %get3A_1037, 0 {pack_format = #tpu.pack_format<interleaved>} : vector<32xbf16> -> vector<16xf32>
        %unpack3A_1041 = tpu.unpack_subelements %get3A_1037, 1 {pack_format = #tpu.pack_format<interleaved>} : vector<32xbf16> -> vector<16xf32>
        %add3A_1042 = arith.addf %add3A_1024, %unpack3A_1038 : vector<16xf32>
        %add3A_1043 = arith.addf %add3A_1025, %unpack3A_1039 : vector<16xf32>
        %add3A_1044 = arith.addf %add3A_1026, %unpack3A_1040 : vector<16xf32>
        %add3A_1045 = arith.addf %add3A_1027, %unpack3A_1041 : vector<16xf32>
        %add3A_1046 = arith.constant 48 : i32
        %add3A_1047 = arith.addi %mul3A_182, %add3A_1046 : i32
        %get3A_1048 = arith.index_cast %add3A_1047 : i32 to index
        %get3A_1049 = arith.constant 0 : index
        %get3A_1050 = tpu.vector_load %arg6[%get3A_1048, %get3A_1049] {strides = array<i32>} : memref<800x64xbf16, #tpu.memory_space<vmem>>, vector<32xbf16>,
        %add3A_1051 = arith.constant 48 : i32
        %add3A_1052 = arith.addi %mul3A_182, %add3A_1051 : i32
        %get3A_1053 = arith.index_cast %add3A_1052 : i32 to index
        %get3A_1054 = arith.constant 32 : index
        %get3A_1055 = tpu.vector_load %arg6[%get3A_1053, %get3A_1054] {strides = array<i32>} : memref<800x64xbf16, #tpu.memory_space<vmem>>, vector<32xbf16>,
        %unpack3A_1056 = tpu.unpack_subelements %get3A_1050, 0 {pack_format = #tpu.pack_format<interleaved>} : vector<32xbf16> -> vector<16xf32>
        %unpack3A_1057 = tpu.unpack_subelements %get3A_1050, 1 {pack_format = #tpu.pack_format<interleaved>} : vector<32xbf16> -> vector<16xf32>
        %unpack3A_1058 = tpu.unpack_subelements %get3A_1055, 0 {pack_format = #tpu.pack_format<interleaved>} : vector<32xbf16> -> vector<16xf32>
        %unpack3A_1059 = tpu.unpack_subelements %get3A_1055, 1 {pack_format = #tpu.pack_format<interleaved>} : vector<32xbf16> -> vector<16xf32>
        %add3A_1060 = arith.addf %add3A_1042, %unpack3A_1056 : vector<16xf32>
        %add3A_1061 = arith.addf %add3A_1043, %unpack3A_1057 : vector<16xf32>
        %add3A_1062 = arith.addf %add3A_1044, %unpack3A_1058 : vector<16xf32>
        %add3A_1063 = arith.addf %add3A_1045, %unpack3A_1059 : vector<16xf32>
        %add3A_1064 = arith.constant 49 : i32
        %add3A_1065 = arith.addi %mul3A_182, %add3A_1064 : i32
        %get3A_1066 = arith.index_cast %add3A_1065 : i32 to index
        %get3A_1067 = arith.constant 0 : index
        %get3A_1068 = tpu.vector_load %arg6[%get3A_1066, %get3A_1067] {strides = array<i32>} : memref<800x64xbf16, #tpu.memory_space<vmem>>, vector<32xbf16>,
        %add3A_1069 = arith.constant 49 : i32
        %add3A_1070 = arith.addi %mul3A_182, %add3A_1069 : i32
        %get3A_1071 = arith.index_cast %add3A_1070 : i32 to index
        %get3A_1072 = arith.constant 32 : index
        %get3A_1073 = tpu.vector_load %arg6[%get3A_1071, %get3A_1072] {strides = array<i32>} : memref<800x64xbf16, #tpu.memory_space<vmem>>, vector<32xbf16>,
        %unpack3A_1074 = tpu.unpack_subelements %get3A_1068, 0 {pack_format = #tpu.pack_format<interleaved>} : vector<32xbf16> -> vector<16xf32>
        %unpack3A_1075 = tpu.unpack_subelements %get3A_1068, 1 {pack_format = #tpu.pack_format<interleaved>} : vector<32xbf16> -> vector<16xf32>
        %unpack3A_1076 = tpu.unpack_subelements %get3A_1073, 0 {pack_format = #tpu.pack_format<interleaved>} : vector<32xbf16> -> vector<16xf32>
        %unpack3A_1077 = tpu.unpack_subelements %get3A_1073, 1 {pack_format = #tpu.pack_format<interleaved>} : vector<32xbf16> -> vector<16xf32>
        %add3A_1078 = arith.addf %add3A_1060, %unpack3A_1074 : vector<16xf32>
        %add3A_1079 = arith.addf %add3A_1061, %unpack3A_1075 : vector<16xf32>
        %add3A_1080 = arith.addf %add3A_1062, %unpack3A_1076 : vector<16xf32>
        %add3A_1081 = arith.addf %add3A_1063, %unpack3A_1077 : vector<16xf32>
        %broadcast_in_dim3A_1082 = vector.broadcast %add3A_180 : i32 to vector<16xi32>
        %mul3A_1083 = vector.broadcast %scan3A : f32 to vector<16xf32>
        %mul3A_1084 = arith.mulf %add3A_1078, %mul3A_1083 : vector<16xf32>
        tpu.vector_store_idx %arg8[%broadcast_in_dim3A_1082, %mul3A_104], %mul3A_1084 : memref<16x56xf32, #tpu.memory_space<vmem>>[vector<16xi32>, vector<16xi32>], vector<16xf32>,
        %mul3A_1085 = vector.broadcast %scan3A : f32 to vector<16xf32>
        %mul3A_1086 = arith.mulf %add3A_1079, %mul3A_1085 : vector<16xf32>
        tpu.vector_store_idx %arg8[%broadcast_in_dim3A_1082, %add3A_107], %mul3A_1086 : memref<16x56xf32, #tpu.memory_space<vmem>>[vector<16xi32>, vector<16xi32>], vector<16xf32>,
        %mul3A_1087 = vector.broadcast %scan3A : f32 to vector<16xf32>
        %mul3A_1088 = arith.mulf %add3A_1080, %mul3A_1087 : vector<16xf32>
        tpu.vector_store_idx %arg8[%broadcast_in_dim3A_1082, %add3A_110], %mul3A_1088 masked %lt3A_115 : memref<16x56xf32, #tpu.memory_space<vmem>>[vector<16xi32>, vector<16xi32>], vector<16xf32>, vector<16xi1>
        %mul3A_1089 = vector.broadcast %scan3A : f32 to vector<16xf32>
        %mul3A_1090 = arith.mulf %add3A_1081, %mul3A_1089 : vector<16xf32>
        tpu.vector_store_idx %arg8[%broadcast_in_dim3A_1082, %add3A_113], %mul3A_1090 masked %lt3A_118 : memref<16x56xf32, #tpu.memory_space<vmem>>[vector<16xi32>, vector<16xi32>], vector<16xf32>, vector<16xi1>
      }
      %scan3A_145 = arith.constant 16 : i32
      %mul3A_146 = arith.constant 512 : i32
      %mul3A_147 = arith.muli %add3A, %mul3A_146 : i32
      %mul3A_148 = arith.constant 16 : i32
      %mul3A_149 = arith.muli %add3A_130, %mul3A_148 : i32
      %add3A_150 = arith.addi %mul3A_147, %mul3A_149 : i32
      "tpu.region"() ({
        %run_scoped3A = tpu.sem_alloc : memref<!tpu.dma_semaphore, #tpu.memory_space<semaphore_mem>>
        %dma_start3A_176 = arith.constant 0 : i32
        %dma_start3A_177 = tpu.memref_slice %arg4[%add3A_150, %dma_start3A_176] : memref<16384x56xf32, #tpu.memory_space<hbm>> -> memref<16x56xf32, #tpu.memory_space<hbm>>
        %dma_start3A_178 = arith.constant 0 : i32
        %dma_start3A_179 = tpu.memref_slice %arg4[%add3A_150, %dma_start3A_178] : memref<16384x56xf32, #tpu.memory_space<hbm>> -> memref<16x56xf32, #tpu.memory_space<hbm>>
        tpu.enqueue_dma source(%arg8 : memref<16x56xf32, #tpu.memory_space<vmem>>) target(%dma_start3A_179 : memref<16x56xf32, #tpu.memory_space<hbm>>) target_semaphore(%run_scoped3A : memref<!tpu.dma_semaphore, #tpu.memory_space<semaphore_mem>>)
        %dma_wait3A_180 = arith.constant 0 : i32
        %dma_wait3A_181 = tpu.memref_slice %arg4[%add3A_150, %dma_wait3A_180] : memref<16384x56xf32, #tpu.memory_space<hbm>> -> memref<16x56xf32, #tpu.memory_space<hbm>>
        %dma_wait3A_182 = arith.constant 0 : i32
        %dma_wait3A_183 = tpu.memref_slice %arg4[%add3A_150, %dma_wait3A_182] : memref<16384x56xf32, #tpu.memory_space<hbm>> -> memref<16x56xf32, #tpu.memory_space<hbm>>
        tpu.wait_dma2 semaphore(%run_scoped3A : memref<!tpu.dma_semaphore, #tpu.memory_space<semaphore_mem>>) src(%arg8 : memref<16x56xf32, #tpu.memory_space<vmem>>) dst(%dma_wait3A_183 : memref<16x56xf32, #tpu.memory_space<hbm>>)
        tpu.yield
      }) : () -> ()
      %add3A_151 = arith.constant 1 : i32
      %add3A_152 = arith.addi %add3A_128, %add3A_151 : i32
      %add3A_153 = arith.constant 1 : i32
      %add3A_154 = arith.addi %add3A_152, %add3A_153 : i32
      %lt3A_155 = arith.constant 32 : i32
      %lt3A_156 = arith.cmpi slt, %add3A_154, %lt3A_155 : i32
      %convert_element_type3A_157 = arith.extui %lt3A_156 : i1 to i32
      %cond3A_158 = arith.constant 0 : i32
      %cond3A_159 = arith.cmpi ne, %convert_element_type3A_157, %cond3A_158 : i32
      scf.if %cond3A_159 {
        %add3A_176 = arith.constant 1 : i32
        %add3A_177 = arith.addi %add3A_152, %add3A_176 : i32
        %mul3A_178 = arith.constant 10 : i32
        %mul3A_179 = arith.muli %add3A_177, %mul3A_178 : i32
        %add3A_180 = arith.constant 0 : i32
        %add3A_181 = arith.addi %mul3A_179, %add3A_180 : i32
        %dma_start3A_182 = arith.constant 0 : i32
        %dma_start3A_183 = arith.constant 0 : i32
        %dma_start3A_184 = tpu.memref_slice %arg6[%dma_start3A_182, %dma_start3A_183] : memref<800x64xbf16, #tpu.memory_space<vmem>> -> memref<80x64xbf16, #tpu.memory_space<vmem>>
        %dma_start3A_185 = arith.constant 0 : i32
        %dma_start3A_186 = tpu.memref_slice %arg5[%add3A_181, %dma_start3A_185] : memref<320x80xi32, #tpu.memory_space<vmem>> -> memref<1x80xi32, #tpu.memory_space<vmem>>
        %dma_start3A_187 = tpu.memref_squeeze %dma_start3A_186 : memref<1x80xi32, #tpu.memory_space<vmem>> -> memref<80xi32, #tpu.memory_space<vmem>>
        %dma_start3A_188 = arith.constant 0 : i32
        %dma_start3A_189 = arith.constant 0 : i32
        %dma_start3A_190 = tpu.memref_slice %arg3[%dma_start3A_188, %dma_start3A_189] : memref<100000x64xbf16, #tpu.memory_space<hbm>> -> memref<100000x64xbf16, #tpu.memory_space<hbm>>
        tpu.enqueue_indirect_dma source(%dma_start3A_190 : memref<100000x64xbf16, #tpu.memory_space<hbm>>) target(%dma_start3A_184 : memref<80x64xbf16, #tpu.memory_space<vmem>>) offsets(%dma_start3A_187 : memref<80xi32, #tpu.memory_space<vmem>>) semaphore(%arg9 : memref<!tpu.dma_semaphore, #tpu.memory_space<semaphore_mem>>)
        %mul3A_191 = arith.constant 10 : i32
        %mul3A_192 = arith.muli %add3A_177, %mul3A_191 : i32
        %add3A_193 = arith.constant 1 : i32
        %add3A_194 = arith.addi %mul3A_192, %add3A_193 : i32
        %dma_start3A_195 = arith.constant 80 : i32
        %dma_start3A_196 = arith.constant 0 : i32
        %dma_start3A_197 = tpu.memref_slice %arg6[%dma_start3A_195, %dma_start3A_196] : memref<800x64xbf16, #tpu.memory_space<vmem>> -> memref<80x64xbf16, #tpu.memory_space<vmem>>
        %dma_start3A_198 = arith.constant 0 : i32
        %dma_start3A_199 = tpu.memref_slice %arg5[%add3A_194, %dma_start3A_198] : memref<320x80xi32, #tpu.memory_space<vmem>> -> memref<1x80xi32, #tpu.memory_space<vmem>>
        %dma_start3A_200 = tpu.memref_squeeze %dma_start3A_199 : memref<1x80xi32, #tpu.memory_space<vmem>> -> memref<80xi32, #tpu.memory_space<vmem>>
        %dma_start3A_201 = arith.constant 0 : i32
        %dma_start3A_202 = arith.constant 0 : i32
        %dma_start3A_203 = tpu.memref_slice %arg3[%dma_start3A_201, %dma_start3A_202] : memref<100000x64xbf16, #tpu.memory_space<hbm>> -> memref<100000x64xbf16, #tpu.memory_space<hbm>>
        tpu.enqueue_indirect_dma source(%dma_start3A_203 : memref<100000x64xbf16, #tpu.memory_space<hbm>>) target(%dma_start3A_197 : memref<80x64xbf16, #tpu.memory_space<vmem>>) offsets(%dma_start3A_200 : memref<80xi32, #tpu.memory_space<vmem>>) semaphore(%arg9 : memref<!tpu.dma_semaphore, #tpu.memory_space<semaphore_mem>>)
        %mul3A_204 = arith.constant 10 : i32
        %mul3A_205 = arith.muli %add3A_177, %mul3A_204 : i32
        %add3A_206 = arith.constant 2 : i32
        %add3A_207 = arith.addi %mul3A_205, %add3A_206 : i32
        %dma_start3A_208 = arith.constant 160 : i32
        %dma_start3A_209 = arith.constant 0 : i32
        %dma_start3A_210 = tpu.memref_slice %arg6[%dma_start3A_208, %dma_start3A_209] : memref<800x64xbf16, #tpu.memory_space<vmem>> -> memref<80x64xbf16, #tpu.memory_space<vmem>>
        %dma_start3A_211 = arith.constant 0 : i32
        %dma_start3A_212 = tpu.memref_slice %arg5[%add3A_207, %dma_start3A_211] : memref<320x80xi32, #tpu.memory_space<vmem>> -> memref<1x80xi32, #tpu.memory_space<vmem>>
        %dma_start3A_213 = tpu.memref_squeeze %dma_start3A_212 : memref<1x80xi32, #tpu.memory_space<vmem>> -> memref<80xi32, #tpu.memory_space<vmem>>
        %dma_start3A_214 = arith.constant 0 : i32
        %dma_start3A_215 = arith.constant 0 : i32
        %dma_start3A_216 = tpu.memref_slice %arg3[%dma_start3A_214, %dma_start3A_215] : memref<100000x64xbf16, #tpu.memory_space<hbm>> -> memref<100000x64xbf16, #tpu.memory_space<hbm>>
        tpu.enqueue_indirect_dma source(%dma_start3A_216 : memref<100000x64xbf16, #tpu.memory_space<hbm>>) target(%dma_start3A_210 : memref<80x64xbf16, #tpu.memory_space<vmem>>) offsets(%dma_start3A_213 : memref<80xi32, #tpu.memory_space<vmem>>) semaphore(%arg9 : memref<!tpu.dma_semaphore, #tpu.memory_space<semaphore_mem>>)
        %mul3A_217 = arith.constant 10 : i32
        %mul3A_218 = arith.muli %add3A_177, %mul3A_217 : i32
        %add3A_219 = arith.constant 3 : i32
        %add3A_220 = arith.addi %mul3A_218, %add3A_219 : i32
        %dma_start3A_221 = arith.constant 240 : i32
        %dma_start3A_222 = arith.constant 0 : i32
        %dma_start3A_223 = tpu.memref_slice %arg6[%dma_start3A_221, %dma_start3A_222] : memref<800x64xbf16, #tpu.memory_space<vmem>> -> memref<80x64xbf16, #tpu.memory_space<vmem>>
        %dma_start3A_224 = arith.constant 0 : i32
        %dma_start3A_225 = tpu.memref_slice %arg5[%add3A_220, %dma_start3A_224] : memref<320x80xi32, #tpu.memory_space<vmem>> -> memref<1x80xi32, #tpu.memory_space<vmem>>
        %dma_start3A_226 = tpu.memref_squeeze %dma_start3A_225 : memref<1x80xi32, #tpu.memory_space<vmem>> -> memref<80xi32, #tpu.memory_space<vmem>>
        %dma_start3A_227 = arith.constant 0 : i32
        %dma_start3A_228 = arith.constant 0 : i32
        %dma_start3A_229 = tpu.memref_slice %arg3[%dma_start3A_227, %dma_start3A_228] : memref<100000x64xbf16, #tpu.memory_space<hbm>> -> memref<100000x64xbf16, #tpu.memory_space<hbm>>
        tpu.enqueue_indirect_dma source(%dma_start3A_229 : memref<100000x64xbf16, #tpu.memory_space<hbm>>) target(%dma_start3A_223 : memref<80x64xbf16, #tpu.memory_space<vmem>>) offsets(%dma_start3A_226 : memref<80xi32, #tpu.memory_space<vmem>>) semaphore(%arg9 : memref<!tpu.dma_semaphore, #tpu.memory_space<semaphore_mem>>)
        %mul3A_230 = arith.constant 10 : i32
        %mul3A_231 = arith.muli %add3A_177, %mul3A_230 : i32
        %add3A_232 = arith.constant 4 : i32
        %add3A_233 = arith.addi %mul3A_231, %add3A_232 : i32
        %dma_start3A_234 = arith.constant 320 : i32
        %dma_start3A_235 = arith.constant 0 : i32
        %dma_start3A_236 = tpu.memref_slice %arg6[%dma_start3A_234, %dma_start3A_235] : memref<800x64xbf16, #tpu.memory_space<vmem>> -> memref<80x64xbf16, #tpu.memory_space<vmem>>
        %dma_start3A_237 = arith.constant 0 : i32
        %dma_start3A_238 = tpu.memref_slice %arg5[%add3A_233, %dma_start3A_237] : memref<320x80xi32, #tpu.memory_space<vmem>> -> memref<1x80xi32, #tpu.memory_space<vmem>>
        %dma_start3A_239 = tpu.memref_squeeze %dma_start3A_238 : memref<1x80xi32, #tpu.memory_space<vmem>> -> memref<80xi32, #tpu.memory_space<vmem>>
        %dma_start3A_240 = arith.constant 0 : i32
        %dma_start3A_241 = arith.constant 0 : i32
        %dma_start3A_242 = tpu.memref_slice %arg3[%dma_start3A_240, %dma_start3A_241] : memref<100000x64xbf16, #tpu.memory_space<hbm>> -> memref<100000x64xbf16, #tpu.memory_space<hbm>>
        tpu.enqueue_indirect_dma source(%dma_start3A_242 : memref<100000x64xbf16, #tpu.memory_space<hbm>>) target(%dma_start3A_236 : memref<80x64xbf16, #tpu.memory_space<vmem>>) offsets(%dma_start3A_239 : memref<80xi32, #tpu.memory_space<vmem>>) semaphore(%arg9 : memref<!tpu.dma_semaphore, #tpu.memory_space<semaphore_mem>>)
        %mul3A_243 = arith.constant 10 : i32
        %mul3A_244 = arith.muli %add3A_177, %mul3A_243 : i32
        %add3A_245 = arith.constant 5 : i32
        %add3A_246 = arith.addi %mul3A_244, %add3A_245 : i32
        %dma_start3A_247 = arith.constant 400 : i32
        %dma_start3A_248 = arith.constant 0 : i32
        %dma_start3A_249 = tpu.memref_slice %arg6[%dma_start3A_247, %dma_start3A_248] : memref<800x64xbf16, #tpu.memory_space<vmem>> -> memref<80x64xbf16, #tpu.memory_space<vmem>>
        %dma_start3A_250 = arith.constant 0 : i32
        %dma_start3A_251 = tpu.memref_slice %arg5[%add3A_246, %dma_start3A_250] : memref<320x80xi32, #tpu.memory_space<vmem>> -> memref<1x80xi32, #tpu.memory_space<vmem>>
        %dma_start3A_252 = tpu.memref_squeeze %dma_start3A_251 : memref<1x80xi32, #tpu.memory_space<vmem>> -> memref<80xi32, #tpu.memory_space<vmem>>
        %dma_start3A_253 = arith.constant 0 : i32
        %dma_start3A_254 = arith.constant 0 : i32
        %dma_start3A_255 = tpu.memref_slice %arg3[%dma_start3A_253, %dma_start3A_254] : memref<100000x64xbf16, #tpu.memory_space<hbm>> -> memref<100000x64xbf16, #tpu.memory_space<hbm>>
        tpu.enqueue_indirect_dma source(%dma_start3A_255 : memref<100000x64xbf16, #tpu.memory_space<hbm>>) target(%dma_start3A_249 : memref<80x64xbf16, #tpu.memory_space<vmem>>) offsets(%dma_start3A_252 : memref<80xi32, #tpu.memory_space<vmem>>) semaphore(%arg9 : memref<!tpu.dma_semaphore, #tpu.memory_space<semaphore_mem>>)
        %mul3A_256 = arith.constant 10 : i32
        %mul3A_257 = arith.muli %add3A_177, %mul3A_256 : i32
        %add3A_258 = arith.constant 6 : i32
        %add3A_259 = arith.addi %mul3A_257, %add3A_258 : i32
        %dma_start3A_260 = arith.constant 480 : i32
        %dma_start3A_261 = arith.constant 0 : i32
        %dma_start3A_262 = tpu.memref_slice %arg6[%dma_start3A_260, %dma_start3A_261] : memref<800x64xbf16, #tpu.memory_space<vmem>> -> memref<80x64xbf16, #tpu.memory_space<vmem>>
        %dma_start3A_263 = arith.constant 0 : i32
        %dma_start3A_264 = tpu.memref_slice %arg5[%add3A_259, %dma_start3A_263] : memref<320x80xi32, #tpu.memory_space<vmem>> -> memref<1x80xi32, #tpu.memory_space<vmem>>
        %dma_start3A_265 = tpu.memref_squeeze %dma_start3A_264 : memref<1x80xi32, #tpu.memory_space<vmem>> -> memref<80xi32, #tpu.memory_space<vmem>>
        %dma_start3A_266 = arith.constant 0 : i32
        %dma_start3A_267 = arith.constant 0 : i32
        %dma_start3A_268 = tpu.memref_slice %arg3[%dma_start3A_266, %dma_start3A_267] : memref<100000x64xbf16, #tpu.memory_space<hbm>> -> memref<100000x64xbf16, #tpu.memory_space<hbm>>
        tpu.enqueue_indirect_dma source(%dma_start3A_268 : memref<100000x64xbf16, #tpu.memory_space<hbm>>) target(%dma_start3A_262 : memref<80x64xbf16, #tpu.memory_space<vmem>>) offsets(%dma_start3A_265 : memref<80xi32, #tpu.memory_space<vmem>>) semaphore(%arg9 : memref<!tpu.dma_semaphore, #tpu.memory_space<semaphore_mem>>)
        %mul3A_269 = arith.constant 10 : i32
        %mul3A_270 = arith.muli %add3A_177, %mul3A_269 : i32
        %add3A_271 = arith.constant 7 : i32
        %add3A_272 = arith.addi %mul3A_270, %add3A_271 : i32
        %dma_start3A_273 = arith.constant 560 : i32
        %dma_start3A_274 = arith.constant 0 : i32
        %dma_start3A_275 = tpu.memref_slice %arg6[%dma_start3A_273, %dma_start3A_274] : memref<800x64xbf16, #tpu.memory_space<vmem>> -> memref<80x64xbf16, #tpu.memory_space<vmem>>
        %dma_start3A_276 = arith.constant 0 : i32
        %dma_start3A_277 = tpu.memref_slice %arg5[%add3A_272, %dma_start3A_276] : memref<320x80xi32, #tpu.memory_space<vmem>> -> memref<1x80xi32, #tpu.memory_space<vmem>>
        %dma_start3A_278 = tpu.memref_squeeze %dma_start3A_277 : memref<1x80xi32, #tpu.memory_space<vmem>> -> memref<80xi32, #tpu.memory_space<vmem>>
        %dma_start3A_279 = arith.constant 0 : i32
        %dma_start3A_280 = arith.constant 0 : i32
        %dma_start3A_281 = tpu.memref_slice %arg3[%dma_start3A_279, %dma_start3A_280] : memref<100000x64xbf16, #tpu.memory_space<hbm>> -> memref<100000x64xbf16, #tpu.memory_space<hbm>>
        tpu.enqueue_indirect_dma source(%dma_start3A_281 : memref<100000x64xbf16, #tpu.memory_space<hbm>>) target(%dma_start3A_275 : memref<80x64xbf16, #tpu.memory_space<vmem>>) offsets(%dma_start3A_278 : memref<80xi32, #tpu.memory_space<vmem>>) semaphore(%arg9 : memref<!tpu.dma_semaphore, #tpu.memory_space<semaphore_mem>>)
        %mul3A_282 = arith.constant 10 : i32
        %mul3A_283 = arith.muli %add3A_177, %mul3A_282 : i32
        %add3A_284 = arith.constant 8 : i32
        %add3A_285 = arith.addi %mul3A_283, %add3A_284 : i32
        %dma_start3A_286 = arith.constant 640 : i32
        %dma_start3A_287 = arith.constant 0 : i32
        %dma_start3A_288 = tpu.memref_slice %arg6[%dma_start3A_286, %dma_start3A_287] : memref<800x64xbf16, #tpu.memory_space<vmem>> -> memref<80x64xbf16, #tpu.memory_space<vmem>>
        %dma_start3A_289 = arith.constant 0 : i32
        %dma_start3A_290 = tpu.memref_slice %arg5[%add3A_285, %dma_start3A_289] : memref<320x80xi32, #tpu.memory_space<vmem>> -> memref<1x80xi32, #tpu.memory_space<vmem>>
        %dma_start3A_291 = tpu.memref_squeeze %dma_start3A_290 : memref<1x80xi32, #tpu.memory_space<vmem>> -> memref<80xi32, #tpu.memory_space<vmem>>
        %dma_start3A_292 = arith.constant 0 : i32
        %dma_start3A_293 = arith.constant 0 : i32
        %dma_start3A_294 = tpu.memref_slice %arg3[%dma_start3A_292, %dma_start3A_293] : memref<100000x64xbf16, #tpu.memory_space<hbm>> -> memref<100000x64xbf16, #tpu.memory_space<hbm>>
        tpu.enqueue_indirect_dma source(%dma_start3A_294 : memref<100000x64xbf16, #tpu.memory_space<hbm>>) target(%dma_start3A_288 : memref<80x64xbf16, #tpu.memory_space<vmem>>) offsets(%dma_start3A_291 : memref<80xi32, #tpu.memory_space<vmem>>) semaphore(%arg9 : memref<!tpu.dma_semaphore, #tpu.memory_space<semaphore_mem>>)
        %mul3A_295 = arith.constant 10 : i32
        %mul3A_296 = arith.muli %add3A_177, %mul3A_295 : i32
        %add3A_297 = arith.constant 9 : i32
        %add3A_298 = arith.addi %mul3A_296, %add3A_297 : i32
        %dma_start3A_299 = arith.constant 720 : i32
        %dma_start3A_300 = arith.constant 0 : i32
        %dma_start3A_301 = tpu.memref_slice %arg6[%dma_start3A_299, %dma_start3A_300] : memref<800x64xbf16, #tpu.memory_space<vmem>> -> memref<80x64xbf16, #tpu.memory_space<vmem>>
        %dma_start3A_302 = arith.constant 0 : i32
        %dma_start3A_303 = tpu.memref_slice %arg5[%add3A_298, %dma_start3A_302] : memref<320x80xi32, #tpu.memory_space<vmem>> -> memref<1x80xi32, #tpu.memory_space<vmem>>
        %dma_start3A_304 = tpu.memref_squeeze %dma_start3A_303 : memref<1x80xi32, #tpu.memory_space<vmem>> -> memref<80xi32, #tpu.memory_space<vmem>>
        %dma_start3A_305 = arith.constant 0 : i32
        %dma_start3A_306 = arith.constant 0 : i32
        %dma_start3A_307 = tpu.memref_slice %arg3[%dma_start3A_305, %dma_start3A_306] : memref<100000x64xbf16, #tpu.memory_space<hbm>> -> memref<100000x64xbf16, #tpu.memory_space<hbm>>
        tpu.enqueue_indirect_dma source(%dma_start3A_307 : memref<100000x64xbf16, #tpu.memory_space<hbm>>) target(%dma_start3A_301 : memref<80x64xbf16, #tpu.memory_space<vmem>>) offsets(%dma_start3A_304 : memref<80xi32, #tpu.memory_space<vmem>>) semaphore(%arg9 : memref<!tpu.dma_semaphore, #tpu.memory_space<semaphore_mem>>)
      } else {
      }
      %dma_wait3A_160 = arith.constant 0 : i32
      %dma_wait3A_161 = arith.constant 0 : i32
      %dma_wait3A_162 = tpu.memref_slice %arg3[%dma_wait3A_160, %dma_wait3A_161] : memref<100000x64xbf16, #tpu.memory_space<hbm>> -> memref<800x64xbf16, #tpu.memory_space<hbm>>
      %dma_wait3A_163 = arith.constant 0 : i32
      %dma_wait3A_164 = arith.constant 0 : i32
      %dma_wait3A_165 = tpu.memref_slice %arg3[%dma_wait3A_163, %dma_wait3A_164] : memref<100000x64xbf16, #tpu.memory_space<hbm>> -> memref<800x64xbf16, #tpu.memory_space<hbm>>
      tpu.wait_dma2 semaphore(%arg10 : memref<!tpu.dma_semaphore, #tpu.memory_space<semaphore_mem>>) src(%dma_wait3A_165 : memref<800x64xbf16, #tpu.memory_space<hbm>>) dst(%arg7 : memref<800x64xbf16, #tpu.memory_space<vmem>>)
      %scan3A_166 = arith.constant 0 : i32
      %scan3A_167 = arith.constant 16 : i32
      %scan3A_168 = arith.addi %scan3A_166, %scan3A_167 : i32
      %scan3A_169 = arith.constant 1 : i32
      scf.for %scan3A_176 = %scan3A_166 to %scan3A_168 step %scan3A_169  : i32 {
        %mul3A_177 = arith.constant 1 : i32
        %mul3A_178 = arith.muli %scan3A_176, %mul3A_177 : i32
        %add3A_179 = arith.constant 0 : i32
        %add3A_180 = arith.addi %add3A_179, %mul3A_178 : i32
        %mul3A_181 = arith.constant 50 : i32
        %mul3A_182 = arith.muli %add3A_180, %mul3A_181 : i32
        %broadcast_in_dim3A = arith.constant 0.000000e+00 : f32
        %broadcast_in_dim3A_183 = vector.broadcast %broadcast_in_dim3A : f32 to vector<16xf32>
        %add3A_184 = arith.constant 0 : i32
        %add3A_185 = arith.addi %mul3A_182, %add3A_184 : i32
        %get3A = arith.index_cast %add3A_185 : i32 to index
        %get3A_186 = arith.constant 0 : index
        %get3A_187 = tpu.vector_load %arg7[%get3A, %get3A_186] {strides = array<i32>} : memref<800x64xbf16, #tpu.memory_space<vmem>>, vector<32xbf16>,
        %add3A_188 = arith.constant 0 : i32
        %add3A_189 = arith.addi %mul3A_182, %add3A_188 : i32
        %get3A_190 = arith.index_cast %add3A_189 : i32 to index
        %get3A_191 = arith.constant 32 : index
        %get3A_192 = tpu.vector_load %arg7[%get3A_190, %get3A_191] {strides = array<i32>} : memref<800x64xbf16, #tpu.memory_space<vmem>>, vector<32xbf16>,
        %unpack3A = tpu.unpack_subelements %get3A_187, 0 {pack_format = #tpu.pack_format<interleaved>} : vector<32xbf16> -> vector<16xf32>
        %unpack3A_193 = tpu.unpack_subelements %get3A_187, 1 {pack_format = #tpu.pack_format<interleaved>} : vector<32xbf16> -> vector<16xf32>
        %unpack3A_194 = tpu.unpack_subelements %get3A_192, 0 {pack_format = #tpu.pack_format<interleaved>} : vector<32xbf16> -> vector<16xf32>
        %unpack3A_195 = tpu.unpack_subelements %get3A_192, 1 {pack_format = #tpu.pack_format<interleaved>} : vector<32xbf16> -> vector<16xf32>
        %add3A_196 = arith.addf %broadcast_in_dim3A_183, %unpack3A : vector<16xf32>
        %add3A_197 = arith.addf %broadcast_in_dim3A_183, %unpack3A_193 : vector<16xf32>
        %add3A_198 = arith.addf %broadcast_in_dim3A_183, %unpack3A_194 : vector<16xf32>
        %add3A_199 = arith.addf %broadcast_in_dim3A_183, %unpack3A_195 : vector<16xf32>
        %add3A_200 = arith.constant 1 : i32
        %add3A_201 = arith.addi %mul3A_182, %add3A_200 : i32
        %get3A_202 = arith.index_cast %add3A_201 : i32 to index
        %get3A_203 = arith.constant 0 : index
        %get3A_204 = tpu.vector_load %arg7[%get3A_202, %get3A_203] {strides = array<i32>} : memref<800x64xbf16, #tpu.memory_space<vmem>>, vector<32xbf16>,
        %add3A_205 = arith.constant 1 : i32
        %add3A_206 = arith.addi %mul3A_182, %add3A_205 : i32
        %get3A_207 = arith.index_cast %add3A_206 : i32 to index
        %get3A_208 = arith.constant 32 : index
        %get3A_209 = tpu.vector_load %arg7[%get3A_207, %get3A_208] {strides = array<i32>} : memref<800x64xbf16, #tpu.memory_space<vmem>>, vector<32xbf16>,
        %unpack3A_210 = tpu.unpack_subelements %get3A_204, 0 {pack_format = #tpu.pack_format<interleaved>} : vector<32xbf16> -> vector<16xf32>
        %unpack3A_211 = tpu.unpack_subelements %get3A_204, 1 {pack_format = #tpu.pack_format<interleaved>} : vector<32xbf16> -> vector<16xf32>
        %unpack3A_212 = tpu.unpack_subelements %get3A_209, 0 {pack_format = #tpu.pack_format<interleaved>} : vector<32xbf16> -> vector<16xf32>
        %unpack3A_213 = tpu.unpack_subelements %get3A_209, 1 {pack_format = #tpu.pack_format<interleaved>} : vector<32xbf16> -> vector<16xf32>
        %add3A_214 = arith.addf %add3A_196, %unpack3A_210 : vector<16xf32>
        %add3A_215 = arith.addf %add3A_197, %unpack3A_211 : vector<16xf32>
        %add3A_216 = arith.addf %add3A_198, %unpack3A_212 : vector<16xf32>
        %add3A_217 = arith.addf %add3A_199, %unpack3A_213 : vector<16xf32>
        %add3A_218 = arith.constant 2 : i32
        %add3A_219 = arith.addi %mul3A_182, %add3A_218 : i32
        %get3A_220 = arith.index_cast %add3A_219 : i32 to index
        %get3A_221 = arith.constant 0 : index
        %get3A_222 = tpu.vector_load %arg7[%get3A_220, %get3A_221] {strides = array<i32>} : memref<800x64xbf16, #tpu.memory_space<vmem>>, vector<32xbf16>,
        %add3A_223 = arith.constant 2 : i32
        %add3A_224 = arith.addi %mul3A_182, %add3A_223 : i32
        %get3A_225 = arith.index_cast %add3A_224 : i32 to index
        %get3A_226 = arith.constant 32 : index
        %get3A_227 = tpu.vector_load %arg7[%get3A_225, %get3A_226] {strides = array<i32>} : memref<800x64xbf16, #tpu.memory_space<vmem>>, vector<32xbf16>,
        %unpack3A_228 = tpu.unpack_subelements %get3A_222, 0 {pack_format = #tpu.pack_format<interleaved>} : vector<32xbf16> -> vector<16xf32>
        %unpack3A_229 = tpu.unpack_subelements %get3A_222, 1 {pack_format = #tpu.pack_format<interleaved>} : vector<32xbf16> -> vector<16xf32>
        %unpack3A_230 = tpu.unpack_subelements %get3A_227, 0 {pack_format = #tpu.pack_format<interleaved>} : vector<32xbf16> -> vector<16xf32>
        %unpack3A_231 = tpu.unpack_subelements %get3A_227, 1 {pack_format = #tpu.pack_format<interleaved>} : vector<32xbf16> -> vector<16xf32>
        %add3A_232 = arith.addf %add3A_214, %unpack3A_228 : vector<16xf32>
        %add3A_233 = arith.addf %add3A_215, %unpack3A_229 : vector<16xf32>
        %add3A_234 = arith.addf %add3A_216, %unpack3A_230 : vector<16xf32>
        %add3A_235 = arith.addf %add3A_217, %unpack3A_231 : vector<16xf32>
        %add3A_236 = arith.constant 3 : i32
        %add3A_237 = arith.addi %mul3A_182, %add3A_236 : i32
        %get3A_238 = arith.index_cast %add3A_237 : i32 to index
        %get3A_239 = arith.constant 0 : index
        %get3A_240 = tpu.vector_load %arg7[%get3A_238, %get3A_239] {strides = array<i32>} : memref<800x64xbf16, #tpu.memory_space<vmem>>, vector<32xbf16>,
        %add3A_241 = arith.constant 3 : i32
        %add3A_242 = arith.addi %mul3A_182, %add3A_241 : i32
        %get3A_243 = arith.index_cast %add3A_242 : i32 to index
        %get3A_244 = arith.constant 32 : index
        %get3A_245 = tpu.vector_load %arg7[%get3A_243, %get3A_244] {strides = array<i32>} : memref<800x64xbf16, #tpu.memory_space<vmem>>, vector<32xbf16>,
        %unpack3A_246 = tpu.unpack_subelements %get3A_240, 0 {pack_format = #tpu.pack_format<interleaved>} : vector<32xbf16> -> vector<16xf32>
        %unpack3A_247 = tpu.unpack_subelements %get3A_240, 1 {pack_format = #tpu.pack_format<interleaved>} : vector<32xbf16> -> vector<16xf32>
        %unpack3A_248 = tpu.unpack_subelements %get3A_245, 0 {pack_format = #tpu.pack_format<interleaved>} : vector<32xbf16> -> vector<16xf32>
        %unpack3A_249 = tpu.unpack_subelements %get3A_245, 1 {pack_format = #tpu.pack_format<interleaved>} : vector<32xbf16> -> vector<16xf32>
        %add3A_250 = arith.addf %add3A_232, %unpack3A_246 : vector<16xf32>
        %add3A_251 = arith.addf %add3A_233, %unpack3A_247 : vector<16xf32>
        %add3A_252 = arith.addf %add3A_234, %unpack3A_248 : vector<16xf32>
        %add3A_253 = arith.addf %add3A_235, %unpack3A_249 : vector<16xf32>
        %add3A_254 = arith.constant 4 : i32
        %add3A_255 = arith.addi %mul3A_182, %add3A_254 : i32
        %get3A_256 = arith.index_cast %add3A_255 : i32 to index
        %get3A_257 = arith.constant 0 : index
        %get3A_258 = tpu.vector_load %arg7[%get3A_256, %get3A_257] {strides = array<i32>} : memref<800x64xbf16, #tpu.memory_space<vmem>>, vector<32xbf16>,
        %add3A_259 = arith.constant 4 : i32
        %add3A_260 = arith.addi %mul3A_182, %add3A_259 : i32
        %get3A_261 = arith.index_cast %add3A_260 : i32 to index
        %get3A_262 = arith.constant 32 : index
        %get3A_263 = tpu.vector_load %arg7[%get3A_261, %get3A_262] {strides = array<i32>} : memref<800x64xbf16, #tpu.memory_space<vmem>>, vector<32xbf16>,
        %unpack3A_264 = tpu.unpack_subelements %get3A_258, 0 {pack_format = #tpu.pack_format<interleaved>} : vector<32xbf16> -> vector<16xf32>
        %unpack3A_265 = tpu.unpack_subelements %get3A_258, 1 {pack_format = #tpu.pack_format<interleaved>} : vector<32xbf16> -> vector<16xf32>
        %unpack3A_266 = tpu.unpack_subelements %get3A_263, 0 {pack_format = #tpu.pack_format<interleaved>} : vector<32xbf16> -> vector<16xf32>
        %unpack3A_267 = tpu.unpack_subelements %get3A_263, 1 {pack_format = #tpu.pack_format<interleaved>} : vector<32xbf16> -> vector<16xf32>
        %add3A_268 = arith.addf %add3A_250, %unpack3A_264 : vector<16xf32>
        %add3A_269 = arith.addf %add3A_251, %unpack3A_265 : vector<16xf32>
        %add3A_270 = arith.addf %add3A_252, %unpack3A_266 : vector<16xf32>
        %add3A_271 = arith.addf %add3A_253, %unpack3A_267 : vector<16xf32>
        %add3A_272 = arith.constant 5 : i32
        %add3A_273 = arith.addi %mul3A_182, %add3A_272 : i32
        %get3A_274 = arith.index_cast %add3A_273 : i32 to index
        %get3A_275 = arith.constant 0 : index
        %get3A_276 = tpu.vector_load %arg7[%get3A_274, %get3A_275] {strides = array<i32>} : memref<800x64xbf16, #tpu.memory_space<vmem>>, vector<32xbf16>,
        %add3A_277 = arith.constant 5 : i32
        %add3A_278 = arith.addi %mul3A_182, %add3A_277 : i32
        %get3A_279 = arith.index_cast %add3A_278 : i32 to index
        %get3A_280 = arith.constant 32 : index
        %get3A_281 = tpu.vector_load %arg7[%get3A_279, %get3A_280] {strides = array<i32>} : memref<800x64xbf16, #tpu.memory_space<vmem>>, vector<32xbf16>,
        %unpack3A_282 = tpu.unpack_subelements %get3A_276, 0 {pack_format = #tpu.pack_format<interleaved>} : vector<32xbf16> -> vector<16xf32>
        %unpack3A_283 = tpu.unpack_subelements %get3A_276, 1 {pack_format = #tpu.pack_format<interleaved>} : vector<32xbf16> -> vector<16xf32>
        %unpack3A_284 = tpu.unpack_subelements %get3A_281, 0 {pack_format = #tpu.pack_format<interleaved>} : vector<32xbf16> -> vector<16xf32>
        %unpack3A_285 = tpu.unpack_subelements %get3A_281, 1 {pack_format = #tpu.pack_format<interleaved>} : vector<32xbf16> -> vector<16xf32>
        %add3A_286 = arith.addf %add3A_268, %unpack3A_282 : vector<16xf32>
        %add3A_287 = arith.addf %add3A_269, %unpack3A_283 : vector<16xf32>
        %add3A_288 = arith.addf %add3A_270, %unpack3A_284 : vector<16xf32>
        %add3A_289 = arith.addf %add3A_271, %unpack3A_285 : vector<16xf32>
        %add3A_290 = arith.constant 6 : i32
        %add3A_291 = arith.addi %mul3A_182, %add3A_290 : i32
        %get3A_292 = arith.index_cast %add3A_291 : i32 to index
        %get3A_293 = arith.constant 0 : index
        %get3A_294 = tpu.vector_load %arg7[%get3A_292, %get3A_293] {strides = array<i32>} : memref<800x64xbf16, #tpu.memory_space<vmem>>, vector<32xbf16>,
        %add3A_295 = arith.constant 6 : i32
        %add3A_296 = arith.addi %mul3A_182, %add3A_295 : i32
        %get3A_297 = arith.index_cast %add3A_296 : i32 to index
        %get3A_298 = arith.constant 32 : index
        %get3A_299 = tpu.vector_load %arg7[%get3A_297, %get3A_298] {strides = array<i32>} : memref<800x64xbf16, #tpu.memory_space<vmem>>, vector<32xbf16>,
        %unpack3A_300 = tpu.unpack_subelements %get3A_294, 0 {pack_format = #tpu.pack_format<interleaved>} : vector<32xbf16> -> vector<16xf32>
        %unpack3A_301 = tpu.unpack_subelements %get3A_294, 1 {pack_format = #tpu.pack_format<interleaved>} : vector<32xbf16> -> vector<16xf32>
        %unpack3A_302 = tpu.unpack_subelements %get3A_299, 0 {pack_format = #tpu.pack_format<interleaved>} : vector<32xbf16> -> vector<16xf32>
        %unpack3A_303 = tpu.unpack_subelements %get3A_299, 1 {pack_format = #tpu.pack_format<interleaved>} : vector<32xbf16> -> vector<16xf32>
        %add3A_304 = arith.addf %add3A_286, %unpack3A_300 : vector<16xf32>
        %add3A_305 = arith.addf %add3A_287, %unpack3A_301 : vector<16xf32>
        %add3A_306 = arith.addf %add3A_288, %unpack3A_302 : vector<16xf32>
        %add3A_307 = arith.addf %add3A_289, %unpack3A_303 : vector<16xf32>
        %add3A_308 = arith.constant 7 : i32
        %add3A_309 = arith.addi %mul3A_182, %add3A_308 : i32
        %get3A_310 = arith.index_cast %add3A_309 : i32 to index
        %get3A_311 = arith.constant 0 : index
        %get3A_312 = tpu.vector_load %arg7[%get3A_310, %get3A_311] {strides = array<i32>} : memref<800x64xbf16, #tpu.memory_space<vmem>>, vector<32xbf16>,
        %add3A_313 = arith.constant 7 : i32
        %add3A_314 = arith.addi %mul3A_182, %add3A_313 : i32
        %get3A_315 = arith.index_cast %add3A_314 : i32 to index
        %get3A_316 = arith.constant 32 : index
        %get3A_317 = tpu.vector_load %arg7[%get3A_315, %get3A_316] {strides = array<i32>} : memref<800x64xbf16, #tpu.memory_space<vmem>>, vector<32xbf16>,
        %unpack3A_318 = tpu.unpack_subelements %get3A_312, 0 {pack_format = #tpu.pack_format<interleaved>} : vector<32xbf16> -> vector<16xf32>
        %unpack3A_319 = tpu.unpack_subelements %get3A_312, 1 {pack_format = #tpu.pack_format<interleaved>} : vector<32xbf16> -> vector<16xf32>
        %unpack3A_320 = tpu.unpack_subelements %get3A_317, 0 {pack_format = #tpu.pack_format<interleaved>} : vector<32xbf16> -> vector<16xf32>
        %unpack3A_321 = tpu.unpack_subelements %get3A_317, 1 {pack_format = #tpu.pack_format<interleaved>} : vector<32xbf16> -> vector<16xf32>
        %add3A_322 = arith.addf %add3A_304, %unpack3A_318 : vector<16xf32>
        %add3A_323 = arith.addf %add3A_305, %unpack3A_319 : vector<16xf32>
        %add3A_324 = arith.addf %add3A_306, %unpack3A_320 : vector<16xf32>
        %add3A_325 = arith.addf %add3A_307, %unpack3A_321 : vector<16xf32>
        %add3A_326 = arith.constant 8 : i32
        %add3A_327 = arith.addi %mul3A_182, %add3A_326 : i32
        %get3A_328 = arith.index_cast %add3A_327 : i32 to index
        %get3A_329 = arith.constant 0 : index
        %get3A_330 = tpu.vector_load %arg7[%get3A_328, %get3A_329] {strides = array<i32>} : memref<800x64xbf16, #tpu.memory_space<vmem>>, vector<32xbf16>,
        %add3A_331 = arith.constant 8 : i32
        %add3A_332 = arith.addi %mul3A_182, %add3A_331 : i32
        %get3A_333 = arith.index_cast %add3A_332 : i32 to index
        %get3A_334 = arith.constant 32 : index
        %get3A_335 = tpu.vector_load %arg7[%get3A_333, %get3A_334] {strides = array<i32>} : memref<800x64xbf16, #tpu.memory_space<vmem>>, vector<32xbf16>,
        %unpack3A_336 = tpu.unpack_subelements %get3A_330, 0 {pack_format = #tpu.pack_format<interleaved>} : vector<32xbf16> -> vector<16xf32>
        %unpack3A_337 = tpu.unpack_subelements %get3A_330, 1 {pack_format = #tpu.pack_format<interleaved>} : vector<32xbf16> -> vector<16xf32>
        %unpack3A_338 = tpu.unpack_subelements %get3A_335, 0 {pack_format = #tpu.pack_format<interleaved>} : vector<32xbf16> -> vector<16xf32>
        %unpack3A_339 = tpu.unpack_subelements %get3A_335, 1 {pack_format = #tpu.pack_format<interleaved>} : vector<32xbf16> -> vector<16xf32>
        %add3A_340 = arith.addf %add3A_322, %unpack3A_336 : vector<16xf32>
        %add3A_341 = arith.addf %add3A_323, %unpack3A_337 : vector<16xf32>
        %add3A_342 = arith.addf %add3A_324, %unpack3A_338 : vector<16xf32>
        %add3A_343 = arith.addf %add3A_325, %unpack3A_339 : vector<16xf32>
        %add3A_344 = arith.constant 9 : i32
        %add3A_345 = arith.addi %mul3A_182, %add3A_344 : i32
        %get3A_346 = arith.index_cast %add3A_345 : i32 to index
        %get3A_347 = arith.constant 0 : index
        %get3A_348 = tpu.vector_load %arg7[%get3A_346, %get3A_347] {strides = array<i32>} : memref<800x64xbf16, #tpu.memory_space<vmem>>, vector<32xbf16>,
        %add3A_349 = arith.constant 9 : i32
        %add3A_350 = arith.addi %mul3A_182, %add3A_349 : i32
        %get3A_351 = arith.index_cast %add3A_350 : i32 to index
        %get3A_352 = arith.constant 32 : index
        %get3A_353 = tpu.vector_load %arg7[%get3A_351, %get3A_352] {strides = array<i32>} : memref<800x64xbf16, #tpu.memory_space<vmem>>, vector<32xbf16>,
        %unpack3A_354 = tpu.unpack_subelements %get3A_348, 0 {pack_format = #tpu.pack_format<interleaved>} : vector<32xbf16> -> vector<16xf32>
        %unpack3A_355 = tpu.unpack_subelements %get3A_348, 1 {pack_format = #tpu.pack_format<interleaved>} : vector<32xbf16> -> vector<16xf32>
        %unpack3A_356 = tpu.unpack_subelements %get3A_353, 0 {pack_format = #tpu.pack_format<interleaved>} : vector<32xbf16> -> vector<16xf32>
        %unpack3A_357 = tpu.unpack_subelements %get3A_353, 1 {pack_format = #tpu.pack_format<interleaved>} : vector<32xbf16> -> vector<16xf32>
        %add3A_358 = arith.addf %add3A_340, %unpack3A_354 : vector<16xf32>
        %add3A_359 = arith.addf %add3A_341, %unpack3A_355 : vector<16xf32>
        %add3A_360 = arith.addf %add3A_342, %unpack3A_356 : vector<16xf32>
        %add3A_361 = arith.addf %add3A_343, %unpack3A_357 : vector<16xf32>
        %add3A_362 = arith.constant 10 : i32
        %add3A_363 = arith.addi %mul3A_182, %add3A_362 : i32
        %get3A_364 = arith.index_cast %add3A_363 : i32 to index
        %get3A_365 = arith.constant 0 : index
        %get3A_366 = tpu.vector_load %arg7[%get3A_364, %get3A_365] {strides = array<i32>} : memref<800x64xbf16, #tpu.memory_space<vmem>>, vector<32xbf16>,
        %add3A_367 = arith.constant 10 : i32
        %add3A_368 = arith.addi %mul3A_182, %add3A_367 : i32
        %get3A_369 = arith.index_cast %add3A_368 : i32 to index
        %get3A_370 = arith.constant 32 : index
        %get3A_371 = tpu.vector_load %arg7[%get3A_369, %get3A_370] {strides = array<i32>} : memref<800x64xbf16, #tpu.memory_space<vmem>>, vector<32xbf16>,
        %unpack3A_372 = tpu.unpack_subelements %get3A_366, 0 {pack_format = #tpu.pack_format<interleaved>} : vector<32xbf16> -> vector<16xf32>
        %unpack3A_373 = tpu.unpack_subelements %get3A_366, 1 {pack_format = #tpu.pack_format<interleaved>} : vector<32xbf16> -> vector<16xf32>
        %unpack3A_374 = tpu.unpack_subelements %get3A_371, 0 {pack_format = #tpu.pack_format<interleaved>} : vector<32xbf16> -> vector<16xf32>
        %unpack3A_375 = tpu.unpack_subelements %get3A_371, 1 {pack_format = #tpu.pack_format<interleaved>} : vector<32xbf16> -> vector<16xf32>
        %add3A_376 = arith.addf %add3A_358, %unpack3A_372 : vector<16xf32>
        %add3A_377 = arith.addf %add3A_359, %unpack3A_373 : vector<16xf32>
        %add3A_378 = arith.addf %add3A_360, %unpack3A_374 : vector<16xf32>
        %add3A_379 = arith.addf %add3A_361, %unpack3A_375 : vector<16xf32>
        %add3A_380 = arith.constant 11 : i32
        %add3A_381 = arith.addi %mul3A_182, %add3A_380 : i32
        %get3A_382 = arith.index_cast %add3A_381 : i32 to index
        %get3A_383 = arith.constant 0 : index
        %get3A_384 = tpu.vector_load %arg7[%get3A_382, %get3A_383] {strides = array<i32>} : memref<800x64xbf16, #tpu.memory_space<vmem>>, vector<32xbf16>,
        %add3A_385 = arith.constant 11 : i32
        %add3A_386 = arith.addi %mul3A_182, %add3A_385 : i32
        %get3A_387 = arith.index_cast %add3A_386 : i32 to index
        %get3A_388 = arith.constant 32 : index
        %get3A_389 = tpu.vector_load %arg7[%get3A_387, %get3A_388] {strides = array<i32>} : memref<800x64xbf16, #tpu.memory_space<vmem>>, vector<32xbf16>,
        %unpack3A_390 = tpu.unpack_subelements %get3A_384, 0 {pack_format = #tpu.pack_format<interleaved>} : vector<32xbf16> -> vector<16xf32>
        %unpack3A_391 = tpu.unpack_subelements %get3A_384, 1 {pack_format = #tpu.pack_format<interleaved>} : vector<32xbf16> -> vector<16xf32>
        %unpack3A_392 = tpu.unpack_subelements %get3A_389, 0 {pack_format = #tpu.pack_format<interleaved>} : vector<32xbf16> -> vector<16xf32>
        %unpack3A_393 = tpu.unpack_subelements %get3A_389, 1 {pack_format = #tpu.pack_format<interleaved>} : vector<32xbf16> -> vector<16xf32>
        %add3A_394 = arith.addf %add3A_376, %unpack3A_390 : vector<16xf32>
        %add3A_395 = arith.addf %add3A_377, %unpack3A_391 : vector<16xf32>
        %add3A_396 = arith.addf %add3A_378, %unpack3A_392 : vector<16xf32>
        %add3A_397 = arith.addf %add3A_379, %unpack3A_393 : vector<16xf32>
        %add3A_398 = arith.constant 12 : i32
        %add3A_399 = arith.addi %mul3A_182, %add3A_398 : i32
        %get3A_400 = arith.index_cast %add3A_399 : i32 to index
        %get3A_401 = arith.constant 0 : index
        %get3A_402 = tpu.vector_load %arg7[%get3A_400, %get3A_401] {strides = array<i32>} : memref<800x64xbf16, #tpu.memory_space<vmem>>, vector<32xbf16>,
        %add3A_403 = arith.constant 12 : i32
        %add3A_404 = arith.addi %mul3A_182, %add3A_403 : i32
        %get3A_405 = arith.index_cast %add3A_404 : i32 to index
        %get3A_406 = arith.constant 32 : index
        %get3A_407 = tpu.vector_load %arg7[%get3A_405, %get3A_406] {strides = array<i32>} : memref<800x64xbf16, #tpu.memory_space<vmem>>, vector<32xbf16>,
        %unpack3A_408 = tpu.unpack_subelements %get3A_402, 0 {pack_format = #tpu.pack_format<interleaved>} : vector<32xbf16> -> vector<16xf32>
        %unpack3A_409 = tpu.unpack_subelements %get3A_402, 1 {pack_format = #tpu.pack_format<interleaved>} : vector<32xbf16> -> vector<16xf32>
        %unpack3A_410 = tpu.unpack_subelements %get3A_407, 0 {pack_format = #tpu.pack_format<interleaved>} : vector<32xbf16> -> vector<16xf32>
        %unpack3A_411 = tpu.unpack_subelements %get3A_407, 1 {pack_format = #tpu.pack_format<interleaved>} : vector<32xbf16> -> vector<16xf32>
        %add3A_412 = arith.addf %add3A_394, %unpack3A_408 : vector<16xf32>
        %add3A_413 = arith.addf %add3A_395, %unpack3A_409 : vector<16xf32>
        %add3A_414 = arith.addf %add3A_396, %unpack3A_410 : vector<16xf32>
        %add3A_415 = arith.addf %add3A_397, %unpack3A_411 : vector<16xf32>
        %add3A_416 = arith.constant 13 : i32
        %add3A_417 = arith.addi %mul3A_182, %add3A_416 : i32
        %get3A_418 = arith.index_cast %add3A_417 : i32 to index
        %get3A_419 = arith.constant 0 : index
        %get3A_420 = tpu.vector_load %arg7[%get3A_418, %get3A_419] {strides = array<i32>} : memref<800x64xbf16, #tpu.memory_space<vmem>>, vector<32xbf16>,
        %add3A_421 = arith.constant 13 : i32
        %add3A_422 = arith.addi %mul3A_182, %add3A_421 : i32
        %get3A_423 = arith.index_cast %add3A_422 : i32 to index
        %get3A_424 = arith.constant 32 : index
        %get3A_425 = tpu.vector_load %arg7[%get3A_423, %get3A_424] {strides = array<i32>} : memref<800x64xbf16, #tpu.memory_space<vmem>>, vector<32xbf16>,
        %unpack3A_426 = tpu.unpack_subelements %get3A_420, 0 {pack_format = #tpu.pack_format<interleaved>} : vector<32xbf16> -> vector<16xf32>
        %unpack3A_427 = tpu.unpack_subelements %get3A_420, 1 {pack_format = #tpu.pack_format<interleaved>} : vector<32xbf16> -> vector<16xf32>
        %unpack3A_428 = tpu.unpack_subelements %get3A_425, 0 {pack_format = #tpu.pack_format<interleaved>} : vector<32xbf16> -> vector<16xf32>
        %unpack3A_429 = tpu.unpack_subelements %get3A_425, 1 {pack_format = #tpu.pack_format<interleaved>} : vector<32xbf16> -> vector<16xf32>
        %add3A_430 = arith.addf %add3A_412, %unpack3A_426 : vector<16xf32>
        %add3A_431 = arith.addf %add3A_413, %unpack3A_427 : vector<16xf32>
        %add3A_432 = arith.addf %add3A_414, %unpack3A_428 : vector<16xf32>
        %add3A_433 = arith.addf %add3A_415, %unpack3A_429 : vector<16xf32>
        %add3A_434 = arith.constant 14 : i32
        %add3A_435 = arith.addi %mul3A_182, %add3A_434 : i32
        %get3A_436 = arith.index_cast %add3A_435 : i32 to index
        %get3A_437 = arith.constant 0 : index
        %get3A_438 = tpu.vector_load %arg7[%get3A_436, %get3A_437] {strides = array<i32>} : memref<800x64xbf16, #tpu.memory_space<vmem>>, vector<32xbf16>,
        %add3A_439 = arith.constant 14 : i32
        %add3A_440 = arith.addi %mul3A_182, %add3A_439 : i32
        %get3A_441 = arith.index_cast %add3A_440 : i32 to index
        %get3A_442 = arith.constant 32 : index
        %get3A_443 = tpu.vector_load %arg7[%get3A_441, %get3A_442] {strides = array<i32>} : memref<800x64xbf16, #tpu.memory_space<vmem>>, vector<32xbf16>,
        %unpack3A_444 = tpu.unpack_subelements %get3A_438, 0 {pack_format = #tpu.pack_format<interleaved>} : vector<32xbf16> -> vector<16xf32>
        %unpack3A_445 = tpu.unpack_subelements %get3A_438, 1 {pack_format = #tpu.pack_format<interleaved>} : vector<32xbf16> -> vector<16xf32>
        %unpack3A_446 = tpu.unpack_subelements %get3A_443, 0 {pack_format = #tpu.pack_format<interleaved>} : vector<32xbf16> -> vector<16xf32>
        %unpack3A_447 = tpu.unpack_subelements %get3A_443, 1 {pack_format = #tpu.pack_format<interleaved>} : vector<32xbf16> -> vector<16xf32>
        %add3A_448 = arith.addf %add3A_430, %unpack3A_444 : vector<16xf32>
        %add3A_449 = arith.addf %add3A_431, %unpack3A_445 : vector<16xf32>
        %add3A_450 = arith.addf %add3A_432, %unpack3A_446 : vector<16xf32>
        %add3A_451 = arith.addf %add3A_433, %unpack3A_447 : vector<16xf32>
        %add3A_452 = arith.constant 15 : i32
        %add3A_453 = arith.addi %mul3A_182, %add3A_452 : i32
        %get3A_454 = arith.index_cast %add3A_453 : i32 to index
        %get3A_455 = arith.constant 0 : index
        %get3A_456 = tpu.vector_load %arg7[%get3A_454, %get3A_455] {strides = array<i32>} : memref<800x64xbf16, #tpu.memory_space<vmem>>, vector<32xbf16>,
        %add3A_457 = arith.constant 15 : i32
        %add3A_458 = arith.addi %mul3A_182, %add3A_457 : i32
        %get3A_459 = arith.index_cast %add3A_458 : i32 to index
        %get3A_460 = arith.constant 32 : index
        %get3A_461 = tpu.vector_load %arg7[%get3A_459, %get3A_460] {strides = array<i32>} : memref<800x64xbf16, #tpu.memory_space<vmem>>, vector<32xbf16>,
        %unpack3A_462 = tpu.unpack_subelements %get3A_456, 0 {pack_format = #tpu.pack_format<interleaved>} : vector<32xbf16> -> vector<16xf32>
        %unpack3A_463 = tpu.unpack_subelements %get3A_456, 1 {pack_format = #tpu.pack_format<interleaved>} : vector<32xbf16> -> vector<16xf32>
        %unpack3A_464 = tpu.unpack_subelements %get3A_461, 0 {pack_format = #tpu.pack_format<interleaved>} : vector<32xbf16> -> vector<16xf32>
        %unpack3A_465 = tpu.unpack_subelements %get3A_461, 1 {pack_format = #tpu.pack_format<interleaved>} : vector<32xbf16> -> vector<16xf32>
        %add3A_466 = arith.addf %add3A_448, %unpack3A_462 : vector<16xf32>
        %add3A_467 = arith.addf %add3A_449, %unpack3A_463 : vector<16xf32>
        %add3A_468 = arith.addf %add3A_450, %unpack3A_464 : vector<16xf32>
        %add3A_469 = arith.addf %add3A_451, %unpack3A_465 : vector<16xf32>
        %add3A_470 = arith.constant 16 : i32
        %add3A_471 = arith.addi %mul3A_182, %add3A_470 : i32
        %get3A_472 = arith.index_cast %add3A_471 : i32 to index
        %get3A_473 = arith.constant 0 : index
        %get3A_474 = tpu.vector_load %arg7[%get3A_472, %get3A_473] {strides = array<i32>} : memref<800x64xbf16, #tpu.memory_space<vmem>>, vector<32xbf16>,
        %add3A_475 = arith.constant 16 : i32
        %add3A_476 = arith.addi %mul3A_182, %add3A_475 : i32
        %get3A_477 = arith.index_cast %add3A_476 : i32 to index
        %get3A_478 = arith.constant 32 : index
        %get3A_479 = tpu.vector_load %arg7[%get3A_477, %get3A_478] {strides = array<i32>} : memref<800x64xbf16, #tpu.memory_space<vmem>>, vector<32xbf16>,
        %unpack3A_480 = tpu.unpack_subelements %get3A_474, 0 {pack_format = #tpu.pack_format<interleaved>} : vector<32xbf16> -> vector<16xf32>
        %unpack3A_481 = tpu.unpack_subelements %get3A_474, 1 {pack_format = #tpu.pack_format<interleaved>} : vector<32xbf16> -> vector<16xf32>
        %unpack3A_482 = tpu.unpack_subelements %get3A_479, 0 {pack_format = #tpu.pack_format<interleaved>} : vector<32xbf16> -> vector<16xf32>
        %unpack3A_483 = tpu.unpack_subelements %get3A_479, 1 {pack_format = #tpu.pack_format<interleaved>} : vector<32xbf16> -> vector<16xf32>
        %add3A_484 = arith.addf %add3A_466, %unpack3A_480 : vector<16xf32>
        %add3A_485 = arith.addf %add3A_467, %unpack3A_481 : vector<16xf32>
        %add3A_486 = arith.addf %add3A_468, %unpack3A_482 : vector<16xf32>
        %add3A_487 = arith.addf %add3A_469, %unpack3A_483 : vector<16xf32>
        %add3A_488 = arith.constant 17 : i32
        %add3A_489 = arith.addi %mul3A_182, %add3A_488 : i32
        %get3A_490 = arith.index_cast %add3A_489 : i32 to index
        %get3A_491 = arith.constant 0 : index
        %get3A_492 = tpu.vector_load %arg7[%get3A_490, %get3A_491] {strides = array<i32>} : memref<800x64xbf16, #tpu.memory_space<vmem>>, vector<32xbf16>,
        %add3A_493 = arith.constant 17 : i32
        %add3A_494 = arith.addi %mul3A_182, %add3A_493 : i32
        %get3A_495 = arith.index_cast %add3A_494 : i32 to index
        %get3A_496 = arith.constant 32 : index
        %get3A_497 = tpu.vector_load %arg7[%get3A_495, %get3A_496] {strides = array<i32>} : memref<800x64xbf16, #tpu.memory_space<vmem>>, vector<32xbf16>,
        %unpack3A_498 = tpu.unpack_subelements %get3A_492, 0 {pack_format = #tpu.pack_format<interleaved>} : vector<32xbf16> -> vector<16xf32>
        %unpack3A_499 = tpu.unpack_subelements %get3A_492, 1 {pack_format = #tpu.pack_format<interleaved>} : vector<32xbf16> -> vector<16xf32>
        %unpack3A_500 = tpu.unpack_subelements %get3A_497, 0 {pack_format = #tpu.pack_format<interleaved>} : vector<32xbf16> -> vector<16xf32>
        %unpack3A_501 = tpu.unpack_subelements %get3A_497, 1 {pack_format = #tpu.pack_format<interleaved>} : vector<32xbf16> -> vector<16xf32>
        %add3A_502 = arith.addf %add3A_484, %unpack3A_498 : vector<16xf32>
        %add3A_503 = arith.addf %add3A_485, %unpack3A_499 : vector<16xf32>
        %add3A_504 = arith.addf %add3A_486, %unpack3A_500 : vector<16xf32>
        %add3A_505 = arith.addf %add3A_487, %unpack3A_501 : vector<16xf32>
        %add3A_506 = arith.constant 18 : i32
        %add3A_507 = arith.addi %mul3A_182, %add3A_506 : i32
        %get3A_508 = arith.index_cast %add3A_507 : i32 to index
        %get3A_509 = arith.constant 0 : index
        %get3A_510 = tpu.vector_load %arg7[%get3A_508, %get3A_509] {strides = array<i32>} : memref<800x64xbf16, #tpu.memory_space<vmem>>, vector<32xbf16>,
        %add3A_511 = arith.constant 18 : i32
        %add3A_512 = arith.addi %mul3A_182, %add3A_511 : i32
        %get3A_513 = arith.index_cast %add3A_512 : i32 to index
        %get3A_514 = arith.constant 32 : index
        %get3A_515 = tpu.vector_load %arg7[%get3A_513, %get3A_514] {strides = array<i32>} : memref<800x64xbf16, #tpu.memory_space<vmem>>, vector<32xbf16>,
        %unpack3A_516 = tpu.unpack_subelements %get3A_510, 0 {pack_format = #tpu.pack_format<interleaved>} : vector<32xbf16> -> vector<16xf32>
        %unpack3A_517 = tpu.unpack_subelements %get3A_510, 1 {pack_format = #tpu.pack_format<interleaved>} : vector<32xbf16> -> vector<16xf32>
        %unpack3A_518 = tpu.unpack_subelements %get3A_515, 0 {pack_format = #tpu.pack_format<interleaved>} : vector<32xbf16> -> vector<16xf32>
        %unpack3A_519 = tpu.unpack_subelements %get3A_515, 1 {pack_format = #tpu.pack_format<interleaved>} : vector<32xbf16> -> vector<16xf32>
        %add3A_520 = arith.addf %add3A_502, %unpack3A_516 : vector<16xf32>
        %add3A_521 = arith.addf %add3A_503, %unpack3A_517 : vector<16xf32>
        %add3A_522 = arith.addf %add3A_504, %unpack3A_518 : vector<16xf32>
        %add3A_523 = arith.addf %add3A_505, %unpack3A_519 : vector<16xf32>
        %add3A_524 = arith.constant 19 : i32
        %add3A_525 = arith.addi %mul3A_182, %add3A_524 : i32
        %get3A_526 = arith.index_cast %add3A_525 : i32 to index
        %get3A_527 = arith.constant 0 : index
        %get3A_528 = tpu.vector_load %arg7[%get3A_526, %get3A_527] {strides = array<i32>} : memref<800x64xbf16, #tpu.memory_space<vmem>>, vector<32xbf16>,
        %add3A_529 = arith.constant 19 : i32
        %add3A_530 = arith.addi %mul3A_182, %add3A_529 : i32
        %get3A_531 = arith.index_cast %add3A_530 : i32 to index
        %get3A_532 = arith.constant 32 : index
        %get3A_533 = tpu.vector_load %arg7[%get3A_531, %get3A_532] {strides = array<i32>} : memref<800x64xbf16, #tpu.memory_space<vmem>>, vector<32xbf16>,
        %unpack3A_534 = tpu.unpack_subelements %get3A_528, 0 {pack_format = #tpu.pack_format<interleaved>} : vector<32xbf16> -> vector<16xf32>
        %unpack3A_535 = tpu.unpack_subelements %get3A_528, 1 {pack_format = #tpu.pack_format<interleaved>} : vector<32xbf16> -> vector<16xf32>
        %unpack3A_536 = tpu.unpack_subelements %get3A_533, 0 {pack_format = #tpu.pack_format<interleaved>} : vector<32xbf16> -> vector<16xf32>
        %unpack3A_537 = tpu.unpack_subelements %get3A_533, 1 {pack_format = #tpu.pack_format<interleaved>} : vector<32xbf16> -> vector<16xf32>
        %add3A_538 = arith.addf %add3A_520, %unpack3A_534 : vector<16xf32>
        %add3A_539 = arith.addf %add3A_521, %unpack3A_535 : vector<16xf32>
        %add3A_540 = arith.addf %add3A_522, %unpack3A_536 : vector<16xf32>
        %add3A_541 = arith.addf %add3A_523, %unpack3A_537 : vector<16xf32>
        %add3A_542 = arith.constant 20 : i32
        %add3A_543 = arith.addi %mul3A_182, %add3A_542 : i32
        %get3A_544 = arith.index_cast %add3A_543 : i32 to index
        %get3A_545 = arith.constant 0 : index
        %get3A_546 = tpu.vector_load %arg7[%get3A_544, %get3A_545] {strides = array<i32>} : memref<800x64xbf16, #tpu.memory_space<vmem>>, vector<32xbf16>,
        %add3A_547 = arith.constant 20 : i32
        %add3A_548 = arith.addi %mul3A_182, %add3A_547 : i32
        %get3A_549 = arith.index_cast %add3A_548 : i32 to index
        %get3A_550 = arith.constant 32 : index
        %get3A_551 = tpu.vector_load %arg7[%get3A_549, %get3A_550] {strides = array<i32>} : memref<800x64xbf16, #tpu.memory_space<vmem>>, vector<32xbf16>,
        %unpack3A_552 = tpu.unpack_subelements %get3A_546, 0 {pack_format = #tpu.pack_format<interleaved>} : vector<32xbf16> -> vector<16xf32>
        %unpack3A_553 = tpu.unpack_subelements %get3A_546, 1 {pack_format = #tpu.pack_format<interleaved>} : vector<32xbf16> -> vector<16xf32>
        %unpack3A_554 = tpu.unpack_subelements %get3A_551, 0 {pack_format = #tpu.pack_format<interleaved>} : vector<32xbf16> -> vector<16xf32>
        %unpack3A_555 = tpu.unpack_subelements %get3A_551, 1 {pack_format = #tpu.pack_format<interleaved>} : vector<32xbf16> -> vector<16xf32>
        %add3A_556 = arith.addf %add3A_538, %unpack3A_552 : vector<16xf32>
        %add3A_557 = arith.addf %add3A_539, %unpack3A_553 : vector<16xf32>
        %add3A_558 = arith.addf %add3A_540, %unpack3A_554 : vector<16xf32>
        %add3A_559 = arith.addf %add3A_541, %unpack3A_555 : vector<16xf32>
        %add3A_560 = arith.constant 21 : i32
        %add3A_561 = arith.addi %mul3A_182, %add3A_560 : i32
        %get3A_562 = arith.index_cast %add3A_561 : i32 to index
        %get3A_563 = arith.constant 0 : index
        %get3A_564 = tpu.vector_load %arg7[%get3A_562, %get3A_563] {strides = array<i32>} : memref<800x64xbf16, #tpu.memory_space<vmem>>, vector<32xbf16>,
        %add3A_565 = arith.constant 21 : i32
        %add3A_566 = arith.addi %mul3A_182, %add3A_565 : i32
        %get3A_567 = arith.index_cast %add3A_566 : i32 to index
        %get3A_568 = arith.constant 32 : index
        %get3A_569 = tpu.vector_load %arg7[%get3A_567, %get3A_568] {strides = array<i32>} : memref<800x64xbf16, #tpu.memory_space<vmem>>, vector<32xbf16>,
        %unpack3A_570 = tpu.unpack_subelements %get3A_564, 0 {pack_format = #tpu.pack_format<interleaved>} : vector<32xbf16> -> vector<16xf32>
        %unpack3A_571 = tpu.unpack_subelements %get3A_564, 1 {pack_format = #tpu.pack_format<interleaved>} : vector<32xbf16> -> vector<16xf32>
        %unpack3A_572 = tpu.unpack_subelements %get3A_569, 0 {pack_format = #tpu.pack_format<interleaved>} : vector<32xbf16> -> vector<16xf32>
        %unpack3A_573 = tpu.unpack_subelements %get3A_569, 1 {pack_format = #tpu.pack_format<interleaved>} : vector<32xbf16> -> vector<16xf32>
        %add3A_574 = arith.addf %add3A_556, %unpack3A_570 : vector<16xf32>
        %add3A_575 = arith.addf %add3A_557, %unpack3A_571 : vector<16xf32>
        %add3A_576 = arith.addf %add3A_558, %unpack3A_572 : vector<16xf32>
        %add3A_577 = arith.addf %add3A_559, %unpack3A_573 : vector<16xf32>
        %add3A_578 = arith.constant 22 : i32
        %add3A_579 = arith.addi %mul3A_182, %add3A_578 : i32
        %get3A_580 = arith.index_cast %add3A_579 : i32 to index
        %get3A_581 = arith.constant 0 : index
        %get3A_582 = tpu.vector_load %arg7[%get3A_580, %get3A_581] {strides = array<i32>} : memref<800x64xbf16, #tpu.memory_space<vmem>>, vector<32xbf16>,
        %add3A_583 = arith.constant 22 : i32
        %add3A_584 = arith.addi %mul3A_182, %add3A_583 : i32
        %get3A_585 = arith.index_cast %add3A_584 : i32 to index
        %get3A_586 = arith.constant 32 : index
        %get3A_587 = tpu.vector_load %arg7[%get3A_585, %get3A_586] {strides = array<i32>} : memref<800x64xbf16, #tpu.memory_space<vmem>>, vector<32xbf16>,
        %unpack3A_588 = tpu.unpack_subelements %get3A_582, 0 {pack_format = #tpu.pack_format<interleaved>} : vector<32xbf16> -> vector<16xf32>
        %unpack3A_589 = tpu.unpack_subelements %get3A_582, 1 {pack_format = #tpu.pack_format<interleaved>} : vector<32xbf16> -> vector<16xf32>
        %unpack3A_590 = tpu.unpack_subelements %get3A_587, 0 {pack_format = #tpu.pack_format<interleaved>} : vector<32xbf16> -> vector<16xf32>
        %unpack3A_591 = tpu.unpack_subelements %get3A_587, 1 {pack_format = #tpu.pack_format<interleaved>} : vector<32xbf16> -> vector<16xf32>
        %add3A_592 = arith.addf %add3A_574, %unpack3A_588 : vector<16xf32>
        %add3A_593 = arith.addf %add3A_575, %unpack3A_589 : vector<16xf32>
        %add3A_594 = arith.addf %add3A_576, %unpack3A_590 : vector<16xf32>
        %add3A_595 = arith.addf %add3A_577, %unpack3A_591 : vector<16xf32>
        %add3A_596 = arith.constant 23 : i32
        %add3A_597 = arith.addi %mul3A_182, %add3A_596 : i32
        %get3A_598 = arith.index_cast %add3A_597 : i32 to index
        %get3A_599 = arith.constant 0 : index
        %get3A_600 = tpu.vector_load %arg7[%get3A_598, %get3A_599] {strides = array<i32>} : memref<800x64xbf16, #tpu.memory_space<vmem>>, vector<32xbf16>,
        %add3A_601 = arith.constant 23 : i32
        %add3A_602 = arith.addi %mul3A_182, %add3A_601 : i32
        %get3A_603 = arith.index_cast %add3A_602 : i32 to index
        %get3A_604 = arith.constant 32 : index
        %get3A_605 = tpu.vector_load %arg7[%get3A_603, %get3A_604] {strides = array<i32>} : memref<800x64xbf16, #tpu.memory_space<vmem>>, vector<32xbf16>,
        %unpack3A_606 = tpu.unpack_subelements %get3A_600, 0 {pack_format = #tpu.pack_format<interleaved>} : vector<32xbf16> -> vector<16xf32>
        %unpack3A_607 = tpu.unpack_subelements %get3A_600, 1 {pack_format = #tpu.pack_format<interleaved>} : vector<32xbf16> -> vector<16xf32>
        %unpack3A_608 = tpu.unpack_subelements %get3A_605, 0 {pack_format = #tpu.pack_format<interleaved>} : vector<32xbf16> -> vector<16xf32>
        %unpack3A_609 = tpu.unpack_subelements %get3A_605, 1 {pack_format = #tpu.pack_format<interleaved>} : vector<32xbf16> -> vector<16xf32>
        %add3A_610 = arith.addf %add3A_592, %unpack3A_606 : vector<16xf32>
        %add3A_611 = arith.addf %add3A_593, %unpack3A_607 : vector<16xf32>
        %add3A_612 = arith.addf %add3A_594, %unpack3A_608 : vector<16xf32>
        %add3A_613 = arith.addf %add3A_595, %unpack3A_609 : vector<16xf32>
        %add3A_614 = arith.constant 24 : i32
        %add3A_615 = arith.addi %mul3A_182, %add3A_614 : i32
        %get3A_616 = arith.index_cast %add3A_615 : i32 to index
        %get3A_617 = arith.constant 0 : index
        %get3A_618 = tpu.vector_load %arg7[%get3A_616, %get3A_617] {strides = array<i32>} : memref<800x64xbf16, #tpu.memory_space<vmem>>, vector<32xbf16>,
        %add3A_619 = arith.constant 24 : i32
        %add3A_620 = arith.addi %mul3A_182, %add3A_619 : i32
        %get3A_621 = arith.index_cast %add3A_620 : i32 to index
        %get3A_622 = arith.constant 32 : index
        %get3A_623 = tpu.vector_load %arg7[%get3A_621, %get3A_622] {strides = array<i32>} : memref<800x64xbf16, #tpu.memory_space<vmem>>, vector<32xbf16>,
        %unpack3A_624 = tpu.unpack_subelements %get3A_618, 0 {pack_format = #tpu.pack_format<interleaved>} : vector<32xbf16> -> vector<16xf32>
        %unpack3A_625 = tpu.unpack_subelements %get3A_618, 1 {pack_format = #tpu.pack_format<interleaved>} : vector<32xbf16> -> vector<16xf32>
        %unpack3A_626 = tpu.unpack_subelements %get3A_623, 0 {pack_format = #tpu.pack_format<interleaved>} : vector<32xbf16> -> vector<16xf32>
        %unpack3A_627 = tpu.unpack_subelements %get3A_623, 1 {pack_format = #tpu.pack_format<interleaved>} : vector<32xbf16> -> vector<16xf32>
        %add3A_628 = arith.addf %add3A_610, %unpack3A_624 : vector<16xf32>
        %add3A_629 = arith.addf %add3A_611, %unpack3A_625 : vector<16xf32>
        %add3A_630 = arith.addf %add3A_612, %unpack3A_626 : vector<16xf32>
        %add3A_631 = arith.addf %add3A_613, %unpack3A_627 : vector<16xf32>
        %add3A_632 = arith.constant 25 : i32
        %add3A_633 = arith.addi %mul3A_182, %add3A_632 : i32
        %get3A_634 = arith.index_cast %add3A_633 : i32 to index
        %get3A_635 = arith.constant 0 : index
        %get3A_636 = tpu.vector_load %arg7[%get3A_634, %get3A_635] {strides = array<i32>} : memref<800x64xbf16, #tpu.memory_space<vmem>>, vector<32xbf16>,
        %add3A_637 = arith.constant 25 : i32
        %add3A_638 = arith.addi %mul3A_182, %add3A_637 : i32
        %get3A_639 = arith.index_cast %add3A_638 : i32 to index
        %get3A_640 = arith.constant 32 : index
        %get3A_641 = tpu.vector_load %arg7[%get3A_639, %get3A_640] {strides = array<i32>} : memref<800x64xbf16, #tpu.memory_space<vmem>>, vector<32xbf16>,
        %unpack3A_642 = tpu.unpack_subelements %get3A_636, 0 {pack_format = #tpu.pack_format<interleaved>} : vector<32xbf16> -> vector<16xf32>
        %unpack3A_643 = tpu.unpack_subelements %get3A_636, 1 {pack_format = #tpu.pack_format<interleaved>} : vector<32xbf16> -> vector<16xf32>
        %unpack3A_644 = tpu.unpack_subelements %get3A_641, 0 {pack_format = #tpu.pack_format<interleaved>} : vector<32xbf16> -> vector<16xf32>
        %unpack3A_645 = tpu.unpack_subelements %get3A_641, 1 {pack_format = #tpu.pack_format<interleaved>} : vector<32xbf16> -> vector<16xf32>
        %add3A_646 = arith.addf %add3A_628, %unpack3A_642 : vector<16xf32>
        %add3A_647 = arith.addf %add3A_629, %unpack3A_643 : vector<16xf32>
        %add3A_648 = arith.addf %add3A_630, %unpack3A_644 : vector<16xf32>
        %add3A_649 = arith.addf %add3A_631, %unpack3A_645 : vector<16xf32>
        %add3A_650 = arith.constant 26 : i32
        %add3A_651 = arith.addi %mul3A_182, %add3A_650 : i32
        %get3A_652 = arith.index_cast %add3A_651 : i32 to index
        %get3A_653 = arith.constant 0 : index
        %get3A_654 = tpu.vector_load %arg7[%get3A_652, %get3A_653] {strides = array<i32>} : memref<800x64xbf16, #tpu.memory_space<vmem>>, vector<32xbf16>,
        %add3A_655 = arith.constant 26 : i32
        %add3A_656 = arith.addi %mul3A_182, %add3A_655 : i32
        %get3A_657 = arith.index_cast %add3A_656 : i32 to index
        %get3A_658 = arith.constant 32 : index
        %get3A_659 = tpu.vector_load %arg7[%get3A_657, %get3A_658] {strides = array<i32>} : memref<800x64xbf16, #tpu.memory_space<vmem>>, vector<32xbf16>,
        %unpack3A_660 = tpu.unpack_subelements %get3A_654, 0 {pack_format = #tpu.pack_format<interleaved>} : vector<32xbf16> -> vector<16xf32>
        %unpack3A_661 = tpu.unpack_subelements %get3A_654, 1 {pack_format = #tpu.pack_format<interleaved>} : vector<32xbf16> -> vector<16xf32>
        %unpack3A_662 = tpu.unpack_subelements %get3A_659, 0 {pack_format = #tpu.pack_format<interleaved>} : vector<32xbf16> -> vector<16xf32>
        %unpack3A_663 = tpu.unpack_subelements %get3A_659, 1 {pack_format = #tpu.pack_format<interleaved>} : vector<32xbf16> -> vector<16xf32>
        %add3A_664 = arith.addf %add3A_646, %unpack3A_660 : vector<16xf32>
        %add3A_665 = arith.addf %add3A_647, %unpack3A_661 : vector<16xf32>
        %add3A_666 = arith.addf %add3A_648, %unpack3A_662 : vector<16xf32>
        %add3A_667 = arith.addf %add3A_649, %unpack3A_663 : vector<16xf32>
        %add3A_668 = arith.constant 27 : i32
        %add3A_669 = arith.addi %mul3A_182, %add3A_668 : i32
        %get3A_670 = arith.index_cast %add3A_669 : i32 to index
        %get3A_671 = arith.constant 0 : index
        %get3A_672 = tpu.vector_load %arg7[%get3A_670, %get3A_671] {strides = array<i32>} : memref<800x64xbf16, #tpu.memory_space<vmem>>, vector<32xbf16>,
        %add3A_673 = arith.constant 27 : i32
        %add3A_674 = arith.addi %mul3A_182, %add3A_673 : i32
        %get3A_675 = arith.index_cast %add3A_674 : i32 to index
        %get3A_676 = arith.constant 32 : index
        %get3A_677 = tpu.vector_load %arg7[%get3A_675, %get3A_676] {strides = array<i32>} : memref<800x64xbf16, #tpu.memory_space<vmem>>, vector<32xbf16>,
        %unpack3A_678 = tpu.unpack_subelements %get3A_672, 0 {pack_format = #tpu.pack_format<interleaved>} : vector<32xbf16> -> vector<16xf32>
        %unpack3A_679 = tpu.unpack_subelements %get3A_672, 1 {pack_format = #tpu.pack_format<interleaved>} : vector<32xbf16> -> vector<16xf32>
        %unpack3A_680 = tpu.unpack_subelements %get3A_677, 0 {pack_format = #tpu.pack_format<interleaved>} : vector<32xbf16> -> vector<16xf32>
        %unpack3A_681 = tpu.unpack_subelements %get3A_677, 1 {pack_format = #tpu.pack_format<interleaved>} : vector<32xbf16> -> vector<16xf32>
        %add3A_682 = arith.addf %add3A_664, %unpack3A_678 : vector<16xf32>
        %add3A_683 = arith.addf %add3A_665, %unpack3A_679 : vector<16xf32>
        %add3A_684 = arith.addf %add3A_666, %unpack3A_680 : vector<16xf32>
        %add3A_685 = arith.addf %add3A_667, %unpack3A_681 : vector<16xf32>
        %add3A_686 = arith.constant 28 : i32
        %add3A_687 = arith.addi %mul3A_182, %add3A_686 : i32
        %get3A_688 = arith.index_cast %add3A_687 : i32 to index
        %get3A_689 = arith.constant 0 : index
        %get3A_690 = tpu.vector_load %arg7[%get3A_688, %get3A_689] {strides = array<i32>} : memref<800x64xbf16, #tpu.memory_space<vmem>>, vector<32xbf16>,
        %add3A_691 = arith.constant 28 : i32
        %add3A_692 = arith.addi %mul3A_182, %add3A_691 : i32
        %get3A_693 = arith.index_cast %add3A_692 : i32 to index
        %get3A_694 = arith.constant 32 : index
        %get3A_695 = tpu.vector_load %arg7[%get3A_693, %get3A_694] {strides = array<i32>} : memref<800x64xbf16, #tpu.memory_space<vmem>>, vector<32xbf16>,
        %unpack3A_696 = tpu.unpack_subelements %get3A_690, 0 {pack_format = #tpu.pack_format<interleaved>} : vector<32xbf16> -> vector<16xf32>
        %unpack3A_697 = tpu.unpack_subelements %get3A_690, 1 {pack_format = #tpu.pack_format<interleaved>} : vector<32xbf16> -> vector<16xf32>
        %unpack3A_698 = tpu.unpack_subelements %get3A_695, 0 {pack_format = #tpu.pack_format<interleaved>} : vector<32xbf16> -> vector<16xf32>
        %unpack3A_699 = tpu.unpack_subelements %get3A_695, 1 {pack_format = #tpu.pack_format<interleaved>} : vector<32xbf16> -> vector<16xf32>
        %add3A_700 = arith.addf %add3A_682, %unpack3A_696 : vector<16xf32>
        %add3A_701 = arith.addf %add3A_683, %unpack3A_697 : vector<16xf32>
        %add3A_702 = arith.addf %add3A_684, %unpack3A_698 : vector<16xf32>
        %add3A_703 = arith.addf %add3A_685, %unpack3A_699 : vector<16xf32>
        %add3A_704 = arith.constant 29 : i32
        %add3A_705 = arith.addi %mul3A_182, %add3A_704 : i32
        %get3A_706 = arith.index_cast %add3A_705 : i32 to index
        %get3A_707 = arith.constant 0 : index
        %get3A_708 = tpu.vector_load %arg7[%get3A_706, %get3A_707] {strides = array<i32>} : memref<800x64xbf16, #tpu.memory_space<vmem>>, vector<32xbf16>,
        %add3A_709 = arith.constant 29 : i32
        %add3A_710 = arith.addi %mul3A_182, %add3A_709 : i32
        %get3A_711 = arith.index_cast %add3A_710 : i32 to index
        %get3A_712 = arith.constant 32 : index
        %get3A_713 = tpu.vector_load %arg7[%get3A_711, %get3A_712] {strides = array<i32>} : memref<800x64xbf16, #tpu.memory_space<vmem>>, vector<32xbf16>,
        %unpack3A_714 = tpu.unpack_subelements %get3A_708, 0 {pack_format = #tpu.pack_format<interleaved>} : vector<32xbf16> -> vector<16xf32>
        %unpack3A_715 = tpu.unpack_subelements %get3A_708, 1 {pack_format = #tpu.pack_format<interleaved>} : vector<32xbf16> -> vector<16xf32>
        %unpack3A_716 = tpu.unpack_subelements %get3A_713, 0 {pack_format = #tpu.pack_format<interleaved>} : vector<32xbf16> -> vector<16xf32>
        %unpack3A_717 = tpu.unpack_subelements %get3A_713, 1 {pack_format = #tpu.pack_format<interleaved>} : vector<32xbf16> -> vector<16xf32>
        %add3A_718 = arith.addf %add3A_700, %unpack3A_714 : vector<16xf32>
        %add3A_719 = arith.addf %add3A_701, %unpack3A_715 : vector<16xf32>
        %add3A_720 = arith.addf %add3A_702, %unpack3A_716 : vector<16xf32>
        %add3A_721 = arith.addf %add3A_703, %unpack3A_717 : vector<16xf32>
        %add3A_722 = arith.constant 30 : i32
        %add3A_723 = arith.addi %mul3A_182, %add3A_722 : i32
        %get3A_724 = arith.index_cast %add3A_723 : i32 to index
        %get3A_725 = arith.constant 0 : index
        %get3A_726 = tpu.vector_load %arg7[%get3A_724, %get3A_725] {strides = array<i32>} : memref<800x64xbf16, #tpu.memory_space<vmem>>, vector<32xbf16>,
        %add3A_727 = arith.constant 30 : i32
        %add3A_728 = arith.addi %mul3A_182, %add3A_727 : i32
        %get3A_729 = arith.index_cast %add3A_728 : i32 to index
        %get3A_730 = arith.constant 32 : index
        %get3A_731 = tpu.vector_load %arg7[%get3A_729, %get3A_730] {strides = array<i32>} : memref<800x64xbf16, #tpu.memory_space<vmem>>, vector<32xbf16>,
        %unpack3A_732 = tpu.unpack_subelements %get3A_726, 0 {pack_format = #tpu.pack_format<interleaved>} : vector<32xbf16> -> vector<16xf32>
        %unpack3A_733 = tpu.unpack_subelements %get3A_726, 1 {pack_format = #tpu.pack_format<interleaved>} : vector<32xbf16> -> vector<16xf32>
        %unpack3A_734 = tpu.unpack_subelements %get3A_731, 0 {pack_format = #tpu.pack_format<interleaved>} : vector<32xbf16> -> vector<16xf32>
        %unpack3A_735 = tpu.unpack_subelements %get3A_731, 1 {pack_format = #tpu.pack_format<interleaved>} : vector<32xbf16> -> vector<16xf32>
        %add3A_736 = arith.addf %add3A_718, %unpack3A_732 : vector<16xf32>
        %add3A_737 = arith.addf %add3A_719, %unpack3A_733 : vector<16xf32>
        %add3A_738 = arith.addf %add3A_720, %unpack3A_734 : vector<16xf32>
        %add3A_739 = arith.addf %add3A_721, %unpack3A_735 : vector<16xf32>
        %add3A_740 = arith.constant 31 : i32
        %add3A_741 = arith.addi %mul3A_182, %add3A_740 : i32
        %get3A_742 = arith.index_cast %add3A_741 : i32 to index
        %get3A_743 = arith.constant 0 : index
        %get3A_744 = tpu.vector_load %arg7[%get3A_742, %get3A_743] {strides = array<i32>} : memref<800x64xbf16, #tpu.memory_space<vmem>>, vector<32xbf16>,
        %add3A_745 = arith.constant 31 : i32
        %add3A_746 = arith.addi %mul3A_182, %add3A_745 : i32
        %get3A_747 = arith.index_cast %add3A_746 : i32 to index
        %get3A_748 = arith.constant 32 : index
        %get3A_749 = tpu.vector_load %arg7[%get3A_747, %get3A_748] {strides = array<i32>} : memref<800x64xbf16, #tpu.memory_space<vmem>>, vector<32xbf16>,
        %unpack3A_750 = tpu.unpack_subelements %get3A_744, 0 {pack_format = #tpu.pack_format<interleaved>} : vector<32xbf16> -> vector<16xf32>
        %unpack3A_751 = tpu.unpack_subelements %get3A_744, 1 {pack_format = #tpu.pack_format<interleaved>} : vector<32xbf16> -> vector<16xf32>
        %unpack3A_752 = tpu.unpack_subelements %get3A_749, 0 {pack_format = #tpu.pack_format<interleaved>} : vector<32xbf16> -> vector<16xf32>
        %unpack3A_753 = tpu.unpack_subelements %get3A_749, 1 {pack_format = #tpu.pack_format<interleaved>} : vector<32xbf16> -> vector<16xf32>
        %add3A_754 = arith.addf %add3A_736, %unpack3A_750 : vector<16xf32>
        %add3A_755 = arith.addf %add3A_737, %unpack3A_751 : vector<16xf32>
        %add3A_756 = arith.addf %add3A_738, %unpack3A_752 : vector<16xf32>
        %add3A_757 = arith.addf %add3A_739, %unpack3A_753 : vector<16xf32>
        %add3A_758 = arith.constant 32 : i32
        %add3A_759 = arith.addi %mul3A_182, %add3A_758 : i32
        %get3A_760 = arith.index_cast %add3A_759 : i32 to index
        %get3A_761 = arith.constant 0 : index
        %get3A_762 = tpu.vector_load %arg7[%get3A_760, %get3A_761] {strides = array<i32>} : memref<800x64xbf16, #tpu.memory_space<vmem>>, vector<32xbf16>,
        %add3A_763 = arith.constant 32 : i32
        %add3A_764 = arith.addi %mul3A_182, %add3A_763 : i32
        %get3A_765 = arith.index_cast %add3A_764 : i32 to index
        %get3A_766 = arith.constant 32 : index
        %get3A_767 = tpu.vector_load %arg7[%get3A_765, %get3A_766] {strides = array<i32>} : memref<800x64xbf16, #tpu.memory_space<vmem>>, vector<32xbf16>,
        %unpack3A_768 = tpu.unpack_subelements %get3A_762, 0 {pack_format = #tpu.pack_format<interleaved>} : vector<32xbf16> -> vector<16xf32>
        %unpack3A_769 = tpu.unpack_subelements %get3A_762, 1 {pack_format = #tpu.pack_format<interleaved>} : vector<32xbf16> -> vector<16xf32>
        %unpack3A_770 = tpu.unpack_subelements %get3A_767, 0 {pack_format = #tpu.pack_format<interleaved>} : vector<32xbf16> -> vector<16xf32>
        %unpack3A_771 = tpu.unpack_subelements %get3A_767, 1 {pack_format = #tpu.pack_format<interleaved>} : vector<32xbf16> -> vector<16xf32>
        %add3A_772 = arith.addf %add3A_754, %unpack3A_768 : vector<16xf32>
        %add3A_773 = arith.addf %add3A_755, %unpack3A_769 : vector<16xf32>
        %add3A_774 = arith.addf %add3A_756, %unpack3A_770 : vector<16xf32>
        %add3A_775 = arith.addf %add3A_757, %unpack3A_771 : vector<16xf32>
        %add3A_776 = arith.constant 33 : i32
        %add3A_777 = arith.addi %mul3A_182, %add3A_776 : i32
        %get3A_778 = arith.index_cast %add3A_777 : i32 to index
        %get3A_779 = arith.constant 0 : index
        %get3A_780 = tpu.vector_load %arg7[%get3A_778, %get3A_779] {strides = array<i32>} : memref<800x64xbf16, #tpu.memory_space<vmem>>, vector<32xbf16>,
        %add3A_781 = arith.constant 33 : i32
        %add3A_782 = arith.addi %mul3A_182, %add3A_781 : i32
        %get3A_783 = arith.index_cast %add3A_782 : i32 to index
        %get3A_784 = arith.constant 32 : index
        %get3A_785 = tpu.vector_load %arg7[%get3A_783, %get3A_784] {strides = array<i32>} : memref<800x64xbf16, #tpu.memory_space<vmem>>, vector<32xbf16>,
        %unpack3A_786 = tpu.unpack_subelements %get3A_780, 0 {pack_format = #tpu.pack_format<interleaved>} : vector<32xbf16> -> vector<16xf32>
        %unpack3A_787 = tpu.unpack_subelements %get3A_780, 1 {pack_format = #tpu.pack_format<interleaved>} : vector<32xbf16> -> vector<16xf32>
        %unpack3A_788 = tpu.unpack_subelements %get3A_785, 0 {pack_format = #tpu.pack_format<interleaved>} : vector<32xbf16> -> vector<16xf32>
        %unpack3A_789 = tpu.unpack_subelements %get3A_785, 1 {pack_format = #tpu.pack_format<interleaved>} : vector<32xbf16> -> vector<16xf32>
        %add3A_790 = arith.addf %add3A_772, %unpack3A_786 : vector<16xf32>
        %add3A_791 = arith.addf %add3A_773, %unpack3A_787 : vector<16xf32>
        %add3A_792 = arith.addf %add3A_774, %unpack3A_788 : vector<16xf32>
        %add3A_793 = arith.addf %add3A_775, %unpack3A_789 : vector<16xf32>
        %add3A_794 = arith.constant 34 : i32
        %add3A_795 = arith.addi %mul3A_182, %add3A_794 : i32
        %get3A_796 = arith.index_cast %add3A_795 : i32 to index
        %get3A_797 = arith.constant 0 : index
        %get3A_798 = tpu.vector_load %arg7[%get3A_796, %get3A_797] {strides = array<i32>} : memref<800x64xbf16, #tpu.memory_space<vmem>>, vector<32xbf16>,
        %add3A_799 = arith.constant 34 : i32
        %add3A_800 = arith.addi %mul3A_182, %add3A_799 : i32
        %get3A_801 = arith.index_cast %add3A_800 : i32 to index
        %get3A_802 = arith.constant 32 : index
        %get3A_803 = tpu.vector_load %arg7[%get3A_801, %get3A_802] {strides = array<i32>} : memref<800x64xbf16, #tpu.memory_space<vmem>>, vector<32xbf16>,
        %unpack3A_804 = tpu.unpack_subelements %get3A_798, 0 {pack_format = #tpu.pack_format<interleaved>} : vector<32xbf16> -> vector<16xf32>
        %unpack3A_805 = tpu.unpack_subelements %get3A_798, 1 {pack_format = #tpu.pack_format<interleaved>} : vector<32xbf16> -> vector<16xf32>
        %unpack3A_806 = tpu.unpack_subelements %get3A_803, 0 {pack_format = #tpu.pack_format<interleaved>} : vector<32xbf16> -> vector<16xf32>
        %unpack3A_807 = tpu.unpack_subelements %get3A_803, 1 {pack_format = #tpu.pack_format<interleaved>} : vector<32xbf16> -> vector<16xf32>
        %add3A_808 = arith.addf %add3A_790, %unpack3A_804 : vector<16xf32>
        %add3A_809 = arith.addf %add3A_791, %unpack3A_805 : vector<16xf32>
        %add3A_810 = arith.addf %add3A_792, %unpack3A_806 : vector<16xf32>
        %add3A_811 = arith.addf %add3A_793, %unpack3A_807 : vector<16xf32>
        %add3A_812 = arith.constant 35 : i32
        %add3A_813 = arith.addi %mul3A_182, %add3A_812 : i32
        %get3A_814 = arith.index_cast %add3A_813 : i32 to index
        %get3A_815 = arith.constant 0 : index
        %get3A_816 = tpu.vector_load %arg7[%get3A_814, %get3A_815] {strides = array<i32>} : memref<800x64xbf16, #tpu.memory_space<vmem>>, vector<32xbf16>,
        %add3A_817 = arith.constant 35 : i32
        %add3A_818 = arith.addi %mul3A_182, %add3A_817 : i32
        %get3A_819 = arith.index_cast %add3A_818 : i32 to index
        %get3A_820 = arith.constant 32 : index
        %get3A_821 = tpu.vector_load %arg7[%get3A_819, %get3A_820] {strides = array<i32>} : memref<800x64xbf16, #tpu.memory_space<vmem>>, vector<32xbf16>,
        %unpack3A_822 = tpu.unpack_subelements %get3A_816, 0 {pack_format = #tpu.pack_format<interleaved>} : vector<32xbf16> -> vector<16xf32>
        %unpack3A_823 = tpu.unpack_subelements %get3A_816, 1 {pack_format = #tpu.pack_format<interleaved>} : vector<32xbf16> -> vector<16xf32>
        %unpack3A_824 = tpu.unpack_subelements %get3A_821, 0 {pack_format = #tpu.pack_format<interleaved>} : vector<32xbf16> -> vector<16xf32>
        %unpack3A_825 = tpu.unpack_subelements %get3A_821, 1 {pack_format = #tpu.pack_format<interleaved>} : vector<32xbf16> -> vector<16xf32>
        %add3A_826 = arith.addf %add3A_808, %unpack3A_822 : vector<16xf32>
        %add3A_827 = arith.addf %add3A_809, %unpack3A_823 : vector<16xf32>
        %add3A_828 = arith.addf %add3A_810, %unpack3A_824 : vector<16xf32>
        %add3A_829 = arith.addf %add3A_811, %unpack3A_825 : vector<16xf32>
        %add3A_830 = arith.constant 36 : i32
        %add3A_831 = arith.addi %mul3A_182, %add3A_830 : i32
        %get3A_832 = arith.index_cast %add3A_831 : i32 to index
        %get3A_833 = arith.constant 0 : index
        %get3A_834 = tpu.vector_load %arg7[%get3A_832, %get3A_833] {strides = array<i32>} : memref<800x64xbf16, #tpu.memory_space<vmem>>, vector<32xbf16>,
        %add3A_835 = arith.constant 36 : i32
        %add3A_836 = arith.addi %mul3A_182, %add3A_835 : i32
        %get3A_837 = arith.index_cast %add3A_836 : i32 to index
        %get3A_838 = arith.constant 32 : index
        %get3A_839 = tpu.vector_load %arg7[%get3A_837, %get3A_838] {strides = array<i32>} : memref<800x64xbf16, #tpu.memory_space<vmem>>, vector<32xbf16>,
        %unpack3A_840 = tpu.unpack_subelements %get3A_834, 0 {pack_format = #tpu.pack_format<interleaved>} : vector<32xbf16> -> vector<16xf32>
        %unpack3A_841 = tpu.unpack_subelements %get3A_834, 1 {pack_format = #tpu.pack_format<interleaved>} : vector<32xbf16> -> vector<16xf32>
        %unpack3A_842 = tpu.unpack_subelements %get3A_839, 0 {pack_format = #tpu.pack_format<interleaved>} : vector<32xbf16> -> vector<16xf32>
        %unpack3A_843 = tpu.unpack_subelements %get3A_839, 1 {pack_format = #tpu.pack_format<interleaved>} : vector<32xbf16> -> vector<16xf32>
        %add3A_844 = arith.addf %add3A_826, %unpack3A_840 : vector<16xf32>
        %add3A_845 = arith.addf %add3A_827, %unpack3A_841 : vector<16xf32>
        %add3A_846 = arith.addf %add3A_828, %unpack3A_842 : vector<16xf32>
        %add3A_847 = arith.addf %add3A_829, %unpack3A_843 : vector<16xf32>
        %add3A_848 = arith.constant 37 : i32
        %add3A_849 = arith.addi %mul3A_182, %add3A_848 : i32
        %get3A_850 = arith.index_cast %add3A_849 : i32 to index
        %get3A_851 = arith.constant 0 : index
        %get3A_852 = tpu.vector_load %arg7[%get3A_850, %get3A_851] {strides = array<i32>} : memref<800x64xbf16, #tpu.memory_space<vmem>>, vector<32xbf16>,
        %add3A_853 = arith.constant 37 : i32
        %add3A_854 = arith.addi %mul3A_182, %add3A_853 : i32
        %get3A_855 = arith.index_cast %add3A_854 : i32 to index
        %get3A_856 = arith.constant 32 : index
        %get3A_857 = tpu.vector_load %arg7[%get3A_855, %get3A_856] {strides = array<i32>} : memref<800x64xbf16, #tpu.memory_space<vmem>>, vector<32xbf16>,
        %unpack3A_858 = tpu.unpack_subelements %get3A_852, 0 {pack_format = #tpu.pack_format<interleaved>} : vector<32xbf16> -> vector<16xf32>
        %unpack3A_859 = tpu.unpack_subelements %get3A_852, 1 {pack_format = #tpu.pack_format<interleaved>} : vector<32xbf16> -> vector<16xf32>
        %unpack3A_860 = tpu.unpack_subelements %get3A_857, 0 {pack_format = #tpu.pack_format<interleaved>} : vector<32xbf16> -> vector<16xf32>
        %unpack3A_861 = tpu.unpack_subelements %get3A_857, 1 {pack_format = #tpu.pack_format<interleaved>} : vector<32xbf16> -> vector<16xf32>
        %add3A_862 = arith.addf %add3A_844, %unpack3A_858 : vector<16xf32>
        %add3A_863 = arith.addf %add3A_845, %unpack3A_859 : vector<16xf32>
        %add3A_864 = arith.addf %add3A_846, %unpack3A_860 : vector<16xf32>
        %add3A_865 = arith.addf %add3A_847, %unpack3A_861 : vector<16xf32>
        %add3A_866 = arith.constant 38 : i32
        %add3A_867 = arith.addi %mul3A_182, %add3A_866 : i32
        %get3A_868 = arith.index_cast %add3A_867 : i32 to index
        %get3A_869 = arith.constant 0 : index
        %get3A_870 = tpu.vector_load %arg7[%get3A_868, %get3A_869] {strides = array<i32>} : memref<800x64xbf16, #tpu.memory_space<vmem>>, vector<32xbf16>,
        %add3A_871 = arith.constant 38 : i32
        %add3A_872 = arith.addi %mul3A_182, %add3A_871 : i32
        %get3A_873 = arith.index_cast %add3A_872 : i32 to index
        %get3A_874 = arith.constant 32 : index
        %get3A_875 = tpu.vector_load %arg7[%get3A_873, %get3A_874] {strides = array<i32>} : memref<800x64xbf16, #tpu.memory_space<vmem>>, vector<32xbf16>,
        %unpack3A_876 = tpu.unpack_subelements %get3A_870, 0 {pack_format = #tpu.pack_format<interleaved>} : vector<32xbf16> -> vector<16xf32>
        %unpack3A_877 = tpu.unpack_subelements %get3A_870, 1 {pack_format = #tpu.pack_format<interleaved>} : vector<32xbf16> -> vector<16xf32>
        %unpack3A_878 = tpu.unpack_subelements %get3A_875, 0 {pack_format = #tpu.pack_format<interleaved>} : vector<32xbf16> -> vector<16xf32>
        %unpack3A_879 = tpu.unpack_subelements %get3A_875, 1 {pack_format = #tpu.pack_format<interleaved>} : vector<32xbf16> -> vector<16xf32>
        %add3A_880 = arith.addf %add3A_862, %unpack3A_876 : vector<16xf32>
        %add3A_881 = arith.addf %add3A_863, %unpack3A_877 : vector<16xf32>
        %add3A_882 = arith.addf %add3A_864, %unpack3A_878 : vector<16xf32>
        %add3A_883 = arith.addf %add3A_865, %unpack3A_879 : vector<16xf32>
        %add3A_884 = arith.constant 39 : i32
        %add3A_885 = arith.addi %mul3A_182, %add3A_884 : i32
        %get3A_886 = arith.index_cast %add3A_885 : i32 to index
        %get3A_887 = arith.constant 0 : index
        %get3A_888 = tpu.vector_load %arg7[%get3A_886, %get3A_887] {strides = array<i32>} : memref<800x64xbf16, #tpu.memory_space<vmem>>, vector<32xbf16>,
        %add3A_889 = arith.constant 39 : i32
        %add3A_890 = arith.addi %mul3A_182, %add3A_889 : i32
        %get3A_891 = arith.index_cast %add3A_890 : i32 to index
        %get3A_892 = arith.constant 32 : index
        %get3A_893 = tpu.vector_load %arg7[%get3A_891, %get3A_892] {strides = array<i32>} : memref<800x64xbf16, #tpu.memory_space<vmem>>, vector<32xbf16>,
        %unpack3A_894 = tpu.unpack_subelements %get3A_888, 0 {pack_format = #tpu.pack_format<interleaved>} : vector<32xbf16> -> vector<16xf32>
        %unpack3A_895 = tpu.unpack_subelements %get3A_888, 1 {pack_format = #tpu.pack_format<interleaved>} : vector<32xbf16> -> vector<16xf32>
        %unpack3A_896 = tpu.unpack_subelements %get3A_893, 0 {pack_format = #tpu.pack_format<interleaved>} : vector<32xbf16> -> vector<16xf32>
        %unpack3A_897 = tpu.unpack_subelements %get3A_893, 1 {pack_format = #tpu.pack_format<interleaved>} : vector<32xbf16> -> vector<16xf32>
        %add3A_898 = arith.addf %add3A_880, %unpack3A_894 : vector<16xf32>
        %add3A_899 = arith.addf %add3A_881, %unpack3A_895 : vector<16xf32>
        %add3A_900 = arith.addf %add3A_882, %unpack3A_896 : vector<16xf32>
        %add3A_901 = arith.addf %add3A_883, %unpack3A_897 : vector<16xf32>
        %add3A_902 = arith.constant 40 : i32
        %add3A_903 = arith.addi %mul3A_182, %add3A_902 : i32
        %get3A_904 = arith.index_cast %add3A_903 : i32 to index
        %get3A_905 = arith.constant 0 : index
        %get3A_906 = tpu.vector_load %arg7[%get3A_904, %get3A_905] {strides = array<i32>} : memref<800x64xbf16, #tpu.memory_space<vmem>>, vector<32xbf16>,
        %add3A_907 = arith.constant 40 : i32
        %add3A_908 = arith.addi %mul3A_182, %add3A_907 : i32
        %get3A_909 = arith.index_cast %add3A_908 : i32 to index
        %get3A_910 = arith.constant 32 : index
        %get3A_911 = tpu.vector_load %arg7[%get3A_909, %get3A_910] {strides = array<i32>} : memref<800x64xbf16, #tpu.memory_space<vmem>>, vector<32xbf16>,
        %unpack3A_912 = tpu.unpack_subelements %get3A_906, 0 {pack_format = #tpu.pack_format<interleaved>} : vector<32xbf16> -> vector<16xf32>
        %unpack3A_913 = tpu.unpack_subelements %get3A_906, 1 {pack_format = #tpu.pack_format<interleaved>} : vector<32xbf16> -> vector<16xf32>
        %unpack3A_914 = tpu.unpack_subelements %get3A_911, 0 {pack_format = #tpu.pack_format<interleaved>} : vector<32xbf16> -> vector<16xf32>
        %unpack3A_915 = tpu.unpack_subelements %get3A_911, 1 {pack_format = #tpu.pack_format<interleaved>} : vector<32xbf16> -> vector<16xf32>
        %add3A_916 = arith.addf %add3A_898, %unpack3A_912 : vector<16xf32>
        %add3A_917 = arith.addf %add3A_899, %unpack3A_913 : vector<16xf32>
        %add3A_918 = arith.addf %add3A_900, %unpack3A_914 : vector<16xf32>
        %add3A_919 = arith.addf %add3A_901, %unpack3A_915 : vector<16xf32>
        %add3A_920 = arith.constant 41 : i32
        %add3A_921 = arith.addi %mul3A_182, %add3A_920 : i32
        %get3A_922 = arith.index_cast %add3A_921 : i32 to index
        %get3A_923 = arith.constant 0 : index
        %get3A_924 = tpu.vector_load %arg7[%get3A_922, %get3A_923] {strides = array<i32>} : memref<800x64xbf16, #tpu.memory_space<vmem>>, vector<32xbf16>,
        %add3A_925 = arith.constant 41 : i32
        %add3A_926 = arith.addi %mul3A_182, %add3A_925 : i32
        %get3A_927 = arith.index_cast %add3A_926 : i32 to index
        %get3A_928 = arith.constant 32 : index
        %get3A_929 = tpu.vector_load %arg7[%get3A_927, %get3A_928] {strides = array<i32>} : memref<800x64xbf16, #tpu.memory_space<vmem>>, vector<32xbf16>,
        %unpack3A_930 = tpu.unpack_subelements %get3A_924, 0 {pack_format = #tpu.pack_format<interleaved>} : vector<32xbf16> -> vector<16xf32>
        %unpack3A_931 = tpu.unpack_subelements %get3A_924, 1 {pack_format = #tpu.pack_format<interleaved>} : vector<32xbf16> -> vector<16xf32>
        %unpack3A_932 = tpu.unpack_subelements %get3A_929, 0 {pack_format = #tpu.pack_format<interleaved>} : vector<32xbf16> -> vector<16xf32>
        %unpack3A_933 = tpu.unpack_subelements %get3A_929, 1 {pack_format = #tpu.pack_format<interleaved>} : vector<32xbf16> -> vector<16xf32>
        %add3A_934 = arith.addf %add3A_916, %unpack3A_930 : vector<16xf32>
        %add3A_935 = arith.addf %add3A_917, %unpack3A_931 : vector<16xf32>
        %add3A_936 = arith.addf %add3A_918, %unpack3A_932 : vector<16xf32>
        %add3A_937 = arith.addf %add3A_919, %unpack3A_933 : vector<16xf32>
        %add3A_938 = arith.constant 42 : i32
        %add3A_939 = arith.addi %mul3A_182, %add3A_938 : i32
        %get3A_940 = arith.index_cast %add3A_939 : i32 to index
        %get3A_941 = arith.constant 0 : index
        %get3A_942 = tpu.vector_load %arg7[%get3A_940, %get3A_941] {strides = array<i32>} : memref<800x64xbf16, #tpu.memory_space<vmem>>, vector<32xbf16>,
        %add3A_943 = arith.constant 42 : i32
        %add3A_944 = arith.addi %mul3A_182, %add3A_943 : i32
        %get3A_945 = arith.index_cast %add3A_944 : i32 to index
        %get3A_946 = arith.constant 32 : index
        %get3A_947 = tpu.vector_load %arg7[%get3A_945, %get3A_946] {strides = array<i32>} : memref<800x64xbf16, #tpu.memory_space<vmem>>, vector<32xbf16>,
        %unpack3A_948 = tpu.unpack_subelements %get3A_942, 0 {pack_format = #tpu.pack_format<interleaved>} : vector<32xbf16> -> vector<16xf32>
        %unpack3A_949 = tpu.unpack_subelements %get3A_942, 1 {pack_format = #tpu.pack_format<interleaved>} : vector<32xbf16> -> vector<16xf32>
        %unpack3A_950 = tpu.unpack_subelements %get3A_947, 0 {pack_format = #tpu.pack_format<interleaved>} : vector<32xbf16> -> vector<16xf32>
        %unpack3A_951 = tpu.unpack_subelements %get3A_947, 1 {pack_format = #tpu.pack_format<interleaved>} : vector<32xbf16> -> vector<16xf32>
        %add3A_952 = arith.addf %add3A_934, %unpack3A_948 : vector<16xf32>
        %add3A_953 = arith.addf %add3A_935, %unpack3A_949 : vector<16xf32>
        %add3A_954 = arith.addf %add3A_936, %unpack3A_950 : vector<16xf32>
        %add3A_955 = arith.addf %add3A_937, %unpack3A_951 : vector<16xf32>
        %add3A_956 = arith.constant 43 : i32
        %add3A_957 = arith.addi %mul3A_182, %add3A_956 : i32
        %get3A_958 = arith.index_cast %add3A_957 : i32 to index
        %get3A_959 = arith.constant 0 : index
        %get3A_960 = tpu.vector_load %arg7[%get3A_958, %get3A_959] {strides = array<i32>} : memref<800x64xbf16, #tpu.memory_space<vmem>>, vector<32xbf16>,
        %add3A_961 = arith.constant 43 : i32
        %add3A_962 = arith.addi %mul3A_182, %add3A_961 : i32
        %get3A_963 = arith.index_cast %add3A_962 : i32 to index
        %get3A_964 = arith.constant 32 : index
        %get3A_965 = tpu.vector_load %arg7[%get3A_963, %get3A_964] {strides = array<i32>} : memref<800x64xbf16, #tpu.memory_space<vmem>>, vector<32xbf16>,
        %unpack3A_966 = tpu.unpack_subelements %get3A_960, 0 {pack_format = #tpu.pack_format<interleaved>} : vector<32xbf16> -> vector<16xf32>
        %unpack3A_967 = tpu.unpack_subelements %get3A_960, 1 {pack_format = #tpu.pack_format<interleaved>} : vector<32xbf16> -> vector<16xf32>
        %unpack3A_968 = tpu.unpack_subelements %get3A_965, 0 {pack_format = #tpu.pack_format<interleaved>} : vector<32xbf16> -> vector<16xf32>
        %unpack3A_969 = tpu.unpack_subelements %get3A_965, 1 {pack_format = #tpu.pack_format<interleaved>} : vector<32xbf16> -> vector<16xf32>
        %add3A_970 = arith.addf %add3A_952, %unpack3A_966 : vector<16xf32>
        %add3A_971 = arith.addf %add3A_953, %unpack3A_967 : vector<16xf32>
        %add3A_972 = arith.addf %add3A_954, %unpack3A_968 : vector<16xf32>
        %add3A_973 = arith.addf %add3A_955, %unpack3A_969 : vector<16xf32>
        %add3A_974 = arith.constant 44 : i32
        %add3A_975 = arith.addi %mul3A_182, %add3A_974 : i32
        %get3A_976 = arith.index_cast %add3A_975 : i32 to index
        %get3A_977 = arith.constant 0 : index
        %get3A_978 = tpu.vector_load %arg7[%get3A_976, %get3A_977] {strides = array<i32>} : memref<800x64xbf16, #tpu.memory_space<vmem>>, vector<32xbf16>,
        %add3A_979 = arith.constant 44 : i32
        %add3A_980 = arith.addi %mul3A_182, %add3A_979 : i32
        %get3A_981 = arith.index_cast %add3A_980 : i32 to index
        %get3A_982 = arith.constant 32 : index
        %get3A_983 = tpu.vector_load %arg7[%get3A_981, %get3A_982] {strides = array<i32>} : memref<800x64xbf16, #tpu.memory_space<vmem>>, vector<32xbf16>,
        %unpack3A_984 = tpu.unpack_subelements %get3A_978, 0 {pack_format = #tpu.pack_format<interleaved>} : vector<32xbf16> -> vector<16xf32>
        %unpack3A_985 = tpu.unpack_subelements %get3A_978, 1 {pack_format = #tpu.pack_format<interleaved>} : vector<32xbf16> -> vector<16xf32>
        %unpack3A_986 = tpu.unpack_subelements %get3A_983, 0 {pack_format = #tpu.pack_format<interleaved>} : vector<32xbf16> -> vector<16xf32>
        %unpack3A_987 = tpu.unpack_subelements %get3A_983, 1 {pack_format = #tpu.pack_format<interleaved>} : vector<32xbf16> -> vector<16xf32>
        %add3A_988 = arith.addf %add3A_970, %unpack3A_984 : vector<16xf32>
        %add3A_989 = arith.addf %add3A_971, %unpack3A_985 : vector<16xf32>
        %add3A_990 = arith.addf %add3A_972, %unpack3A_986 : vector<16xf32>
        %add3A_991 = arith.addf %add3A_973, %unpack3A_987 : vector<16xf32>
        %add3A_992 = arith.constant 45 : i32
        %add3A_993 = arith.addi %mul3A_182, %add3A_992 : i32
        %get3A_994 = arith.index_cast %add3A_993 : i32 to index
        %get3A_995 = arith.constant 0 : index
        %get3A_996 = tpu.vector_load %arg7[%get3A_994, %get3A_995] {strides = array<i32>} : memref<800x64xbf16, #tpu.memory_space<vmem>>, vector<32xbf16>,
        %add3A_997 = arith.constant 45 : i32
        %add3A_998 = arith.addi %mul3A_182, %add3A_997 : i32
        %get3A_999 = arith.index_cast %add3A_998 : i32 to index
        %get3A_1000 = arith.constant 32 : index
        %get3A_1001 = tpu.vector_load %arg7[%get3A_999, %get3A_1000] {strides = array<i32>} : memref<800x64xbf16, #tpu.memory_space<vmem>>, vector<32xbf16>,
        %unpack3A_1002 = tpu.unpack_subelements %get3A_996, 0 {pack_format = #tpu.pack_format<interleaved>} : vector<32xbf16> -> vector<16xf32>
        %unpack3A_1003 = tpu.unpack_subelements %get3A_996, 1 {pack_format = #tpu.pack_format<interleaved>} : vector<32xbf16> -> vector<16xf32>
        %unpack3A_1004 = tpu.unpack_subelements %get3A_1001, 0 {pack_format = #tpu.pack_format<interleaved>} : vector<32xbf16> -> vector<16xf32>
        %unpack3A_1005 = tpu.unpack_subelements %get3A_1001, 1 {pack_format = #tpu.pack_format<interleaved>} : vector<32xbf16> -> vector<16xf32>
        %add3A_1006 = arith.addf %add3A_988, %unpack3A_1002 : vector<16xf32>
        %add3A_1007 = arith.addf %add3A_989, %unpack3A_1003 : vector<16xf32>
        %add3A_1008 = arith.addf %add3A_990, %unpack3A_1004 : vector<16xf32>
        %add3A_1009 = arith.addf %add3A_991, %unpack3A_1005 : vector<16xf32>
        %add3A_1010 = arith.constant 46 : i32
        %add3A_1011 = arith.addi %mul3A_182, %add3A_1010 : i32
        %get3A_1012 = arith.index_cast %add3A_1011 : i32 to index
        %get3A_1013 = arith.constant 0 : index
        %get3A_1014 = tpu.vector_load %arg7[%get3A_1012, %get3A_1013] {strides = array<i32>} : memref<800x64xbf16, #tpu.memory_space<vmem>>, vector<32xbf16>,
        %add3A_1015 = arith.constant 46 : i32
        %add3A_1016 = arith.addi %mul3A_182, %add3A_1015 : i32
        %get3A_1017 = arith.index_cast %add3A_1016 : i32 to index
        %get3A_1018 = arith.constant 32 : index
        %get3A_1019 = tpu.vector_load %arg7[%get3A_1017, %get3A_1018] {strides = array<i32>} : memref<800x64xbf16, #tpu.memory_space<vmem>>, vector<32xbf16>,
        %unpack3A_1020 = tpu.unpack_subelements %get3A_1014, 0 {pack_format = #tpu.pack_format<interleaved>} : vector<32xbf16> -> vector<16xf32>
        %unpack3A_1021 = tpu.unpack_subelements %get3A_1014, 1 {pack_format = #tpu.pack_format<interleaved>} : vector<32xbf16> -> vector<16xf32>
        %unpack3A_1022 = tpu.unpack_subelements %get3A_1019, 0 {pack_format = #tpu.pack_format<interleaved>} : vector<32xbf16> -> vector<16xf32>
        %unpack3A_1023 = tpu.unpack_subelements %get3A_1019, 1 {pack_format = #tpu.pack_format<interleaved>} : vector<32xbf16> -> vector<16xf32>
        %add3A_1024 = arith.addf %add3A_1006, %unpack3A_1020 : vector<16xf32>
        %add3A_1025 = arith.addf %add3A_1007, %unpack3A_1021 : vector<16xf32>
        %add3A_1026 = arith.addf %add3A_1008, %unpack3A_1022 : vector<16xf32>
        %add3A_1027 = arith.addf %add3A_1009, %unpack3A_1023 : vector<16xf32>
        %add3A_1028 = arith.constant 47 : i32
        %add3A_1029 = arith.addi %mul3A_182, %add3A_1028 : i32
        %get3A_1030 = arith.index_cast %add3A_1029 : i32 to index
        %get3A_1031 = arith.constant 0 : index
        %get3A_1032 = tpu.vector_load %arg7[%get3A_1030, %get3A_1031] {strides = array<i32>} : memref<800x64xbf16, #tpu.memory_space<vmem>>, vector<32xbf16>,
        %add3A_1033 = arith.constant 47 : i32
        %add3A_1034 = arith.addi %mul3A_182, %add3A_1033 : i32
        %get3A_1035 = arith.index_cast %add3A_1034 : i32 to index
        %get3A_1036 = arith.constant 32 : index
        %get3A_1037 = tpu.vector_load %arg7[%get3A_1035, %get3A_1036] {strides = array<i32>} : memref<800x64xbf16, #tpu.memory_space<vmem>>, vector<32xbf16>,
        %unpack3A_1038 = tpu.unpack_subelements %get3A_1032, 0 {pack_format = #tpu.pack_format<interleaved>} : vector<32xbf16> -> vector<16xf32>
        %unpack3A_1039 = tpu.unpack_subelements %get3A_1032, 1 {pack_format = #tpu.pack_format<interleaved>} : vector<32xbf16> -> vector<16xf32>
        %unpack3A_1040 = tpu.unpack_subelements %get3A_1037, 0 {pack_format = #tpu.pack_format<interleaved>} : vector<32xbf16> -> vector<16xf32>
        %unpack3A_1041 = tpu.unpack_subelements %get3A_1037, 1 {pack_format = #tpu.pack_format<interleaved>} : vector<32xbf16> -> vector<16xf32>
        %add3A_1042 = arith.addf %add3A_1024, %unpack3A_1038 : vector<16xf32>
        %add3A_1043 = arith.addf %add3A_1025, %unpack3A_1039 : vector<16xf32>
        %add3A_1044 = arith.addf %add3A_1026, %unpack3A_1040 : vector<16xf32>
        %add3A_1045 = arith.addf %add3A_1027, %unpack3A_1041 : vector<16xf32>
        %add3A_1046 = arith.constant 48 : i32
        %add3A_1047 = arith.addi %mul3A_182, %add3A_1046 : i32
        %get3A_1048 = arith.index_cast %add3A_1047 : i32 to index
        %get3A_1049 = arith.constant 0 : index
        %get3A_1050 = tpu.vector_load %arg7[%get3A_1048, %get3A_1049] {strides = array<i32>} : memref<800x64xbf16, #tpu.memory_space<vmem>>, vector<32xbf16>,
        %add3A_1051 = arith.constant 48 : i32
        %add3A_1052 = arith.addi %mul3A_182, %add3A_1051 : i32
        %get3A_1053 = arith.index_cast %add3A_1052 : i32 to index
        %get3A_1054 = arith.constant 32 : index
        %get3A_1055 = tpu.vector_load %arg7[%get3A_1053, %get3A_1054] {strides = array<i32>} : memref<800x64xbf16, #tpu.memory_space<vmem>>, vector<32xbf16>,
        %unpack3A_1056 = tpu.unpack_subelements %get3A_1050, 0 {pack_format = #tpu.pack_format<interleaved>} : vector<32xbf16> -> vector<16xf32>
        %unpack3A_1057 = tpu.unpack_subelements %get3A_1050, 1 {pack_format = #tpu.pack_format<interleaved>} : vector<32xbf16> -> vector<16xf32>
        %unpack3A_1058 = tpu.unpack_subelements %get3A_1055, 0 {pack_format = #tpu.pack_format<interleaved>} : vector<32xbf16> -> vector<16xf32>
        %unpack3A_1059 = tpu.unpack_subelements %get3A_1055, 1 {pack_format = #tpu.pack_format<interleaved>} : vector<32xbf16> -> vector<16xf32>
        %add3A_1060 = arith.addf %add3A_1042, %unpack3A_1056 : vector<16xf32>
        %add3A_1061 = arith.addf %add3A_1043, %unpack3A_1057 : vector<16xf32>
        %add3A_1062 = arith.addf %add3A_1044, %unpack3A_1058 : vector<16xf32>
        %add3A_1063 = arith.addf %add3A_1045, %unpack3A_1059 : vector<16xf32>
        %add3A_1064 = arith.constant 49 : i32
        %add3A_1065 = arith.addi %mul3A_182, %add3A_1064 : i32
        %get3A_1066 = arith.index_cast %add3A_1065 : i32 to index
        %get3A_1067 = arith.constant 0 : index
        %get3A_1068 = tpu.vector_load %arg7[%get3A_1066, %get3A_1067] {strides = array<i32>} : memref<800x64xbf16, #tpu.memory_space<vmem>>, vector<32xbf16>,
        %add3A_1069 = arith.constant 49 : i32
        %add3A_1070 = arith.addi %mul3A_182, %add3A_1069 : i32
        %get3A_1071 = arith.index_cast %add3A_1070 : i32 to index
        %get3A_1072 = arith.constant 32 : index
        %get3A_1073 = tpu.vector_load %arg7[%get3A_1071, %get3A_1072] {strides = array<i32>} : memref<800x64xbf16, #tpu.memory_space<vmem>>, vector<32xbf16>,
        %unpack3A_1074 = tpu.unpack_subelements %get3A_1068, 0 {pack_format = #tpu.pack_format<interleaved>} : vector<32xbf16> -> vector<16xf32>
        %unpack3A_1075 = tpu.unpack_subelements %get3A_1068, 1 {pack_format = #tpu.pack_format<interleaved>} : vector<32xbf16> -> vector<16xf32>
        %unpack3A_1076 = tpu.unpack_subelements %get3A_1073, 0 {pack_format = #tpu.pack_format<interleaved>} : vector<32xbf16> -> vector<16xf32>
        %unpack3A_1077 = tpu.unpack_subelements %get3A_1073, 1 {pack_format = #tpu.pack_format<interleaved>} : vector<32xbf16> -> vector<16xf32>
        %add3A_1078 = arith.addf %add3A_1060, %unpack3A_1074 : vector<16xf32>
        %add3A_1079 = arith.addf %add3A_1061, %unpack3A_1075 : vector<16xf32>
        %add3A_1080 = arith.addf %add3A_1062, %unpack3A_1076 : vector<16xf32>
        %add3A_1081 = arith.addf %add3A_1063, %unpack3A_1077 : vector<16xf32>
        %broadcast_in_dim3A_1082 = vector.broadcast %add3A_180 : i32 to vector<16xi32>
        %mul3A_1083 = vector.broadcast %scan3A : f32 to vector<16xf32>
        %mul3A_1084 = arith.mulf %add3A_1078, %mul3A_1083 : vector<16xf32>
        tpu.vector_store_idx %arg8[%broadcast_in_dim3A_1082, %mul3A_104], %mul3A_1084 : memref<16x56xf32, #tpu.memory_space<vmem>>[vector<16xi32>, vector<16xi32>], vector<16xf32>,
        %mul3A_1085 = vector.broadcast %scan3A : f32 to vector<16xf32>
        %mul3A_1086 = arith.mulf %add3A_1079, %mul3A_1085 : vector<16xf32>
        tpu.vector_store_idx %arg8[%broadcast_in_dim3A_1082, %add3A_107], %mul3A_1086 : memref<16x56xf32, #tpu.memory_space<vmem>>[vector<16xi32>, vector<16xi32>], vector<16xf32>,
        %mul3A_1087 = vector.broadcast %scan3A : f32 to vector<16xf32>
        %mul3A_1088 = arith.mulf %add3A_1080, %mul3A_1087 : vector<16xf32>
        tpu.vector_store_idx %arg8[%broadcast_in_dim3A_1082, %add3A_110], %mul3A_1088 masked %lt3A_115 : memref<16x56xf32, #tpu.memory_space<vmem>>[vector<16xi32>, vector<16xi32>], vector<16xf32>, vector<16xi1>
        %mul3A_1089 = vector.broadcast %scan3A : f32 to vector<16xf32>
        %mul3A_1090 = arith.mulf %add3A_1081, %mul3A_1089 : vector<16xf32>
        tpu.vector_store_idx %arg8[%broadcast_in_dim3A_1082, %add3A_113], %mul3A_1090 masked %lt3A_118 : memref<16x56xf32, #tpu.memory_space<vmem>>[vector<16xi32>, vector<16xi32>], vector<16xf32>, vector<16xi1>
      }
      %scan3A_170 = arith.constant 16 : i32
      %mul3A_171 = arith.constant 512 : i32
      %mul3A_172 = arith.muli %add3A, %mul3A_171 : i32
      %mul3A_173 = arith.constant 16 : i32
      %mul3A_174 = arith.muli %add3A_152, %mul3A_173 : i32
      %add3A_175 = arith.addi %mul3A_172, %mul3A_174 : i32
      "tpu.region"() ({
        %run_scoped3A = tpu.sem_alloc : memref<!tpu.dma_semaphore, #tpu.memory_space<semaphore_mem>>
        %dma_start3A_176 = arith.constant 0 : i32
        %dma_start3A_177 = tpu.memref_slice %arg4[%add3A_175, %dma_start3A_176] : memref<16384x56xf32, #tpu.memory_space<hbm>> -> memref<16x56xf32, #tpu.memory_space<hbm>>
        %dma_start3A_178 = arith.constant 0 : i32
        %dma_start3A_179 = tpu.memref_slice %arg4[%add3A_175, %dma_start3A_178] : memref<16384x56xf32, #tpu.memory_space<hbm>> -> memref<16x56xf32, #tpu.memory_space<hbm>>
        tpu.enqueue_dma source(%arg8 : memref<16x56xf32, #tpu.memory_space<vmem>>) target(%dma_start3A_179 : memref<16x56xf32, #tpu.memory_space<hbm>>) target_semaphore(%run_scoped3A : memref<!tpu.dma_semaphore, #tpu.memory_space<semaphore_mem>>)
        %dma_wait3A_180 = arith.constant 0 : i32
        %dma_wait3A_181 = tpu.memref_slice %arg4[%add3A_175, %dma_wait3A_180] : memref<16384x56xf32, #tpu.memory_space<hbm>> -> memref<16x56xf32, #tpu.memory_space<hbm>>
        %dma_wait3A_182 = arith.constant 0 : i32
        %dma_wait3A_183 = tpu.memref_slice %arg4[%add3A_175, %dma_wait3A_182] : memref<16384x56xf32, #tpu.memory_space<hbm>> -> memref<16x56xf32, #tpu.memory_space<hbm>>
        tpu.wait_dma2 semaphore(%run_scoped3A : memref<!tpu.dma_semaphore, #tpu.memory_space<semaphore_mem>>) src(%arg8 : memref<16x56xf32, #tpu.memory_space<vmem>>) dst(%dma_wait3A_183 : memref<16x56xf32, #tpu.memory_space<hbm>>)
        tpu.yield
      }) : () -> ()
    }
    %scan3A_123 = arith.constant 16 : i32
    return
  }
}

</mosaic_0001>

<sc_bundles>
// kernel: kernel.3.cloned.1.call-start
scs
__scs_entry_jumppad:
0x0: {  	(pc) =	sbr.rel $0x88, $3  }
0x1: {  	(tag) =	ssettag $0x0;
	lr =	simm.s32 $0x1  }
0x2: {  	[smem:$0x3F9F] =	sst lr;
	_ =	strace $0xD0000000  }
0x3: {  	_ = 	snop  }
0x4: {  	_ = 	snop  }
0x5: {  	_ = 	snop  }
0x6: {  	_ = 	snop  }
0x7: {  	_ = 	snop  }
__scs_overlays_trampoline_lowered:
0x8: {  	[smem:$0x3FAE] =	sst s0  }
0x9: {  	[smem:$0x3FAF] =	sst s1  }
0xa: {  	[smem:$0x3FB0] =	sst s2  }
0xb: {  	[smem:$0x3FB1] =	sst s3  }
0xc: {  	[smem:$0x3FB2] =	sst s4  }
0xd: {  	[smem:$0x3FB3] =	sst s5  }
0xe: {  	[smem:$0x3FB4] =	sst s6  }
0xf: {  	[smem:$0x3FB5] =	sst s7  }
0x10: {  	[smem:$0x3FB6] =	sst s8  }
0x11: {  	[smem:$0x3FB7] =	sst s9;
	s0 =	simm.s32 @!p0 $0x0  }
0x12: {  	s1 =	sld [smem:$0x3F9D];
	s0 =	simm.s32 @p0 $0x1  }
0x13: {  	[smem:$0x3FB8] =	sst s0;
	s0 =	simm.s32 @!p1 $0x0  }
0x14: {  	s2 =	sld [smem:$0x3F9C];
	s0 =	simm.s32 @p1 $0x1  }
0x15: {  	[smem:$0x3FB9] =	sst s0;
	s0 =	simm.s32 @!p2 $0x0  }
0x16: {  	s3 =	sld [smem:$0x3FDB];
	s0 =	simm.s32 @p2 $0x1  }
0x17: {  	s4 =	simm.s32 $0x1BF5;
	[smem:$0x3FBB] =	sst s0  }
0x18: {  	s0 =	sld [smem:$0x3F9E];
	_ =	swait.ge [sflag:s4], $0x0  }
0x19: {  	s7 =	sld [smem:$0x3F9F]  }
0x1a: {  	s8 =	sadd.s32 $0xFFFFE003, lr  }
0x1b: {  	s9 =	sadd.s32 $0xFFFFFEF7, lr;
	s5 =	simm.s32 $0xFFFFFFFF;
	p2 =	slt.u32 s8, $0xFFFFF086  }
0x1c: {  	p1 =	slt.u32 s9, $0xF7A;
	s5 =	simm.s32 @!p2 $0x0  }
0x1d: {  	s5 =	simm.s32 @p1 $0x1;
	p0 =	seq.s32 s7, s2  }
0x1e: {  	s7 =	smul.u32 @!p0 $0xF7A, s2;
	p2 =	seq.s32 @!p0 s5, $0x0  }
0x1f: {  	s9 =	smul.u32 $0xF7A, s1;
	s8 =	simm.s32 @!p0 $0x1BF5;
	p2 =	por !p2, p0  }
0x20: {  	[sflag:s8] =	ssyncset.s32 @!p0 $0xFFFFF086;
	s6 =	sadd.s32 @!p0 s3, s7;
	s7 =	simm.s32 @!p0 $0x108  }
0x21: {  	s3 =	sadd.s32 s3, s9;
	s6 =	sadd.s32 @!p0 $0x88, s6;
	s7 =	simm.s32 @p2 $0x1082  }
0x22: {  	[simem:s7], [sflag:s8] =	dma.local @!p0 [hbm:s6], $0xF7A  }
0x23: {  	s9 =	sor.u32 $0xD0000000, s2;
	s6 =	simm.s32 $0x108;
	_ =	swait.ge @!p0 [sflag:s8], $0x0  }
0x24: {  	s3 =	sadd.s32 $0x88, s3;
	s6 =	simm.s32 @!p1 $0x1082;
	[sflag:s4] =	ssyncset.s32 $0xFFFFF086  }
0x25: {  	[simem:s6], [sflag:s4] =	dma.local [hbm:s3], $0xF7A  }
0x26: {  	[smem:$0x3F9F] =	sst s1;
	(tag) =	ssettag s2;
	_ =	strace s9  }
0x27: {  	s1 =	sld [smem:$0x3FAF]  }
0x28: {  	s2 =	sld [smem:$0x3FB0]  }
0x29: {  	s4 =	sld [smem:$0x3FB2]  }
0x2a: {  	p0 =	seq.s32 s5, $0x0;
	s5 =	sld [smem:$0x3FB3]  }
0x2b: {  	s6 =	sld [smem:$0x3FB4]  }
0x2c: {  	s7 =	sld [smem:$0x3FB5]  }
0x2d: {  	s3 =	simm.s32 $0x108;
	s8 =	sld [smem:$0x3FB6]  }
0x2e: {  	s3 =	simm.s32 @!p0 $0x1082;
	s9 =	sld [smem:$0x3FB7]  }
0x2f: {  	lr =	sadd.s32 s0, s3;
	s0 =	sld [smem:$0x3FAE]  }
0x30: {  	s3 =	sld [smem:$0x3FB1]  }
0x31: {  	[smem:$0x3FBA] =	sst s10  }
0x32: {  	s10 =	sld [smem:$0x3FB8];
	_ =	sdelay $0x3  }
0x33: {  	p0 =	seq.s32 s10, $0x1;
	s10 =	sld [smem:$0x3FBA];
	_ =	sdelay $0x3  }
0x34: {  	[smem:$0x3FBA] =	sst s10  }
0x35: {  	s10 =	sld [smem:$0x3FB9];
	_ =	sdelay $0x3  }
0x36: {  	p1 =	seq.s32 s10, $0x1;
	s10 =	sld [smem:$0x3FBA];
	_ =	sdelay $0x3  }
0x37: {  	[smem:$0x3FBA] =	sst s10  }
0x38: {  	s10 =	sld [smem:$0x3FBB]  }
0x39: {  	_ = 	snop;
	(pc) =	sbr.ind lr, $3  }
0x3a: {  	_ = 	snop  }
0x3b: {  	_ = 	snop  }
0x3c: {  	p2 =	seq.s32 s10, $0x1;
	s10 =	sld [smem:$0x3FBA]  }
0x3d: {  	_ =	shalt  }
0x3e: {  	_ =	shalt  }
0x3f: {  	_ =	shalt  }
0x40: {  	_ =	shalt  }
0x41: {  	_ =	shalt  }
0x42: {  	_ =	shalt  }
0x43: {  	_ =	shalt  }
0x44: {  	_ =	shalt  }
0x45: {  	_ =	shalt  }
0x46: {  	_ =	shalt  }
0x47: {  	_ =	shalt  }
0x48: {  	_ =	shalt  }
0x49: {  	_ =	shalt  }
0x4a: {  	_ =	shalt  }
0x4b: {  	_ =	shalt  }
0x4c: {  	_ =	shalt  }
0x4d: {  	_ =	shalt  }
0x4e: {  	_ =	shalt  }
0x4f: {  	_ =	shalt  }
0x50: {  	_ =	shalt  }
0x51: {  	_ =	shalt  }
0x52: {  	_ =	shalt  }
0x53: {  	_ =	shalt  }
0x54: {  	_ =	shalt  }
0x55: {  	_ =	shalt  }
0x56: {  	_ =	shalt  }
0x57: {  	_ =	shalt  }
0x58: {  	_ =	shalt  }
0x59: {  	_ =	shalt  }
0x5a: {  	_ =	shalt  }
0x5b: {  	_ =	shalt  }
0x5c: {  	_ =	shalt  }
0x5d: {  	_ =	shalt  }
0x5e: {  	_ =	shalt  }
0x5f: {  	_ =	shalt  }
0x60: {  	_ =	shalt  }
0x61: {  	_ =	shalt  }
0x62: {  	_ =	shalt  }
0x63: {  	_ =	shalt  }
0x64: {  	_ =	shalt  }
0x65: {  	_ =	shalt  }
0x66: {  	_ =	shalt  }
0x67: {  	_ =	shalt  }
0x68: {  	_ =	shalt  }
0x69: {  	_ =	shalt  }
0x6a: {  	_ =	shalt  }
0x6b: {  	_ =	shalt  }
0x6c: {  	_ =	shalt  }
0x6d: {  	_ =	shalt  }
0x6e: {  	_ =	shalt  }
0x6f: {  	_ =	shalt  }
0x70: {  	_ =	shalt  }
0x71: {  	_ =	shalt  }
0x72: {  	_ =	shalt  }
0x73: {  	_ =	shalt  }
0x74: {  	_ =	shalt  }
0x75: {  	_ =	shalt  }
0x76: {  	_ =	shalt  }
0x77: {  	_ =	shalt  }
0x78: {  	_ =	shalt  }
0x79: {  	_ =	shalt  }
0x7a: {  	_ =	shalt  }
0x7b: {  	_ =	shalt  }
0x7c: {  	_ =	shalt  }
0x7d: {  	_ =	shalt  }
0x7e: {  	_ =	shalt  }
0x7f: {  	_ =	shalt  }
0x80: {  	_ =	shalt  }
0x81: {  	_ =	shalt  }
0x82: {  	_ =	shalt  }
0x83: {  	_ =	shalt  }
0x84: {  	_ =	shalt  }
0x85: {  	_ =	shalt  }
0x86: {  	_ =	shalt  }
0x87: {  	_ =	shalt  }
.Lfunc_end0:
.L_simem_size_0:
called_computation_lowered:
.L_overlay_start_0:
0x88: {  	s2 =	sld [smem:$0x3FD9]  }
0x89: {  	s3 =	sld [smem:$0x3FFE];
	_ =	sdelay $0x1  }
0x8a: {  	s1 =	srdreg.scid  }
0x8b: {  	s0 =	sand.u32 $0x1, s1  }
0x8c: {  	s17 =	sshll.u32 s0, $0xA;
	s2 =	sadd.s32 s3, s2  }
0x8d: {  	s2 =	sadd.s32 s2, s17  }
0x8e: {  	[smem:$0x3FC6] =	sst s2  }
0x8f: {  	_ = 	snop  }
0x90: {  	s2 =	sld [smem:$0x3FD0];
	(tm) =	ssettm $0x1  }
0x91: {  	s18 =	sld [smem:$0x3FFB];
	_ =	sdelay $0x3  }
0x92: {  	_ =	strace s18  }
0x93: {  	s3 =	sld [smem:$0x3FFC];
	_ =	sdelay $0x3  }
0x94: {  	_ =	strace s3  }
0x95: {  	s3 =	sld [smem:$0x3FFD];
	_ =	sdelay $0x3  }
0x96: {  	_ =	strace s3  }
0x97: {  	_ =	strace $0x8FFFFFFF  }
0x98: {  	s19 =	sld [smem:$0x3FDB];
	_ =	sdelay $0x1  }
0x99: {  	s4 =	simm.s32 $_scs_section_size  }
0x9a: {  	s5 =	simm.s32 $_size__tile_overlayer_lowered;
	s6 =	simm.s32 $_tile_overlayer_lowered  }
0x9b: {  	s22 =	simm.s32 $0x1BFF;
	s21 =	sshll.u32 s6, $0x1;
	s3 =	sadd.s32 s4, s19  }
0x9c: {  	s7 =	simm.s32 $0x0;
	s20 =	sshll.u32 s5, $0x1;
	s5 =	sadd.s32 s21, s3  }
0x9d: {  	[timem:s7], [sflag:s22] =	dma.local [hbm:s5], s20  }
0x9e: {  	_ =	swait.ge [sflag:s22], s20  }
0x9f: {  	s4 =	ssub.s32 $0x0, s20;
	[sflag:s22] =	ssyncset.done $0x0  }
0xa0: {  	[sflag:s22] =	ssyncadd.s32 s4;
	_ =	sdelay $0x1  }
0xa1: {  	s23 =	simm.s32 $0x1B8B  }
0xa2: {  	_ =	swait.ge [sflag:s23], $0x1  }
0xa3: {  	[sflag:s23] =	ssyncset.done $0x0  }
0xa4: {  	s25 =	simm.s32 $0x1B8E;
	s24 =	sld [smem:$0x3FFE];
	[sflag:s23] =	ssyncadd.s32 $0xFFFFFFFF  }
0xa5: {  	s26 =	simm.s32 $execute0_lowered;
	[smem:$0x3FD2] =	sst s25  }
0xa6: {  	s5 =	sshll.u32 s26, $0x1;
	_ =	strace $0x80000046;
	[dreg:$0x1] =	wrdreg $0xFFFFFFFF  }
0xa7: {  	s28 =	simm.s32 $_size_execute0_lowered;
	s3 =	sadd.s32 s3, s5;
	[dreg:$0x0] =	wrdreg $0x0  }
0xa8: {  	s5 =	sshll.u32 s28, $0x1;
	[dreg:$0x2] =	wrdreg s3  }
0xa9: {  	[dreg:$0x3] =	wrdreg s5  }
0xaa: {  	[dreg:$0x4] =	wrdreg $0xC0  }
0xab: {  	_ =	task [dreg:s7], $0x5FFFF  }
0xac: {  	[dreg:$0x1] =	wrdreg $0xFFFFFFFF  }
0xad: {  	[dreg:$0x0] =	wrdreg $0x60  }
0xae: {  	[dreg:$0x2] =	wrdreg s24  }
0xaf: {  	[dreg:$0x3] =	wrdreg s2  }
0xb0: {  	[dreg:$0x4] =	wrdreg $0x9  }
0xb1: {  	_ =	task.clear_ibuf [dreg:s7], $0x5FFFF;
	_ =	strace $0x90000046  }
0xb2: {  	s29 =	simm.s32 $0x9;
	_ =	strace $0x80000048  }
0xb3: {  	_ =	swait.ge [sflag:s29], $0x1  }
0xb4: {  	[sflag:s29] =	ssyncadd.s32 $0xFFFFFFFF  }
0xb5: {  	_ =	strace $0x90000048  }
0xb6: {  	_ =	sfence  }
0xb7: {  	s30 =	sld [smem:$0x0];
	_ =	sdelay $0x2  }
0xb8: {  	s31 =	sshll.u32 s1, $0xD;
	s1 =	sshrl.u32 s1, $0x2  }
0xb9: {  	s3 =	sand.u32 $0x4000, s31;
	s1 =	sadd.s32 s1, s30  }
0xba: {  	s0 =	sor.u32 s3, s0;
	s1 =	sshll.u32 s1, $0x11  }
0xbb: {  	s0 =	sor.u32 s1, s0  }
0xbc: {  	s0 =	sadd.s32 $0x8F2B, s0  }
0xbd: {  	[sflag:s0] =	ssyncadd.remote.s32 $0x1  }
0xbe: {  	_ =	sfence.sel $0xFFFF  }
0xbf: {  	[dreg:$0x0] =	wrdreg $0xFFFFFFFF;
	(pc) =	sbr.abs _section_cstart, $3  }
0xc0: {  	[dreg:$0x1] =	wrdreg $0xFFFFFFFF  }
0xc1: {  	_ =	task.clear_ibuf [dreg:s7], $0x2FFFF;
	_ =	strace $0x9FFFFFFF  }
0xc2: {  	(tm) =	ssettm $0x7FFFFFFF  }
0xc3: {  	_ =	shalt  }
tec
execute0_lowered:
.L_overlay_start_1:
0x0: {  	(tag) =	ssettag $0x1  }
0x1: {  	s0 =	srdreg.scid;
	s2 =	stileid.u32  }
0x2: {  	s1 =	rddreg [dreg:$0x0];
	s8 =	simm.s32 $0x3;
	s9 =	simm.s32 $0x50  }
0x3: {  	s25 =	simm.s32 $0xB400;
	s26 =	simm.s32 $0x2D0;
	s28 =	simm.s32 $0xBE00  }
0x4: {  	s29 =	simm.s32 $0xC800;
	s30 =	simm.s32 $0xD200;
	s31 =	simm.s32 $0xDC00  }
0x5: {  	s10 =	simm.s32 $0xFA00;
	s11 =	simm.s32 $0x10400;
	s12 =	simm.s32 $0x10E00  }
0x6: {  	s13 =	simm.s32 $0x11800;
	s14 =	simm.s32 $0x12200;
	s15 =	simm.s32 $0x1  }
0x7: {  	s16 =	simm.s32 $0x12C00;
	s17 =	simm.s32 $0x2;
	s18 =	simm.s32 $0x0  }
0x8: {  	s0 =	sand.u32 $0x1, s0;
	s3 =	sshll.u32 s2, $0x1;
	s2 =	rddreg [dreg:$0x1]  }
0x9: {  	s6 =	sor.u32 s0, s3;
	s3 =	simm.s32 $0x0;
	s0 =	ssub.s32 $0x2, s0  }
0xa: {  	v0 =	vlaneseq.u32;
	s4 =	smul.u32 $0xC80, s6;
	[smem:$0x7FF] =	sst s3;
	s7 =	sshrl.u32 s0, $0x1  }
0xb: {  	v0 =	vmul.u32 $0x2, v0;
	s6 =	sshll.u32 s6, $0x9;
	_ =	strace $0x80000047;
	s0 =	ssub.s32 s0, s7  }
0xc: {  	s5 =	sadd.s32 s4, s1;
	s4 =	sadd.s32 $0x600, s1;
	s7 =	smax.u32 s0, $0x1  }
0xd: {  	v1 =	vor.u32 $0x1, v0;
	v2 =	vor.u32 $0x20, v0;
	v3 =	vor.u32 $0x21, v0;
	s1 =	simm.s32 $0xE600;
	s0 =	simm.s32 $0xF000;
	s5 =	sadd.s32 $0x62200, s5  }
.LBB2_1:
0xe: {  	[tilespmem:s3], [sflag:$0x3] =	stream.linear.gather [hbm4b:s5+s3], $0x6400, $0x38;
	[tilespmem:$0x12F80] =	vst v63  }
0xf: {  	_ =	swait.ge [sflag:s8], $0x6400  }
0x10: {  	[sflag:s8] =	ssyncset.done $0x0  }
0x11: {  	s19 =	simm.s32 $0x6400;
	[sflag:s8] =	ssyncadd.s32 $0xFFFF9C00  }
0x12: {  	[tilespmem:s19], [sflag:$0x1] =	stream.indirect.gather [hbm4b:s4+s9], $0x20, s3, s9, $0xb8;
	[tilespmem:$0x12F80] =	vst v63  }
0x13: {  	s21 =	simm.s32 $0x6E00  }
0x14: {  	[tilespmem:s21], [sflag:$0x1] =	stream.indirect.gather [hbm4b:s4+s9], $0x20, s9, s9, $0xb8;
	[tilespmem:$0x12F80] =	vst v63  }
0x15: {  	s22 =	simm.s32 $0xA0;
	s20 =	simm.s32 $0x7800  }
0x16: {  	[tilespmem:s20], [sflag:$0x1] =	stream.indirect.gather [hbm4b:s4+s9], $0x20, s22, s9, $0xb8;
	[tilespmem:$0x12F80] =	vst v63  }
0x17: {  	s23 =	simm.s32 $0xF0;
	s24 =	simm.s32 $0x8200  }
0x18: {  	[tilespmem:s24], [sflag:$0x1] =	stream.indirect.gather [hbm4b:s4+s9], $0x20, s23, s9, $0xb8;
	[tilespmem:$0x12F80] =	vst v63  }
0x19: {  	s21 =	simm.s32 $0x140;
	s22 =	simm.s32 $0x8C00  }
0x1a: {  	[tilespmem:s22], [sflag:$0x1] =	stream.indirect.gather [hbm4b:s4+s9], $0x20, s21, s9, $0xb8;
	[tilespmem:$0x12F80] =	vst v63  }
0x1b: {  	s23 =	simm.s32 $0x190;
	s24 =	simm.s32 $0x9600  }
0x1c: {  	[tilespmem:s24], [sflag:$0x1] =	stream.indirect.gather [hbm4b:s4+s9], $0x20, s23, s9, $0xb8;
	[tilespmem:$0x12F80] =	vst v63  }
0x1d: {  	s20 =	simm.s32 $0x1E0;
	s21 =	simm.s32 $0xA000  }
0x1e: {  	[tilespmem:s21], [sflag:$0x1] =	stream.indirect.gather [hbm4b:s4+s9], $0x20, s20, s9, $0xb8;
	[tilespmem:$0x12F80] =	vst v63  }
0x1f: {  	s22 =	simm.s32 $0x230;
	s23 =	simm.s32 $0xAA00  }
0x20: {  	[tilespmem:s23], [sflag:$0x1] =	stream.indirect.gather [hbm4b:s4+s9], $0x20, s22, s9, $0xb8;
	[tilespmem:$0x12F80] =	vst v63  }
0x21: {  	s24 =	simm.s32 $0x280  }
0x22: {  	[tilespmem:s25], [sflag:$0x1] =	stream.indirect.gather [hbm4b:s4+s9], $0x20, s24, s9, $0xb8;
	[tilespmem:$0x12F80] =	vst v63  }
0x23: {  	s19 =	simm.s32 $0x0  }
0x24: {  	[tilespmem:s28], [sflag:$0x1] =	stream.indirect.gather [hbm4b:s4+s9], $0x20, s26, s9, $0xb8;
	[tilespmem:$0x12F80] =	vst v63  }
.LBB2_2:
0x25: {  	s20 =	sshllo.u32 s19, $0x1  }
0x26: {  	s21 =	smul.u32 $0xC80, s20;
	_ =	sdelay $0x1  }
0x27: {  	s21 =	sshra.s32 s21, $0x2  }
0x28: {  	[tilespmem:s29], [sflag:$0x2] =	stream.indirect.gather [hbm4b:s4+s9], $0x20, s21, s9, $0xb8;
	[tilespmem:$0x12F80] =	vst v63  }
0x29: {  	s22 =	sadd.s32 $0x50, s21  }
0x2a: {  	[tilespmem:s30], [sflag:$0x2] =	stream.indirect.gather [hbm4b:s4+s9], $0x20, s22, s9, $0xb8;
	[tilespmem:$0x12F80] =	vst v63  }
0x2b: {  	s24 =	sadd.s32 $0xA0, s21  }
0x2c: {  	[tilespmem:s31], [sflag:$0x2] =	stream.indirect.gather [hbm4b:s4+s9], $0x20, s24, s9, $0xb8;
	[tilespmem:$0x12F80] =	vst v63  }
0x2d: {  	s23 =	sadd.s32 $0xF0, s21  }
0x2e: {  	[tilespmem:s1], [sflag:$0x2] =	stream.indirect.gather [hbm4b:s4+s9], $0x20, s23, s9, $0xb8;
	[tilespmem:$0x12F80] =	vst v63  }
0x2f: {  	s24 =	sadd.s32 $0x140, s21  }
0x30: {  	[tilespmem:s0], [sflag:$0x2] =	stream.indirect.gather [hbm4b:s4+s9], $0x20, s24, s9, $0xb8;
	[tilespmem:$0x12F80] =	vst v63  }
0x31: {  	s23 =	sadd.s32 $0x190, s21  }
0x32: {  	[tilespmem:s10], [sflag:$0x2] =	stream.indirect.gather [hbm4b:s4+s9], $0x20, s23, s9, $0xb8;
	[tilespmem:$0x12F80] =	vst v63  }
0x33: {  	s24 =	sadd.s32 $0x1E0, s21  }
0x34: {  	[tilespmem:s11], [sflag:$0x2] =	stream.indirect.gather [hbm4b:s4+s9], $0x20, s24, s9, $0xb8;
	[tilespmem:$0x12F80] =	vst v63  }
0x35: {  	s23 =	sadd.s32 $0x230, s21  }
0x36: {  	[tilespmem:s12], [sflag:$0x2] =	stream.indirect.gather [hbm4b:s4+s9], $0x20, s23, s9, $0xb8;
	[tilespmem:$0x12F80] =	vst v63  }
0x37: {  	s24 =	sadd.s32 $0x280, s21  }
0x38: {  	[tilespmem:s13], [sflag:$0x2] =	stream.indirect.gather [hbm4b:s4+s9], $0x20, s24, s9, $0xb8;
	[tilespmem:$0x12F80] =	vst v63  }
0x39: {  	s21 =	sadd.s32 $0x2D0, s21  }
0x3a: {  	[tilespmem:s14], [sflag:$0x2] =	stream.indirect.gather [hbm4b:s4+s9], $0x20, s21, s9, $0xb8;
	[tilespmem:$0x12F80] =	vst v63  }
0x3b: {  	_ =	swait.ge [sflag:s15], $0x6400  }
0x3c: {  	[sflag:s15] =	ssyncset.done $0x0  }
0x3d: {  	s22 =	simm.s32 $0x6720;
	s21 =	simm.s32 $0x0;
	[sflag:s15] =	ssyncadd.s32 $0xFFFF9C00  }
.LBB2_3:
0x3e: {  	v4 =	vld [tilespmem:s22+$0xFFFFFCE0]  }
0x3f: {  	v5 =	vld [tilespmem:s22+$0xFFFFFCF0]  }
0x40: {  	v6 =	vld [tilespmem:s22+$0xFFFFFD00]  }
0x41: {  	v7 =	vld [tilespmem:s22+$0xFFFFFD10]  }
0x42: {  	v10 =	vld [tilespmem:s22+$0xFFFFFD20]  }
0x43: {  	v11 =	vld [tilespmem:s22+$0xFFFFFD30]  }
0x44: {  	v13 =	vld [tilespmem:s22+$0xFFFFFD40]  }
0x45: {  	v48 =	vld [tilespmem:s22+$0xFFFFFD50]  }
0x46: {  	v50 =	vld [tilespmem:s22+$0xFFFFFD60]  }
0x47: {  	v52 =	vld [tilespmem:s22+$0xFFFFFD70]  }
0x48: {  	v55 =	vld [tilespmem:s22+$0xFFFFFD80]  }
0x49: {  	v57 =	vld [tilespmem:s22+$0xFFFFFD90]  }
0x4a: {  	v59 =	vld [tilespmem:s22+$0xFFFFFDA0]  }
0x4b: {  	v61 =	vld [tilespmem:s22+$0xFFFFFDB0]  }
0x4c: {  	v63 =	vld [tilespmem:s22+$0xFFFFFDC0]  }
0x4d: {  	v17 =	vld [tilespmem:s22+$0xFFFFFDD0]  }
0x4e: {  	v20 =	vld [tilespmem:s22+$0xFFFFFDE0]  }
0x4f: {  	v22 =	vld [tilespmem:s22+$0xFFFFFDF0];
	v8 =	vunpack.i.u.bf16.f32 v4;
	v4 =	vunpack.i.l.bf16.f32 v4  }
0x50: {  	v24 =	vld [tilespmem:s22+$0xFFFFFE00];
	v9 =	vunpack.i.u.bf16.f32 v5;
	v5 =	vunpack.i.l.bf16.f32 v5;
	v12 =	vunpack.i.l.bf16.f32 v6  }
0x51: {  	v26 =	vld [tilespmem:s22+$0xFFFFFE10];
	v6 =	vunpack.i.u.bf16.f32 v6;
	v47 =	vunpack.i.l.bf16.f32 v7;
	v7 =	vunpack.i.u.bf16.f32 v7  }
0x52: {  	v28 =	vld [tilespmem:s22+$0xFFFFFE20];
	v49 =	vunpack.i.u.bf16.f32 v10;
	v10 =	vunpack.i.l.bf16.f32 v10;
	v51 =	vunpack.i.l.bf16.f32 v11  }
0x53: {  	v30 =	vld [tilespmem:s22+$0xFFFFFE30];
	v11 =	vunpack.i.u.bf16.f32 v11;
	v53 =	vunpack.i.l.bf16.f32 v13;
	v54 =	vunpack.i.u.bf16.f32 v13  }
0x54: {  	v33 =	vld [tilespmem:s22+$0xFFFFFE40];
	v56 =	vunpack.i.u.bf16.f32 v48;
	v58 =	vunpack.i.l.bf16.f32 v50;
	v60 =	vunpack.i.l.bf16.f32 v52  }
0x55: {  	v35 =	vld [tilespmem:s22+$0xFFFFFE50];
	v62 =	vunpack.i.u.bf16.f32 v55;
	v16 =	vunpack.i.l.bf16.f32 v57;
	v18 =	vunpack.i.l.bf16.f32 v59  }
0x56: {  	v37 =	vld [tilespmem:s22+$0xFFFFFE60];
	v19 =	vunpack.i.u.bf16.f32 v59;
	v21 =	vunpack.i.u.bf16.f32 v61;
	v23 =	vunpack.i.l.bf16.f32 v63  }
0x57: {  	v25 =	vunpack.i.l.bf16.f32 v17;
	v27 =	vunpack.i.u.bf16.f32 v20;
	v29 =	vunpack.i.l.bf16.f32 v22  }
0x58: {  	v31 =	vunpack.i.l.bf16.f32 v24;
	v32 =	vunpack.i.u.bf16.f32 v24;
	v34 =	vunpack.i.u.bf16.f32 v26  }
0x59: {  	v36 =	vunpack.i.l.bf16.f32 v28;
	v38 =	vunpack.i.l.bf16.f32 v30;
	v40 =	vunpack.i.u.bf16.f32 v33  }
0x5a: {  	v39 =	vld [tilespmem:s22+$0xFFFFFE70];
	v42 =	vunpack.i.l.bf16.f32 v35;
	v4 =	vadd.f32 $0.0e+00, v4;
	v8 =	vadd.f32 $0.0e+00, v8  }
0x5b: {  	v41 =	vld [tilespmem:s22+$0xFFFFFE80];
	v44 =	vunpack.i.l.bf16.f32 v37;
	v5 =	vadd.f32 $0.0e+00, v5;
	v9 =	vadd.f32 $0.0e+00, v9  }
0x5c: {  	v43 =	vld [tilespmem:s22+$0xFFFFFE90];
	v45 =	vunpack.i.u.bf16.f32 v37;
	v4 =	vadd.f32 v12, v4;
	v6 =	vadd.f32 v6, v8  }
0x5d: {  	v46 =	vld [tilespmem:s22+$0xFFFFFEA0];
	v5 =	vadd.f32 v47, v5;
	v7 =	vadd.f32 v7, v9;
	v8 =	vunpack.i.l.bf16.f32 v48  }
0x5e: {  	v12 =	vunpack.i.u.bf16.f32 v50;
	v9 =	vunpack.i.u.bf16.f32 v52;
	v48 =	vld [tilespmem:s22+$0xFFFFFEB0];
	v4 =	vadd.f32 v10, v4  }
0x5f: {  	v47 =	vunpack.i.u.bf16.f32 v39;
	v50 =	vld [tilespmem:s22+$0xFFFFFEC0];
	v6 =	vadd.f32 v49, v6;
	v5 =	vadd.f32 v51, v5  }
0x60: {  	v7 =	vadd.f32 v11, v7;
	v10 =	vunpack.i.l.bf16.f32 v55;
	v11 =	vunpack.i.u.bf16.f32 v57  }
0x61: {  	v52 =	vld [tilespmem:s22+$0xFFFFFED0];
	v49 =	vunpack.i.l.bf16.f32 v41;
	v4 =	vadd.f32 v53, v4;
	v6 =	vadd.f32 v54, v6  }
0x62: {  	v59 =	vld [tilespmem:s22+$0xFFFFFF00];
	v51 =	vunpack.i.l.bf16.f32 v43;
	v5 =	vadd.f32 v8, v5;
	v7 =	vadd.f32 v56, v7  }
0x63: {  	v8 =	vunpack.i.l.bf16.f32 v61;
	v53 =	vunpack.i.u.bf16.f32 v46;
	v55 =	vunpack.i.l.bf16.f32 v48  }
0x64: {  	v54 =	vld [tilespmem:s22+$0xFFFFFEE0];
	v57 =	vunpack.i.l.bf16.f32 v50;
	v4 =	vadd.f32 v58, v4;
	v6 =	vadd.f32 v12, v6  }
0x65: {  	v56 =	vld [tilespmem:s22+$0xFFFFFEF0];
	v5 =	vadd.f32 v60, v5;
	v7 =	vadd.f32 v9, v7;
	v12 =	vunpack.i.u.bf16.f32 v63  }
0x66: {  	v61 =	vld [tilespmem:s22+$0xFFFFFF10];
	v9 =	vunpack.i.u.bf16.f32 v17;
	v58 =	vunpack.i.u.bf16.f32 v50;
	v60 =	vunpack.i.u.bf16.f32 v52  }
0x67: {  	v63 =	vld [tilespmem:s22+$0xFFFFFF20];
	v17 =	vunpack.i.u.bf16.f32 v59;
	v4 =	vadd.f32 v10, v4;
	v6 =	vadd.f32 v62, v6  }
0x68: {  	v5 =	vadd.f32 v16, v5;
	v7 =	vadd.f32 v11, v7;
	v10 =	vunpack.i.l.bf16.f32 v20  }
0x69: {  	v11 =	vunpack.i.u.bf16.f32 v22;
	v16 =	vld [tilespmem:s22+$0xFFFFFF30];
	v62 =	vunpack.i.l.bf16.f32 v54;
	v4 =	vadd.f32 v18, v4  }
0x6a: {  	v20 =	vld [tilespmem:s22+$0xFFFFFF50];
	v15 =	vunpack.i.l.bf16.f32 v56;
	v6 =	vadd.f32 v19, v6;
	v5 =	vadd.f32 v8, v5  }
0x6b: {  	v7 =	vadd.f32 v21, v7;
	v8 =	vunpack.i.l.bf16.f32 v26;
	v19 =	vunpack.i.l.bf16.f32 v61  }
0x6c: {  	v21 =	vunpack.i.l.bf16.f32 v63;
	v4 =	vadd.f32 v23, v4;
	v6 =	vadd.f32 v12, v6  }
0x6d: {  	v18 =	vld [tilespmem:s22+$0xFFFFFF40];
	v22 =	vunpack.i.u.bf16.f32 v63;
	v5 =	vadd.f32 v25, v5;
	v7 =	vadd.f32 v9, v7  }
0x6e: {  	v12 =	vunpack.i.u.bf16.f32 v28;
	v9 =	vunpack.i.u.bf16.f32 v30;
	v23 =	vld [tilespmem:s22+$0xFFFFFF60];
	v24 =	vunpack.i.u.bf16.f32 v16  }
0x6f: {  	v25 =	vld [tilespmem:s22+$0xFFFFFF70];
	v28 =	vunpack.i.l.bf16.f32 v20;
	v4 =	vadd.f32 v10, v4;
	v6 =	vadd.f32 v27, v6  }
0x70: {  	v5 =	vadd.f32 v29, v5;
	v7 =	vadd.f32 v11, v7;
	v10 =	vunpack.i.l.bf16.f32 v33;
	v27 =	vld [tilespmem:s22+$0xFFFFFF80]  }
0x71: {  	v11 =	vunpack.i.u.bf16.f32 v35;
	v29 =	vld [tilespmem:s22+$0xFFFFFF90];
	v4 =	vadd.f32 v31, v4;
	v6 =	vadd.f32 v32, v6  }
0x72: {  	v33 =	vld [tilespmem:s22+$0xFFFFFFB0];
	v26 =	vunpack.i.l.bf16.f32 v18;
	v5 =	vadd.f32 v8, v5;
	v7 =	vadd.f32 v34, v7  }
0x73: {  	v8 =	vunpack.i.l.bf16.f32 v39;
	v30 =	vunpack.i.u.bf16.f32 v23;
	v4 =	vadd.f32 v36, v4  }
0x74: {  	v32 =	vunpack.i.l.bf16.f32 v25;
	v6 =	vadd.f32 v12, v6;
	v5 =	vadd.f32 v38, v5  }
0x75: {  	v31 =	vld [tilespmem:s22+$0xFFFFFFA0];
	v7 =	vadd.f32 v9, v7;
	v12 =	vunpack.i.u.bf16.f32 v41;
	v9 =	vunpack.i.u.bf16.f32 v43  }
0x76: {  	v36 =	vld [tilespmem:s22+$0xFFFFFFC0];
	v34 =	vunpack.i.l.bf16.f32 v27;
	v35 =	vunpack.i.u.bf16.f32 v27;
	v37 =	vunpack.i.u.bf16.f32 v29  }
0x77: {  	v38 =	vld [tilespmem:s22+$0xFFFFFFD0];
	v41 =	vunpack.i.l.bf16.f32 v33;
	v4 =	vadd.f32 v10, v4;
	v6 =	vadd.f32 v40, v6  }
0x78: {  	v5 =	vadd.f32 v42, v5;
	v7 =	vadd.f32 v11, v7;
	v10 =	vunpack.i.l.bf16.f32 v46;
	v40 =	vld [tilespmem:s22+$0xFFFFFFE0]  }
0x79: {  	v11 =	vunpack.i.u.bf16.f32 v48;
	v42 =	vld [tilespmem:s22+$0xFFFFFFF0];
	v4 =	vadd.f32 v44, v4;
	v6 =	vadd.f32 v45, v6  }
0x7a: {  	v46 =	vld [tilespmem:s22+$0x10];
	v39 =	vunpack.i.l.bf16.f32 v31;
	v5 =	vadd.f32 v8, v5;
	v7 =	vadd.f32 v47, v7  }
0x7b: {  	v8 =	vunpack.i.l.bf16.f32 v52;
	v43 =	vunpack.i.u.bf16.f32 v36;
	v4 =	vadd.f32 v49, v4  }
0x7c: {  	v45 =	vunpack.i.l.bf16.f32 v38;
	v6 =	vadd.f32 v12, v6;
	v5 =	vadd.f32 v51, v5  }
0x7d: {  	v44 =	vld [tilespmem:s22+$0x0];
	v7 =	vadd.f32 v9, v7;
	v12 =	vunpack.i.u.bf16.f32 v54;
	v9 =	vunpack.i.u.bf16.f32 v56  }
0x7e: {  	v49 =	vld [tilespmem:s22+$0x20];
	v47 =	vunpack.i.l.bf16.f32 v40;
	v48 =	vunpack.i.u.bf16.f32 v40;
	v50 =	vunpack.i.u.bf16.f32 v42  }
0x7f: {  	v51 =	vld [tilespmem:s22+$0x30];
	v54 =	vunpack.i.l.bf16.f32 v46;
	v4 =	vadd.f32 v10, v4;
	v6 =	vadd.f32 v53, v6  }
0x80: {  	v5 =	vadd.f32 v55, v5;
	v7 =	vadd.f32 v11, v7;
	v10 =	vunpack.i.l.bf16.f32 v59  }
0x81: {  	v11 =	vunpack.i.u.bf16.f32 v61;
	v53 =	vld [tilespmem:s22+$0x40];
	v4 =	vadd.f32 v57, v4;
	v6 =	vadd.f32 v58, v6  }
0x82: {  	v55 =	vld [tilespmem:s22+$0x50];
	v52 =	vunpack.i.l.bf16.f32 v44;
	v5 =	vadd.f32 v8, v5;
	v7 =	vadd.f32 v60, v7  }
0x83: {  	v59 =	vld [tilespmem:s22+$0x70];
	v8 =	vunpack.i.l.bf16.f32 v16;
	v56 =	vunpack.i.u.bf16.f32 v49;
	v4 =	vadd.f32 v62, v4  }
0x84: {  	v57 =	vld [tilespmem:s22+$0x60];
	v58 =	vunpack.i.l.bf16.f32 v51;
	v6 =	vadd.f32 v12, v6;
	v5 =	vadd.f32 v15, v5  }
0x85: {  	v16 =	vld [tilespmem:s22+$0x90];
	v7 =	vadd.f32 v9, v7;
	v12 =	vunpack.i.u.bf16.f32 v18;
	v9 =	vunpack.i.u.bf16.f32 v20  }
0x86: {  	v62 =	vld [tilespmem:s22+$0x80];
	v60 =	vunpack.i.l.bf16.f32 v53;
	v61 =	vunpack.i.u.bf16.f32 v53;
	v4 =	vadd.f32 v10, v4  }
0x87: {  	v18 =	vld [tilespmem:s22+$0xA0];
	v63 =	vunpack.i.u.bf16.f32 v55;
	v6 =	vadd.f32 v17, v6;
	v5 =	vadd.f32 v19, v5  }
0x88: {  	v7 =	vadd.f32 v11, v7;
	v10 =	vunpack.i.l.bf16.f32 v23;
	v11 =	vunpack.i.u.bf16.f32 v25  }
0x89: {  	v19 =	vunpack.i.l.bf16.f32 v59;
	v17 =	vunpack.i.l.bf16.f32 v57;
	v4 =	vadd.f32 v21, v4  }
0x8a: {  	v20 =	vld [tilespmem:s22+$0xB0];
	v23 =	vunpack.i.l.bf16.f32 v16;
	v6 =	vadd.f32 v22, v6;
	v5 =	vadd.f32 v8, v5  }
0x8b: {  	v7 =	vadd.f32 v24, v7;
	v8 =	vunpack.i.l.bf16.f32 v29;
	v22 =	vld [tilespmem:s22+$0xC0];
	v21 =	vunpack.i.u.bf16.f32 v62  }
0x8c: {  	v24 =	vld [tilespmem:s22+$0xD0];
	v25 =	vunpack.i.l.bf16.f32 v18;
	v4 =	vadd.f32 v26, v4;
	v6 =	vadd.f32 v12, v6  }
0x8d: {  	v29 =	vld [tilespmem:s22+$0xF0];
	v5 =	vadd.f32 v28, v5;
	v7 =	vadd.f32 v9, v7;
	v12 =	vunpack.i.u.bf16.f32 v31  }
0x8e: {  	v27 =	vld [tilespmem:s22+$0xE0];
	v9 =	vunpack.i.u.bf16.f32 v33;
	v26 =	vunpack.i.u.bf16.f32 v18;
	v4 =	vadd.f32 v10, v4  }
0x8f: {  	v28 =	vunpack.i.u.bf16.f32 v20;
	v31 =	vld [tilespmem:s22+$0x100];
	v6 =	vadd.f32 v30, v6;
	v5 =	vadd.f32 v32, v5  }
0x90: {  	v7 =	vadd.f32 v11, v7;
	v10 =	vunpack.i.l.bf16.f32 v36;
	v11 =	vunpack.i.u.bf16.f32 v38  }
0x91: {  	v30 =	vunpack.i.l.bf16.f32 v22;
	v32 =	vunpack.i.l.bf16.f32 v24;
	v4 =	vadd.f32 v34, v4  }
0x92: {  	v33 =	vld [tilespmem:s22+$0x110];
	v36 =	vunpack.i.l.bf16.f32 v29;
	v6 =	vadd.f32 v35, v6;
	v5 =	vadd.f32 v8, v5  }
0x93: {  	v7 =	vadd.f32 v37, v7;
	v8 =	vunpack.i.l.bf16.f32 v42;
	v34 =	vunpack.i.u.bf16.f32 v27;
	v35 =	vld [tilespmem:s22+$0x120]  }
0x94: {  	v37 =	vld [tilespmem:s22+$0x130];
	v38 =	vunpack.i.l.bf16.f32 v31;
	v4 =	vadd.f32 v39, v4;
	v6 =	vadd.f32 v12, v6  }
0x95: {  	v42 =	vld [tilespmem:s22+$0x150];
	v5 =	vadd.f32 v41, v5;
	v7 =	vadd.f32 v9, v7;
	v12 =	vunpack.i.u.bf16.f32 v44  }
0x96: {  	v40 =	vld [tilespmem:s22+$0x140];
	v9 =	vunpack.i.u.bf16.f32 v46;
	v39 =	vunpack.i.u.bf16.f32 v31;
	v4 =	vadd.f32 v10, v4  }
0x97: {  	v41 =	vunpack.i.u.bf16.f32 v33;
	v44 =	vld [tilespmem:s22+$0x160];
	v6 =	vadd.f32 v43, v6;
	v5 =	vadd.f32 v45, v5  }
0x98: {  	v7 =	vadd.f32 v11, v7;
	v10 =	vunpack.i.l.bf16.f32 v49;
	v11 =	vunpack.i.u.bf16.f32 v51  }
0x99: {  	v43 =	vunpack.i.l.bf16.f32 v35;
	v45 =	vunpack.i.l.bf16.f32 v37;
	v4 =	vadd.f32 v47, v4  }
0x9a: {  	v46 =	vld [tilespmem:s22+$0x170];
	v49 =	vunpack.i.l.bf16.f32 v42;
	v6 =	vadd.f32 v48, v6;
	v5 =	vadd.f32 v8, v5  }
0x9b: {  	v7 =	vadd.f32 v50, v7;
	v8 =	vunpack.i.l.bf16.f32 v55;
	v47 =	vunpack.i.u.bf16.f32 v40;
	v48 =	vld [tilespmem:s22+$0x180]  }
0x9c: {  	v50 =	vld [tilespmem:s22+$0x190];
	v51 =	vunpack.i.l.bf16.f32 v44;
	v4 =	vadd.f32 v52, v4;
	v6 =	vadd.f32 v12, v6  }
0x9d: {  	v55 =	vld [tilespmem:s22+$0x1B0];
	v5 =	vadd.f32 v54, v5;
	v7 =	vadd.f32 v9, v7;
	v12 =	vunpack.i.u.bf16.f32 v57  }
0x9e: {  	v53 =	vld [tilespmem:s22+$0x1A0];
	v9 =	vunpack.i.u.bf16.f32 v59;
	v52 =	vunpack.i.u.bf16.f32 v44;
	v4 =	vadd.f32 v10, v4  }
0x9f: {  	v54 =	vunpack.i.u.bf16.f32 v46;
	v57 =	vld [tilespmem:s22+$0x1C0];
	v6 =	vadd.f32 v56, v6;
	v5 =	vadd.f32 v58, v5  }
0xa0: {  	v59 =	vld [tilespmem:s22+$0x1D0];
	v7 =	vadd.f32 v11, v7;
	v10 =	vunpack.i.l.bf16.f32 v62;
	v11 =	vunpack.i.u.bf16.f32 v16  }
0xa1: {  	v56 =	vunpack.i.l.bf16.f32 v48;
	v58 =	vunpack.i.l.bf16.f32 v50;
	v4 =	vadd.f32 v60, v4  }
0xa2: {  	v62 =	vunpack.i.l.bf16.f32 v55;
	v6 =	vadd.f32 v61, v6;
	v5 =	vadd.f32 v8, v5  }
0xa3: {  	v7 =	vadd.f32 v63, v7;
	v8 =	vunpack.i.l.bf16.f32 v20;
	v60 =	vunpack.i.u.bf16.f32 v53  }
0xa4: {  	v61 =	vld [tilespmem:s22+$0x1E0];
	v15 =	vunpack.i.l.bf16.f32 v57;
	v16 =	vunpack.i.u.bf16.f32 v57;
	v4 =	vadd.f32 v17, v4  }
0xa5: {  	v63 =	vld [tilespmem:s22+$0x1F0];
	v18 =	vunpack.i.u.bf16.f32 v59;
	v6 =	vadd.f32 v12, v6;
	v5 =	vadd.f32 v19, v5  }
0xa6: {  	v7 =	vadd.f32 v9, v7;
	v12 =	vunpack.i.u.bf16.f32 v22;
	v17 =	vld [tilespmem:s22+$0x200];
	v4 =	vadd.f32 v10, v4  }
0xa7: {  	v9 =	vunpack.i.u.bf16.f32 v24;
	v19 =	vld [tilespmem:s22+$0x210];
	v6 =	vadd.f32 v21, v6;
	v5 =	vadd.f32 v23, v5  }
0xa8: {  	v7 =	vadd.f32 v11, v7;
	v10 =	vunpack.i.l.bf16.f32 v27;
	v11 =	vunpack.i.u.bf16.f32 v29;
	v21 =	vld [tilespmem:s22+$0x220]  }
0xa9: {  	v23 =	vld [tilespmem:s22+$0x230];
	v20 =	vunpack.i.l.bf16.f32 v61;
	v4 =	vadd.f32 v25, v4;
	v6 =	vadd.f32 v26, v6  }
0xaa: {  	v27 =	vld [tilespmem:s22+$0x250];
	v22 =	vunpack.i.l.bf16.f32 v63;
	v5 =	vadd.f32 v8, v5;
	v7 =	vadd.f32 v28, v7  }
0xab: {  	v8 =	vunpack.i.l.bf16.f32 v33;
	v24 =	vunpack.i.u.bf16.f32 v17;
	v4 =	vadd.f32 v30, v4  }
0xac: {  	v26 =	vunpack.i.l.bf16.f32 v19;
	v6 =	vadd.f32 v12, v6;
	v5 =	vadd.f32 v32, v5  }
0xad: {  	v25 =	vld [tilespmem:s22+$0x240];
	v7 =	vadd.f32 v9, v7;
	v12 =	vunpack.i.u.bf16.f32 v35;
	v9 =	vunpack.i.u.bf16.f32 v37  }
0xae: {  	v30 =	vld [tilespmem:s22+$0x260];
	v28 =	vunpack.i.l.bf16.f32 v21;
	v29 =	vunpack.i.u.bf16.f32 v21;
	v31 =	vunpack.i.u.bf16.f32 v23  }
0xaf: {  	v32 =	vld [tilespmem:s22+$0x270];
	v35 =	vunpack.i.l.bf16.f32 v27;
	v4 =	vadd.f32 v10, v4;
	v6 =	vadd.f32 v34, v6  }
0xb0: {  	v5 =	vadd.f32 v36, v5;
	v7 =	vadd.f32 v11, v7;
	v10 =	vunpack.i.l.bf16.f32 v40  }
0xb1: {  	v11 =	vunpack.i.u.bf16.f32 v42;
	v34 =	vld [tilespmem:s22+$0x280];
	v4 =	vadd.f32 v38, v4;
	v6 =	vadd.f32 v39, v6  }
0xb2: {  	v36 =	vld [tilespmem:s22+$0x290];
	v33 =	vunpack.i.l.bf16.f32 v25;
	v5 =	vadd.f32 v8, v5;
	v7 =	vadd.f32 v41, v7  }
0xb3: {  	v8 =	vunpack.i.l.bf16.f32 v46;
	v37 =	vunpack.i.u.bf16.f32 v30;
	v4 =	vadd.f32 v43, v4  }
0xb4: {  	v40 =	vld [tilespmem:s22+$0x2B0];
	v39 =	vunpack.i.l.bf16.f32 v32;
	v6 =	vadd.f32 v12, v6;
	v5 =	vadd.f32 v45, v5  }
0xb5: {  	v38 =	vld [tilespmem:s22+$0x2A0];
	v7 =	vadd.f32 v9, v7;
	v12 =	vunpack.i.u.bf16.f32 v48;
	v9 =	vunpack.i.u.bf16.f32 v50  }
0xb6: {  	v43 =	vld [tilespmem:s22+$0x2C0];
	v41 =	vunpack.i.l.bf16.f32 v34;
	v42 =	vunpack.i.u.bf16.f32 v34;
	v4 =	vadd.f32 v10, v4  }
0xb7: {  	v45 =	vld [tilespmem:s22+$0x2D0];
	v44 =	vunpack.i.u.bf16.f32 v36;
	v6 =	vadd.f32 v47, v6;
	v5 =	vadd.f32 v49, v5  }
0xb8: {  	v48 =	vld [tilespmem:s22+$0x2E0];
	v7 =	vadd.f32 v11, v7;
	v10 =	vunpack.i.l.bf16.f32 v53;
	v11 =	vunpack.i.u.bf16.f32 v55  }
0xb9: {  	v47 =	vunpack.i.l.bf16.f32 v40;
	v53 =	vmov s21;
	v4 =	vadd.f32 v51, v4  }
0xba: {  	v49 =	vld [tilespmem:s22+$0x2F0];
	v46 =	vunpack.i.l.bf16.f32 v38;
	v6 =	vadd.f32 v52, v6;
	v5 =	vadd.f32 v8, v5  }
0xbb: {  	v55 =	vld [tilespmem:s22+$0x310];
	v7 =	vadd.f32 v54, v7;
	v8 =	vunpack.i.l.bf16.f32 v59;
	v4 =	vadd.f32 v56, v4  }
0xbc: {  	v50 =	vunpack.i.u.bf16.f32 v43;
	v51 =	vunpack.i.u.bf16.f32 v45;
	v6 =	vadd.f32 v12, v6  }
0xbd: {  	v54 =	vunpack.i.l.bf16.f32 v48;
	v5 =	vadd.f32 v58, v5;
	v4 =	vadd.f32 v10, v4  }
0xbe: {  	v7 =	vadd.f32 v9, v7;
	v12 =	vunpack.i.u.bf16.f32 v61;
	v9 =	vunpack.i.u.bf16.f32 v63  }
0xbf: {  	v52 =	vld [tilespmem:s22+$0x300];
	v56 =	vunpack.i.u.bf16.f32 v49;
	v6 =	vadd.f32 v60, v6;
	v4 =	vadd.f32 v15, v4  }
0xc0: {  	v63 =	vunpack.i.u.bf16.f32 v55;
	v5 =	vadd.f32 v62, v5;
	v7 =	vadd.f32 v11, v7  }
0xc1: {  	v10 =	vunpack.i.l.bf16.f32 v17;
	v6 =	vadd.f32 v16, v6;
	v4 =	vadd.f32 v20, v4  }
0xc2: {  	v11 =	vunpack.i.u.bf16.f32 v19;
	v5 =	vadd.f32 v8, v5;
	v7 =	vadd.f32 v18, v7  }
0xc3: {  	v60 =	vunpack.i.l.bf16.f32 v55;
	v6 =	vadd.f32 v12, v6;
	v4 =	vadd.f32 v10, v4  }
0xc4: {  	v58 =	vunpack.i.u.bf16.f32 v52;
	v5 =	vadd.f32 v22, v5;
	v7 =	vadd.f32 v9, v7  }
0xc5: {  	v8 =	vunpack.i.l.bf16.f32 v23;
	v6 =	vadd.f32 v24, v6;
	v4 =	vadd.f32 v28, v4  }
0xc6: {  	v12 =	vunpack.i.u.bf16.f32 v25;
	v5 =	vadd.f32 v26, v5;
	v7 =	vadd.f32 v11, v7  }
0xc7: {  	v9 =	vunpack.i.u.bf16.f32 v27;
	v6 =	vadd.f32 v29, v6;
	v4 =	vadd.f32 v33, v4  }
0xc8: {  	v10 =	vunpack.i.l.bf16.f32 v30;
	v5 =	vadd.f32 v8, v5;
	v7 =	vadd.f32 v31, v7  }
0xc9: {  	v11 =	vunpack.i.u.bf16.f32 v32;
	v6 =	vadd.f32 v12, v6;
	v4 =	vadd.f32 v10, v4  }
0xca: {  	v8 =	vunpack.i.l.bf16.f32 v36;
	v5 =	vadd.f32 v35, v5;
	v7 =	vadd.f32 v9, v7  }
0xcb: {  	v12 =	vunpack.i.u.bf16.f32 v38;
	v6 =	vadd.f32 v37, v6;
	v4 =	vadd.f32 v41, v4  }
0xcc: {  	v9 =	vunpack.i.u.bf16.f32 v40;
	v5 =	vadd.f32 v39, v5;
	v7 =	vadd.f32 v11, v7  }
0xcd: {  	v10 =	vunpack.i.l.bf16.f32 v43;
	v6 =	vadd.f32 v42, v6;
	v4 =	vadd.f32 v46, v4  }
0xce: {  	v11 =	vunpack.i.l.bf16.f32 v45;
	v5 =	vadd.f32 v8, v5;
	v7 =	vadd.f32 v44, v7  }
0xcf: {  	v6 =	vadd.f32 v12, v6;
	v4 =	vadd.f32 v10, v4;
	v10 =	vmul.u32 $0x38, v53  }
0xd0: {  	v8 =	vunpack.i.u.bf16.f32 v48;
	v5 =	vadd.f32 v47, v5;
	v7 =	vadd.f32 v9, v7  }
0xd1: {  	v12 =	vunpack.i.l.bf16.f32 v49;
	v6 =	vadd.f32 v50, v6;
	v57 =	vbroadcast v10, $0x0  }
0xd2: {  	v9 =	vunpack.i.l.bf16.f32 v52;
	v5 =	vadd.f32 v11, v5;
	v4 =	vadd.f32 v54, v4  }
0xd3: {  	v7 =	vadd.f32 v51, v7;
	v6 =	vadd.f32 v8, v6;
	v59 =	vadd.s32 v0, v57  }
0xd4: {  	v5 =	vadd.f32 v12, v5;
	v4 =	vadd.f32 v9, v4;
	v61 =	vadd.s32 v1, v57  }
0xd5: {  	v7 =	vadd.f32 v56, v7;
	v6 =	vadd.f32 v58, v6;
	v62 =	vadd.s32 v2, v57  }
0xd6: {  	p0 =	sne.s32 s21, $0xF;
	v5 =	vadd.f32 v60, v5;
	v8 =	vadd.s32 v3, v57;
	v4 =	vmul.f32 $1.999999960e-02, v4  }
.Ltmp0:
0xd7: {  	v7 =	vadd.f32 v63, v7;
	v6 =	vmul.f32 $1.999999960e-02, v6;
	(pc) =	sbr.rel @p0 .LBB2_3-.Ltmp0, $4  }
0xd8: {  	[tilespmem:v59+s16+$0x0] =	vst.idx.msk $0xffff, v4;
	v4 =	vmul.f32 $1.999999960e-02, v5  }
0xd9: {  	v5 =	vmul.f32 $1.999999960e-02, v7;
	[tilespmem:v61+s16+$0x0] =	vst.idx.msk $0xffff, v6  }
0xda: {  	[tilespmem:v62+s16+$0x0] =	vst.idx.msk $0xfff, v4  }
0xdb: {  	s21 =	sadd.s32 $0x1, s21;
	s22 =	sadd.s32 $0x640, s22;
	[tilespmem:v8+s16+$0x0] =	vst.idx.msk $0xfff, v5  }
0xdc: {  	s21 =	sshll.u32 s19, $0x5  }
0xdd: {  	s21 =	sadd.s32 s6, s21  }
0xde: {  	s21 =	smul.u32 $0x7, s21;
	_ =	sdelay $0x1  }
0xdf: {  	p0 =	seq.s32 s19, $0xF;
	s21 =	sadd.s32 s2, s21  }
0xe0: {  	[hbm4b:s21+s3] =	stream.linear.scatter [tilespmem:s16], [sflag:$0x3], $0x380, $0x38;
	[tilespmem:$0x12F80] =	vst v63  }
0xe1: {  	s21 =	smul.u32 @!p0 $0x1900, s19  }
0xe2: {  	_ =	swait.ge [sflag:s8], $0x380  }
0xe3: {  	s23 =	simm.s32 @!p0 $0x50;
	[sflag:s8] =	ssyncset.done $0x0;
	s21 =	sshra.s32 @!p0 s21, $0x2  }
0xe4: {  	s24 =	simm.s32 @!p0 $0x6400;
	[sflag:s8] =	ssyncadd.s32 $0xFFFFFC80;
	s22 =	sadd.s32 @!p0 $0x640, s21  }
0xe5: {  	[tilespmem:s24], [sflag:$0x1] =	stream.indirect.gather @!p0 [hbm4b:s4+s23], $0x20, s22, s23, $0xb8;
	[tilespmem:$0x12F80] =	vst v63  }
0xe6: {  	s22 =	sadd.s32 @!p0 $0x690, s21;
	s24 =	simm.s32 @!p0 $0x6E00  }
0xe7: {  	[tilespmem:s24], [sflag:$0x1] =	stream.indirect.gather @!p0 [hbm4b:s4+s23], $0x20, s22, s23, $0xb8;
	[tilespmem:$0x12F80] =	vst v63  }
0xe8: {  	s22 =	sadd.s32 @!p0 $0x6E0, s21;
	s24 =	simm.s32 @!p0 $0x7800  }
0xe9: {  	[tilespmem:s24], [sflag:$0x1] =	stream.indirect.gather @!p0 [hbm4b:s4+s23], $0x20, s22, s23, $0xb8;
	[tilespmem:$0x12F80] =	vst v63  }
0xea: {  	s22 =	sadd.s32 @!p0 $0x730, s21;
	s24 =	simm.s32 @!p0 $0x8200  }
0xeb: {  	[tilespmem:s24], [sflag:$0x1] =	stream.indirect.gather @!p0 [hbm4b:s4+s23], $0x20, s22, s23, $0xb8;
	[tilespmem:$0x12F80] =	vst v63  }
0xec: {  	s22 =	sadd.s32 @!p0 $0x780, s21;
	s24 =	simm.s32 @!p0 $0x8C00  }
0xed: {  	[tilespmem:s24], [sflag:$0x1] =	stream.indirect.gather @!p0 [hbm4b:s4+s23], $0x20, s22, s23, $0xb8;
	[tilespmem:$0x12F80] =	vst v63  }
0xee: {  	s22 =	sadd.s32 @!p0 $0x7D0, s21;
	s24 =	simm.s32 @!p0 $0x9600  }
0xef: {  	[tilespmem:s24], [sflag:$0x1] =	stream.indirect.gather @!p0 [hbm4b:s4+s23], $0x20, s22, s23, $0xb8;
	[tilespmem:$0x12F80] =	vst v63  }
0xf0: {  	s22 =	sadd.s32 @!p0 $0x820, s21;
	s24 =	simm.s32 @!p0 $0xA000  }
0xf1: {  	[tilespmem:s24], [sflag:$0x1] =	stream.indirect.gather @!p0 [hbm4b:s4+s23], $0x20, s22, s23, $0xb8;
	[tilespmem:$0x12F80] =	vst v63  }
0xf2: {  	s22 =	sadd.s32 @!p0 $0x870, s21;
	s24 =	simm.s32 @!p0 $0xAA00  }
0xf3: {  	[tilespmem:s24], [sflag:$0x1] =	stream.indirect.gather @!p0 [hbm4b:s4+s23], $0x20, s22, s23, $0xb8;
	[tilespmem:$0x12F80] =	vst v63  }
0xf4: {  	s22 =	sadd.s32 @!p0 $0x8C0, s21;
	s24 =	simm.s32 @!p0 $0xB400  }
0xf5: {  	[tilespmem:s24], [sflag:$0x1] =	stream.indirect.gather @!p0 [hbm4b:s4+s23], $0x20, s22, s23, $0xb8;
	[tilespmem:$0x12F80] =	vst v63  }
0xf6: {  	s21 =	sadd.s32 @!p0 $0x910, s21;
	s22 =	simm.s32 @!p0 $0xBE00  }
0xf7: {  	[tilespmem:s22], [sflag:$0x1] =	stream.indirect.gather @!p0 [hbm4b:s4+s23], $0x20, s21, s23, $0xb8;
	[tilespmem:$0x12F80] =	vst v63  }
0xf8: {  	_ =	swait.ge [sflag:s17], $0x6400  }
0xf9: {  	[sflag:s17] =	ssyncset.done $0x0  }
0xfa: {  	s21 =	simm.s32 $0x0;
	s22 =	simm.s32 $0xCB20;
	[sflag:s17] =	ssyncadd.s32 $0xFFFF9C00  }
.LBB2_5:
0xfb: {  	v4 =	vld [tilespmem:s22+$0xFFFFFCE0]  }
0xfc: {  	v5 =	vld [tilespmem:s22+$0xFFFFFCF0]  }
0xfd: {  	v6 =	vld [tilespmem:s22+$0xFFFFFD00]  }
0xfe: {  	v7 =	vld [tilespmem:s22+$0xFFFFFD10]  }
0xff: {  	v10 =	vld [tilespmem:s22+$0xFFFFFD20]  }
0x100: {  	v11 =	vld [tilespmem:s22+$0xFFFFFD30]  }
0x101: {  	v13 =	vld [tilespmem:s22+$0xFFFFFD40]  }
0x102: {  	v48 =	vld [tilespmem:s22+$0xFFFFFD50]  }
0x103: {  	v50 =	vld [tilespmem:s22+$0xFFFFFD60]  }
0x104: {  	v52 =	vld [tilespmem:s22+$0xFFFFFD70]  }
0x105: {  	v55 =	vld [tilespmem:s22+$0xFFFFFD80]  }
0x106: {  	v57 =	vld [tilespmem:s22+$0xFFFFFD90]  }
0x107: {  	v59 =	vld [tilespmem:s22+$0xFFFFFDA0]  }
0x108: {  	v61 =	vld [tilespmem:s22+$0xFFFFFDB0]  }
0x109: {  	v63 =	vld [tilespmem:s22+$0xFFFFFDC0]  }
0x10a: {  	v17 =	vld [tilespmem:s22+$0xFFFFFDD0]  }
0x10b: {  	v20 =	vld [tilespmem:s22+$0xFFFFFDE0]  }
0x10c: {  	v22 =	vld [tilespmem:s22+$0xFFFFFDF0];
	v8 =	vunpack.i.u.bf16.f32 v4;
	v4 =	vunpack.i.l.bf16.f32 v4  }
0x10d: {  	v24 =	vld [tilespmem:s22+$0xFFFFFE00];
	v9 =	vunpack.i.u.bf16.f32 v5;
	v5 =	vunpack.i.l.bf16.f32 v5;
	v12 =	vunpack.i.l.bf16.f32 v6  }
0x10e: {  	v26 =	vld [tilespmem:s22+$0xFFFFFE10];
	v6 =	vunpack.i.u.bf16.f32 v6;
	v47 =	vunpack.i.l.bf16.f32 v7;
	v7 =	vunpack.i.u.bf16.f32 v7  }
0x10f: {  	v28 =	vld [tilespmem:s22+$0xFFFFFE20];
	v49 =	vunpack.i.u.bf16.f32 v10;
	v10 =	vunpack.i.l.bf16.f32 v10;
	v51 =	vunpack.i.l.bf16.f32 v11  }
0x110: {  	v30 =	vld [tilespmem:s22+$0xFFFFFE30];
	v11 =	vunpack.i.u.bf16.f32 v11;
	v53 =	vunpack.i.l.bf16.f32 v13;
	v54 =	vunpack.i.u.bf16.f32 v13  }
0x111: {  	v33 =	vld [tilespmem:s22+$0xFFFFFE40];
	v56 =	vunpack.i.u.bf16.f32 v48;
	v58 =	vunpack.i.l.bf16.f32 v50;
	v60 =	vunpack.i.l.bf16.f32 v52  }
0x112: {  	v35 =	vld [tilespmem:s22+$0xFFFFFE50];
	v62 =	vunpack.i.u.bf16.f32 v55;
	v16 =	vunpack.i.l.bf16.f32 v57;
	v18 =	vunpack.i.l.bf16.f32 v59  }
0x113: {  	v37 =	vld [tilespmem:s22+$0xFFFFFE60];
	v19 =	vunpack.i.u.bf16.f32 v59;
	v21 =	vunpack.i.u.bf16.f32 v61;
	v23 =	vunpack.i.l.bf16.f32 v63  }
0x114: {  	v25 =	vunpack.i.l.bf16.f32 v17;
	v27 =	vunpack.i.u.bf16.f32 v20;
	v29 =	vunpack.i.l.bf16.f32 v22  }
0x115: {  	v31 =	vunpack.i.l.bf16.f32 v24;
	v32 =	vunpack.i.u.bf16.f32 v24;
	v34 =	vunpack.i.u.bf16.f32 v26  }
0x116: {  	v36 =	vunpack.i.l.bf16.f32 v28;
	v38 =	vunpack.i.l.bf16.f32 v30;
	v40 =	vunpack.i.u.bf16.f32 v33  }
0x117: {  	v39 =	vld [tilespmem:s22+$0xFFFFFE70];
	v42 =	vunpack.i.l.bf16.f32 v35;
	v4 =	vadd.f32 $0.0e+00, v4;
	v8 =	vadd.f32 $0.0e+00, v8  }
0x118: {  	v41 =	vld [tilespmem:s22+$0xFFFFFE80];
	v44 =	vunpack.i.l.bf16.f32 v37;
	v5 =	vadd.f32 $0.0e+00, v5;
	v9 =	vadd.f32 $0.0e+00, v9  }
0x119: {  	v43 =	vld [tilespmem:s22+$0xFFFFFE90];
	v45 =	vunpack.i.u.bf16.f32 v37;
	v4 =	vadd.f32 v12, v4;
	v6 =	vadd.f32 v6, v8  }
0x11a: {  	v46 =	vld [tilespmem:s22+$0xFFFFFEA0];
	v5 =	vadd.f32 v47, v5;
	v7 =	vadd.f32 v7, v9;
	v8 =	vunpack.i.l.bf16.f32 v48  }
0x11b: {  	v12 =	vunpack.i.u.bf16.f32 v50;
	v9 =	vunpack.i.u.bf16.f32 v52;
	v48 =	vld [tilespmem:s22+$0xFFFFFEB0];
	v4 =	vadd.f32 v10, v4  }
0x11c: {  	v47 =	vunpack.i.u.bf16.f32 v39;
	v50 =	vld [tilespmem:s22+$0xFFFFFEC0];
	v6 =	vadd.f32 v49, v6;
	v5 =	vadd.f32 v51, v5  }
0x11d: {  	v7 =	vadd.f32 v11, v7;
	v10 =	vunpack.i.l.bf16.f32 v55;
	v11 =	vunpack.i.u.bf16.f32 v57  }
0x11e: {  	v52 =	vld [tilespmem:s22+$0xFFFFFED0];
	v49 =	vunpack.i.l.bf16.f32 v41;
	v4 =	vadd.f32 v53, v4;
	v6 =	vadd.f32 v54, v6  }
0x11f: {  	v59 =	vld [tilespmem:s22+$0xFFFFFF00];
	v51 =	vunpack.i.l.bf16.f32 v43;
	v5 =	vadd.f32 v8, v5;
	v7 =	vadd.f32 v56, v7  }
0x120: {  	v8 =	vunpack.i.l.bf16.f32 v61;
	v53 =	vunpack.i.u.bf16.f32 v46;
	v55 =	vunpack.i.l.bf16.f32 v48  }
0x121: {  	v54 =	vld [tilespmem:s22+$0xFFFFFEE0];
	v57 =	vunpack.i.l.bf16.f32 v50;
	v4 =	vadd.f32 v58, v4;
	v6 =	vadd.f32 v12, v6  }
0x122: {  	v56 =	vld [tilespmem:s22+$0xFFFFFEF0];
	v5 =	vadd.f32 v60, v5;
	v7 =	vadd.f32 v9, v7;
	v12 =	vunpack.i.u.bf16.f32 v63  }
0x123: {  	v61 =	vld [tilespmem:s22+$0xFFFFFF10];
	v9 =	vunpack.i.u.bf16.f32 v17;
	v58 =	vunpack.i.u.bf16.f32 v50;
	v60 =	vunpack.i.u.bf16.f32 v52  }
0x124: {  	v63 =	vld [tilespmem:s22+$0xFFFFFF20];
	v17 =	vunpack.i.u.bf16.f32 v59;
	v4 =	vadd.f32 v10, v4;
	v6 =	vadd.f32 v62, v6  }
0x125: {  	v5 =	vadd.f32 v16, v5;
	v7 =	vadd.f32 v11, v7;
	v10 =	vunpack.i.l.bf16.f32 v20  }
0x126: {  	v11 =	vunpack.i.u.bf16.f32 v22;
	v16 =	vld [tilespmem:s22+$0xFFFFFF30];
	v62 =	vunpack.i.l.bf16.f32 v54;
	v4 =	vadd.f32 v18, v4  }
0x127: {  	v20 =	vld [tilespmem:s22+$0xFFFFFF50];
	v15 =	vunpack.i.l.bf16.f32 v56;
	v6 =	vadd.f32 v19, v6;
	v5 =	vadd.f32 v8, v5  }
0x128: {  	v7 =	vadd.f32 v21, v7;
	v8 =	vunpack.i.l.bf16.f32 v26;
	v19 =	vunpack.i.l.bf16.f32 v61  }
0x129: {  	v21 =	vunpack.i.l.bf16.f32 v63;
	v4 =	vadd.f32 v23, v4;
	v6 =	vadd.f32 v12, v6  }
0x12a: {  	v18 =	vld [tilespmem:s22+$0xFFFFFF40];
	v22 =	vunpack.i.u.bf16.f32 v63;
	v5 =	vadd.f32 v25, v5;
	v7 =	vadd.f32 v9, v7  }
0x12b: {  	v12 =	vunpack.i.u.bf16.f32 v28;
	v9 =	vunpack.i.u.bf16.f32 v30;
	v23 =	vld [tilespmem:s22+$0xFFFFFF60];
	v24 =	vunpack.i.u.bf16.f32 v16  }
0x12c: {  	v25 =	vld [tilespmem:s22+$0xFFFFFF70];
	v28 =	vunpack.i.l.bf16.f32 v20;
	v4 =	vadd.f32 v10, v4;
	v6 =	vadd.f32 v27, v6  }
0x12d: {  	v5 =	vadd.f32 v29, v5;
	v7 =	vadd.f32 v11, v7;
	v10 =	vunpack.i.l.bf16.f32 v33;
	v27 =	vld [tilespmem:s22+$0xFFFFFF80]  }
0x12e: {  	v11 =	vunpack.i.u.bf16.f32 v35;
	v29 =	vld [tilespmem:s22+$0xFFFFFF90];
	v4 =	vadd.f32 v31, v4;
	v6 =	vadd.f32 v32, v6  }
0x12f: {  	v33 =	vld [tilespmem:s22+$0xFFFFFFB0];
	v26 =	vunpack.i.l.bf16.f32 v18;
	v5 =	vadd.f32 v8, v5;
	v7 =	vadd.f32 v34, v7  }
0x130: {  	v8 =	vunpack.i.l.bf16.f32 v39;
	v30 =	vunpack.i.u.bf16.f32 v23;
	v4 =	vadd.f32 v36, v4  }
0x131: {  	v32 =	vunpack.i.l.bf16.f32 v25;
	v6 =	vadd.f32 v12, v6;
	v5 =	vadd.f32 v38, v5  }
0x132: {  	v31 =	vld [tilespmem:s22+$0xFFFFFFA0];
	v7 =	vadd.f32 v9, v7;
	v12 =	vunpack.i.u.bf16.f32 v41;
	v9 =	vunpack.i.u.bf16.f32 v43  }
0x133: {  	v36 =	vld [tilespmem:s22+$0xFFFFFFC0];
	v34 =	vunpack.i.l.bf16.f32 v27;
	v35 =	vunpack.i.u.bf16.f32 v27;
	v37 =	vunpack.i.u.bf16.f32 v29  }
0x134: {  	v38 =	vld [tilespmem:s22+$0xFFFFFFD0];
	v41 =	vunpack.i.l.bf16.f32 v33;
	v4 =	vadd.f32 v10, v4;
	v6 =	vadd.f32 v40, v6  }
0x135: {  	v5 =	vadd.f32 v42, v5;
	v7 =	vadd.f32 v11, v7;
	v10 =	vunpack.i.l.bf16.f32 v46;
	v40 =	vld [tilespmem:s22+$0xFFFFFFE0]  }
0x136: {  	v11 =	vunpack.i.u.bf16.f32 v48;
	v42 =	vld [tilespmem:s22+$0xFFFFFFF0];
	v4 =	vadd.f32 v44, v4;
	v6 =	vadd.f32 v45, v6  }
0x137: {  	v46 =	vld [tilespmem:s22+$0x10];
	v39 =	vunpack.i.l.bf16.f32 v31;
	v5 =	vadd.f32 v8, v5;
	v7 =	vadd.f32 v47, v7  }
0x138: {  	v8 =	vunpack.i.l.bf16.f32 v52;
	v43 =	vunpack.i.u.bf16.f32 v36;
	v4 =	vadd.f32 v49, v4  }
0x139: {  	v45 =	vunpack.i.l.bf16.f32 v38;
	v6 =	vadd.f32 v12, v6;
	v5 =	vadd.f32 v51, v5  }
0x13a: {  	v44 =	vld [tilespmem:s22+$0x0];
	v7 =	vadd.f32 v9, v7;
	v12 =	vunpack.i.u.bf16.f32 v54;
	v9 =	vunpack.i.u.bf16.f32 v56  }
0x13b: {  	v49 =	vld [tilespmem:s22+$0x20];
	v47 =	vunpack.i.l.bf16.f32 v40;
	v48 =	vunpack.i.u.bf16.f32 v40;
	v50 =	vunpack.i.u.bf16.f32 v42  }
0x13c: {  	v51 =	vld [tilespmem:s22+$0x30];
	v54 =	vunpack.i.l.bf16.f32 v46;
	v4 =	vadd.f32 v10, v4;
	v6 =	vadd.f32 v53, v6  }
0x13d: {  	v5 =	vadd.f32 v55, v5;
	v7 =	vadd.f32 v11, v7;
	v10 =	vunpack.i.l.bf16.f32 v59  }
0x13e: {  	v11 =	vunpack.i.u.bf16.f32 v61;
	v53 =	vld [tilespmem:s22+$0x40];
	v4 =	vadd.f32 v57, v4;
	v6 =	vadd.f32 v58, v6  }
0x13f: {  	v55 =	vld [tilespmem:s22+$0x50];
	v52 =	vunpack.i.l.bf16.f32 v44;
	v5 =	vadd.f32 v8, v5;
	v7 =	vadd.f32 v60, v7  }
0x140: {  	v59 =	vld [tilespmem:s22+$0x70];
	v8 =	vunpack.i.l.bf16.f32 v16;
	v56 =	vunpack.i.u.bf16.f32 v49;
	v4 =	vadd.f32 v62, v4  }
0x141: {  	v57 =	vld [tilespmem:s22+$0x60];
	v58 =	vunpack.i.l.bf16.f32 v51;
	v6 =	vadd.f32 v12, v6;
	v5 =	vadd.f32 v15, v5  }
0x142: {  	v16 =	vld [tilespmem:s22+$0x90];
	v7 =	vadd.f32 v9, v7;
	v12 =	vunpack.i.u.bf16.f32 v18;
	v9 =	vunpack.i.u.bf16.f32 v20  }
0x143: {  	v62 =	vld [tilespmem:s22+$0x80];
	v60 =	vunpack.i.l.bf16.f32 v53;
	v61 =	vunpack.i.u.bf16.f32 v53;
	v4 =	vadd.f32 v10, v4  }
0x144: {  	v18 =	vld [tilespmem:s22+$0xA0];
	v63 =	vunpack.i.u.bf16.f32 v55;
	v6 =	vadd.f32 v17, v6;
	v5 =	vadd.f32 v19, v5  }
0x145: {  	v7 =	vadd.f32 v11, v7;
	v10 =	vunpack.i.l.bf16.f32 v23;
	v11 =	vunpack.i.u.bf16.f32 v25  }
0x146: {  	v19 =	vunpack.i.l.bf16.f32 v59;
	v17 =	vunpack.i.l.bf16.f32 v57;
	v4 =	vadd.f32 v21, v4  }
0x147: {  	v20 =	vld [tilespmem:s22+$0xB0];
	v23 =	vunpack.i.l.bf16.f32 v16;
	v6 =	vadd.f32 v22, v6;
	v5 =	vadd.f32 v8, v5  }
0x148: {  	v7 =	vadd.f32 v24, v7;
	v8 =	vunpack.i.l.bf16.f32 v29;
	v22 =	vld [tilespmem:s22+$0xC0];
	v21 =	vunpack.i.u.bf16.f32 v62  }
0x149: {  	v24 =	vld [tilespmem:s22+$0xD0];
	v25 =	vunpack.i.l.bf16.f32 v18;
	v4 =	vadd.f32 v26, v4;
	v6 =	vadd.f32 v12, v6  }
0x14a: {  	v29 =	vld [tilespmem:s22+$0xF0];
	v5 =	vadd.f32 v28, v5;
	v7 =	vadd.f32 v9, v7;
	v12 =	vunpack.i.u.bf16.f32 v31  }
0x14b: {  	v27 =	vld [tilespmem:s22+$0xE0];
	v9 =	vunpack.i.u.bf16.f32 v33;
	v26 =	vunpack.i.u.bf16.f32 v18;
	v4 =	vadd.f32 v10, v4  }
0x14c: {  	v28 =	vunpack.i.u.bf16.f32 v20;
	v31 =	vld [tilespmem:s22+$0x100];
	v6 =	vadd.f32 v30, v6;
	v5 =	vadd.f32 v32, v5  }
0x14d: {  	v7 =	vadd.f32 v11, v7;
	v10 =	vunpack.i.l.bf16.f32 v36;
	v11 =	vunpack.i.u.bf16.f32 v38  }
0x14e: {  	v30 =	vunpack.i.l.bf16.f32 v22;
	v32 =	vunpack.i.l.bf16.f32 v24;
	v4 =	vadd.f32 v34, v4  }
0x14f: {  	v33 =	vld [tilespmem:s22+$0x110];
	v36 =	vunpack.i.l.bf16.f32 v29;
	v6 =	vadd.f32 v35, v6;
	v5 =	vadd.f32 v8, v5  }
0x150: {  	v7 =	vadd.f32 v37, v7;
	v8 =	vunpack.i.l.bf16.f32 v42;
	v34 =	vunpack.i.u.bf16.f32 v27;
	v35 =	vld [tilespmem:s22+$0x120]  }
0x151: {  	v37 =	vld [tilespmem:s22+$0x130];
	v38 =	vunpack.i.l.bf16.f32 v31;
	v4 =	vadd.f32 v39, v4;
	v6 =	vadd.f32 v12, v6  }
0x152: {  	v42 =	vld [tilespmem:s22+$0x150];
	v5 =	vadd.f32 v41, v5;
	v7 =	vadd.f32 v9, v7;
	v12 =	vunpack.i.u.bf16.f32 v44  }
0x153: {  	v40 =	vld [tilespmem:s22+$0x140];
	v9 =	vunpack.i.u.bf16.f32 v46;
	v39 =	vunpack.i.u.bf16.f32 v31;
	v4 =	vadd.f32 v10, v4  }
0x154: {  	v41 =	vunpack.i.u.bf16.f32 v33;
	v44 =	vld [tilespmem:s22+$0x160];
	v6 =	vadd.f32 v43, v6;
	v5 =	vadd.f32 v45, v5  }
0x155: {  	v7 =	vadd.f32 v11, v7;
	v10 =	vunpack.i.l.bf16.f32 v49;
	v11 =	vunpack.i.u.bf16.f32 v51  }
0x156: {  	v43 =	vunpack.i.l.bf16.f32 v35;
	v45 =	vunpack.i.l.bf16.f32 v37;
	v4 =	vadd.f32 v47, v4  }
0x157: {  	v46 =	vld [tilespmem:s22+$0x170];
	v49 =	vunpack.i.l.bf16.f32 v42;
	v6 =	vadd.f32 v48, v6;
	v5 =	vadd.f32 v8, v5  }
0x158: {  	v7 =	vadd.f32 v50, v7;
	v8 =	vunpack.i.l.bf16.f32 v55;
	v47 =	vunpack.i.u.bf16.f32 v40;
	v48 =	vld [tilespmem:s22+$0x180]  }
0x159: {  	v50 =	vld [tilespmem:s22+$0x190];
	v51 =	vunpack.i.l.bf16.f32 v44;
	v4 =	vadd.f32 v52, v4;
	v6 =	vadd.f32 v12, v6  }
0x15a: {  	v55 =	vld [tilespmem:s22+$0x1B0];
	v5 =	vadd.f32 v54, v5;
	v7 =	vadd.f32 v9, v7;
	v12 =	vunpack.i.u.bf16.f32 v57  }
0x15b: {  	v53 =	vld [tilespmem:s22+$0x1A0];
	v9 =	vunpack.i.u.bf16.f32 v59;
	v52 =	vunpack.i.u.bf16.f32 v44;
	v4 =	vadd.f32 v10, v4  }
0x15c: {  	v54 =	vunpack.i.u.bf16.f32 v46;
	v57 =	vld [tilespmem:s22+$0x1C0];
	v6 =	vadd.f32 v56, v6;
	v5 =	vadd.f32 v58, v5  }
0x15d: {  	v59 =	vld [tilespmem:s22+$0x1D0];
	v7 =	vadd.f32 v11, v7;
	v10 =	vunpack.i.l.bf16.f32 v62;
	v11 =	vunpack.i.u.bf16.f32 v16  }
0x15e: {  	v56 =	vunpack.i.l.bf16.f32 v48;
	v58 =	vunpack.i.l.bf16.f32 v50;
	v4 =	vadd.f32 v60, v4  }
0x15f: {  	v62 =	vunpack.i.l.bf16.f32 v55;
	v6 =	vadd.f32 v61, v6;
	v5 =	vadd.f32 v8, v5  }
0x160: {  	v7 =	vadd.f32 v63, v7;
	v8 =	vunpack.i.l.bf16.f32 v20;
	v60 =	vunpack.i.u.bf16.f32 v53  }
0x161: {  	v61 =	vld [tilespmem:s22+$0x1E0];
	v15 =	vunpack.i.l.bf16.f32 v57;
	v16 =	vunpack.i.u.bf16.f32 v57;
	v4 =	vadd.f32 v17, v4  }
0x162: {  	v63 =	vld [tilespmem:s22+$0x1F0];
	v18 =	vunpack.i.u.bf16.f32 v59;
	v6 =	vadd.f32 v12, v6;
	v5 =	vadd.f32 v19, v5  }
0x163: {  	v7 =	vadd.f32 v9, v7;
	v12 =	vunpack.i.u.bf16.f32 v22;
	v17 =	vld [tilespmem:s22+$0x200];
	v4 =	vadd.f32 v10, v4  }
0x164: {  	v9 =	vunpack.i.u.bf16.f32 v24;
	v19 =	vld [tilespmem:s22+$0x210];
	v6 =	vadd.f32 v21, v6;
	v5 =	vadd.f32 v23, v5  }
0x165: {  	v7 =	vadd.f32 v11, v7;
	v10 =	vunpack.i.l.bf16.f32 v27;
	v11 =	vunpack.i.u.bf16.f32 v29;
	v21 =	vld [tilespmem:s22+$0x220]  }
0x166: {  	v23 =	vld [tilespmem:s22+$0x230];
	v20 =	vunpack.i.l.bf16.f32 v61;
	v4 =	vadd.f32 v25, v4;
	v6 =	vadd.f32 v26, v6  }
0x167: {  	v27 =	vld [tilespmem:s22+$0x250];
	v22 =	vunpack.i.l.bf16.f32 v63;
	v5 =	vadd.f32 v8, v5;
	v7 =	vadd.f32 v28, v7  }
0x168: {  	v8 =	vunpack.i.l.bf16.f32 v33;
	v24 =	vunpack.i.u.bf16.f32 v17;
	v4 =	vadd.f32 v30, v4  }
0x169: {  	v26 =	vunpack.i.l.bf16.f32 v19;
	v6 =	vadd.f32 v12, v6;
	v5 =	vadd.f32 v32, v5  }
0x16a: {  	v25 =	vld [tilespmem:s22+$0x240];
	v7 =	vadd.f32 v9, v7;
	v12 =	vunpack.i.u.bf16.f32 v35;
	v9 =	vunpack.i.u.bf16.f32 v37  }
0x16b: {  	v30 =	vld [tilespmem:s22+$0x260];
	v28 =	vunpack.i.l.bf16.f32 v21;
	v29 =	vunpack.i.u.bf16.f32 v21;
	v31 =	vunpack.i.u.bf16.f32 v23  }
0x16c: {  	v32 =	vld [tilespmem:s22+$0x270];
	v35 =	vunpack.i.l.bf16.f32 v27;
	v4 =	vadd.f32 v10, v4;
	v6 =	vadd.f32 v34, v6  }
0x16d: {  	v5 =	vadd.f32 v36, v5;
	v7 =	vadd.f32 v11, v7;
	v10 =	vunpack.i.l.bf16.f32 v40  }
0x16e: {  	v11 =	vunpack.i.u.bf16.f32 v42;
	v34 =	vld [tilespmem:s22+$0x280];
	v4 =	vadd.f32 v38, v4;
	v6 =	vadd.f32 v39, v6  }
0x16f: {  	v36 =	vld [tilespmem:s22+$0x290];
	v33 =	vunpack.i.l.bf16.f32 v25;
	v5 =	vadd.f32 v8, v5;
	v7 =	vadd.f32 v41, v7  }
0x170: {  	v8 =	vunpack.i.l.bf16.f32 v46;
	v37 =	vunpack.i.u.bf16.f32 v30;
	v4 =	vadd.f32 v43, v4  }
0x171: {  	v40 =	vld [tilespmem:s22+$0x2B0];
	v39 =	vunpack.i.l.bf16.f32 v32;
	v6 =	vadd.f32 v12, v6;
	v5 =	vadd.f32 v45, v5  }
0x172: {  	v38 =	vld [tilespmem:s22+$0x2A0];
	v7 =	vadd.f32 v9, v7;
	v12 =	vunpack.i.u.bf16.f32 v48;
	v9 =	vunpack.i.u.bf16.f32 v50  }
0x173: {  	v43 =	vld [tilespmem:s22+$0x2C0];
	v41 =	vunpack.i.l.bf16.f32 v34;
	v42 =	vunpack.i.u.bf16.f32 v34;
	v4 =	vadd.f32 v10, v4  }
0x174: {  	v45 =	vld [tilespmem:s22+$0x2D0];
	v44 =	vunpack.i.u.bf16.f32 v36;
	v6 =	vadd.f32 v47, v6;
	v5 =	vadd.f32 v49, v5  }
0x175: {  	v48 =	vld [tilespmem:s22+$0x2E0];
	v7 =	vadd.f32 v11, v7;
	v10 =	vunpack.i.l.bf16.f32 v53;
	v11 =	vunpack.i.u.bf16.f32 v55  }
0x176: {  	v47 =	vunpack.i.l.bf16.f32 v40;
	v53 =	vmov s21;
	v4 =	vadd.f32 v51, v4  }
0x177: {  	v49 =	vld [tilespmem:s22+$0x2F0];
	v46 =	vunpack.i.l.bf16.f32 v38;
	v6 =	vadd.f32 v52, v6;
	v5 =	vadd.f32 v8, v5  }
0x178: {  	v55 =	vld [tilespmem:s22+$0x310];
	v7 =	vadd.f32 v54, v7;
	v8 =	vunpack.i.l.bf16.f32 v59;
	v4 =	vadd.f32 v56, v4  }
0x179: {  	v50 =	vunpack.i.u.bf16.f32 v43;
	v51 =	vunpack.i.u.bf16.f32 v45;
	v6 =	vadd.f32 v12, v6  }
0x17a: {  	v54 =	vunpack.i.l.bf16.f32 v48;
	v5 =	vadd.f32 v58, v5;
	v4 =	vadd.f32 v10, v4  }
0x17b: {  	v7 =	vadd.f32 v9, v7;
	v12 =	vunpack.i.u.bf16.f32 v61;
	v9 =	vunpack.i.u.bf16.f32 v63  }
0x17c: {  	v52 =	vld [tilespmem:s22+$0x300];
	v56 =	vunpack.i.u.bf16.f32 v49;
	v6 =	vadd.f32 v60, v6;
	v4 =	vadd.f32 v15, v4  }
0x17d: {  	v63 =	vunpack.i.u.bf16.f32 v55;
	v5 =	vadd.f32 v62, v5;
	v7 =	vadd.f32 v11, v7  }
0x17e: {  	v10 =	vunpack.i.l.bf16.f32 v17;
	v6 =	vadd.f32 v16, v6;
	v4 =	vadd.f32 v20, v4  }
0x17f: {  	v11 =	vunpack.i.u.bf16.f32 v19;
	v5 =	vadd.f32 v8, v5;
	v7 =	vadd.f32 v18, v7  }
0x180: {  	v60 =	vunpack.i.l.bf16.f32 v55;
	v6 =	vadd.f32 v12, v6;
	v4 =	vadd.f32 v10, v4  }
0x181: {  	v58 =	vunpack.i.u.bf16.f32 v52;
	v5 =	vadd.f32 v22, v5;
	v7 =	vadd.f32 v9, v7  }
0x182: {  	v8 =	vunpack.i.l.bf16.f32 v23;
	v6 =	vadd.f32 v24, v6;
	v4 =	vadd.f32 v28, v4  }
0x183: {  	v12 =	vunpack.i.u.bf16.f32 v25;
	v5 =	vadd.f32 v26, v5;
	v7 =	vadd.f32 v11, v7  }
0x184: {  	v9 =	vunpack.i.u.bf16.f32 v27;
	v6 =	vadd.f32 v29, v6;
	v4 =	vadd.f32 v33, v4  }
0x185: {  	v10 =	vunpack.i.l.bf16.f32 v30;
	v5 =	vadd.f32 v8, v5;
	v7 =	vadd.f32 v31, v7  }
0x186: {  	v11 =	vunpack.i.u.bf16.f32 v32;
	v6 =	vadd.f32 v12, v6;
	v4 =	vadd.f32 v10, v4  }
0x187: {  	v8 =	vunpack.i.l.bf16.f32 v36;
	v5 =	vadd.f32 v35, v5;
	v7 =	vadd.f32 v9, v7  }
0x188: {  	v12 =	vunpack.i.u.bf16.f32 v38;
	v6 =	vadd.f32 v37, v6;
	v4 =	vadd.f32 v41, v4  }
0x189: {  	v9 =	vunpack.i.u.bf16.f32 v40;
	v5 =	vadd.f32 v39, v5;
	v7 =	vadd.f32 v11, v7  }
0x18a: {  	v10 =	vunpack.i.l.bf16.f32 v43;
	v6 =	vadd.f32 v42, v6;
	v4 =	vadd.f32 v46, v4  }
0x18b: {  	v11 =	vunpack.i.l.bf16.f32 v45;
	v5 =	vadd.f32 v8, v5;
	v7 =	vadd.f32 v44, v7  }
0x18c: {  	v6 =	vadd.f32 v12, v6;
	v4 =	vadd.f32 v10, v4;
	v10 =	vmul.u32 $0x38, v53  }
0x18d: {  	v8 =	vunpack.i.u.bf16.f32 v48;
	v5 =	vadd.f32 v47, v5;
	v7 =	vadd.f32 v9, v7  }
0x18e: {  	v12 =	vunpack.i.l.bf16.f32 v49;
	v6 =	vadd.f32 v50, v6;
	v57 =	vbroadcast v10, $0x0  }
0x18f: {  	v9 =	vunpack.i.l.bf16.f32 v52;
	v5 =	vadd.f32 v11, v5;
	v4 =	vadd.f32 v54, v4  }
0x190: {  	v7 =	vadd.f32 v51, v7;
	v6 =	vadd.f32 v8, v6;
	v59 =	vadd.s32 v0, v57  }
0x191: {  	v5 =	vadd.f32 v12, v5;
	v4 =	vadd.f32 v9, v4;
	v61 =	vadd.s32 v1, v57  }
0x192: {  	v7 =	vadd.f32 v56, v7;
	v6 =	vadd.f32 v58, v6;
	v62 =	vadd.s32 v2, v57  }
0x193: {  	p0 =	sne.s32 s21, $0xF;
	v5 =	vadd.f32 v60, v5;
	v8 =	vadd.s32 v3, v57;
	v4 =	vmul.f32 $1.999999960e-02, v4  }
.Ltmp1:
0x194: {  	v7 =	vadd.f32 v63, v7;
	v6 =	vmul.f32 $1.999999960e-02, v6;
	(pc) =	sbr.rel @p0 .LBB2_5-.Ltmp1, $4  }
0x195: {  	[tilespmem:v59+s16+$0x0] =	vst.idx.msk $0xffff, v4;
	v4 =	vmul.f32 $1.999999960e-02, v5  }
0x196: {  	v5 =	vmul.f32 $1.999999960e-02, v7;
	[tilespmem:v61+s16+$0x0] =	vst.idx.msk $0xffff, v6  }
0x197: {  	[tilespmem:v62+s16+$0x0] =	vst.idx.msk $0xfff, v4  }
0x198: {  	s21 =	sadd.s32 $0x1, s21;
	s22 =	sadd.s32 $0x640, s22;
	[tilespmem:v8+s16+$0x0] =	vst.idx.msk $0xfff, v5  }
0x199: {  	s20 =	sshll.u32 s20, $0x4  }
0x19a: {  	s20 =	sadd.s32 s6, s20  }
0x19b: {  	s19 =	sadd.s32 $0x1, s19;
	s20 =	smul.u32 $0x7, s20  }
0x19c: {  	p0 =	sne.s32 s19, $0x10  }
.Ltmp2:
0x19d: {  	s20 =	sadd.s32 s2, s20;
	(pc) =	sbr.rel @p0 .LBB2_2-.Ltmp2, $4  }
0x19e: {  	[hbm4b:s20+s3] =	stream.linear.scatter [tilespmem:s16], [sflag:$0x3], $0x380, $0x38;
	[tilespmem:$0x12F80] =	vst v63  }
0x19f: {  	_ =	swait.ge [sflag:s8], $0x380  }
0x1a0: {  	[sflag:s8] =	ssyncset.done $0x0  }
0x1a1: {  	[sflag:s8] =	ssyncadd.s32 $0xFFFFFC80  }
0x1a2: {  	s18 =	sadd.s32 $0x1, s18  }
0x1a3: {  	p0 =	sne.s32 s18, s7  }
.Ltmp3:
0x1a4: {  	_ = 	snop;
	(pc) =	sbr.rel @p0 .LBB2_1-.Ltmp3, $1  }
0x1a5: {  	_ =	sdelay $0x3  }
0x1a6: {  	_ =	sfence.sel $0x180000  }
0x1a7: {  	[bflag:$0x0] =	sbarrier.arrive $0xFFFF  }
0x1a8: {  	_ =	strace $0x90000047  }
0x1a9: {  	s0 =	stileid.u32;
	[bflag:$0x2] =	sbarrier.arrive $0xFFFF  }
0x1aa: {  	p0 =	sne.s32 s0, $0x0;
	s0 =	rddreg [dreg:$0x2]  }
0x1ab: {  	s0 =	sadd.s32 @!p0 $0x100000, s0  }
0x1ac: {  	[sflag:s0] =	ssyncadd.tile.s32 @!p0 $0x1;
	_ =	shalt  }
.Lfunc_end2:
_tile_overlayer_lowered:
.L_overlay_start_2:
0x1ad: {  	(tag) =	ssettag $0x2  }
0x1ae: {  	s0 =	rddreg [dreg:$0x0];
	s2 =	stileid.u32  }
0x1af: {  	s1 =	rddreg [dreg:$0x1];
	p0 =	sne.s32 s2, $0x0  }
0x1b0: {  	s3 =	rddreg [dreg:$0x2];
	[bflag:$0x3] =	sbarrier.arrive $0xFFFF;
	s2 =	simm.s32 @!p0 $0x1C03  }
0x1b1: {  	[timem:s3], [sflag:s2] =	dma.local @!p0 [hbm:s0], s1  }
0x1b2: {  	s0 =	simm.s32 @!p0 $0x3  }
0x1b3: {  	_ =	swait.ge @!p0 [sflag:s0], s1  }
0x1b4: {  	s1 =	ssub.s32 @!p0 $0x0, s1;
	[sflag:s0] =	ssyncset.done @!p0 $0x0  }
0x1b5: {  	[sflag:s0] =	ssyncadd.s32 @!p0 s1  }
0x1b6: {  	[bflag:$0x3] =	sbarrier.arrive $0xFFFF  }
0x1b7: {  	_ =	shalt  }

</sc_bundles>
